<compile_context>
chip_gen: v7x
topology: tpu7x:2x2x1
jax: 0.10.2.dev20260603
libtpu: 0.0.44.dev20260713+nightly
codegen_flags: <defaults>
</compile_context>

<pallas_src>
import functools

import jax
import jax.numpy as jnp
from jax import lax
from jax.experimental import pallas as pl
from jax.experimental.pallas import tpu as pltpu
from jax.experimental.pallas import tpu_sc as plsc

N = 10000
E = 160000
F_IN = 256
F_HID = 256
F_OUT = 40

NP_ = 10240
EP = 163840
NC = 2
NS = 16
L = 16
K = 128
EC = EP // NC
ES = EC // NS
NCHUNK = ES // K
ROWS = NP_ // NS
BM = 1024
F2P = 128


def _sc_scatter_sum(D, gather, n0=NCHUNK, n1=NCHUNK, ntables=1):
    mesh = plsc.VectorSubcoreMesh(core_axis_name="c", subcore_axis_name="s")
    CROWS = max(n0, n1)
    NBUF = 2
    assert n0 % NBUF == 0 and n1 % NBUF == 0

    scratch = []
    if gather:
        scratch.append(pltpu.VMEM((CROWS, K), jnp.int32))
    scratch += [pltpu.VMEM((K,), jnp.int32) for _ in range(NBUF)]
    if gather:
        scratch += [pltpu.VMEM((K, D), jnp.float32) for _ in range(NBUF)]
    else:
        scratch += [pltpu.VMEM((K, D), jnp.float32),
                    pltpu.VMEM((K, D), jnp.float32)]
    scratch.append(pltpu.VMEM_SHARED((NP_, D), jnp.float32))
    scratch += [pltpu.SemaphoreType.DMA for _ in range(NBUF)]
    if gather:
        scratch += [pltpu.SemaphoreType.DMA for _ in range(NBUF)]

    def body(*refs):
        if gather:
            tables = refs[:ntables]
            src_hbm, dst_hbm = refs[ntables:ntables + 2]
            outs = refs[ntables + 2:2 * ntables + 2]
            rest = refs[2 * ntables + 2:]
            sidx, rest = rest[0], rest[1:]
        else:
            dst_hbm, out_hbm = refs[:2]
            tables, outs = (None,), (out_hbm,)
            rest = refs[2:]
        didx, rest = rest[:NBUF], rest[NBUF:]
        if gather:
            rows, rest = rest[:NBUF], rest[NBUF:]
            zbuf = rows[0]
        else:
            ones, zbuf = rest[0], rest[1]
            rest = rest[2:]
        acc, rest = rest[0], rest[1:]
        dsem, rest = rest[:NBUF], rest[NBUF:]
        gsem = rest[:NBUF] if gather else None

        c = lax.axis_index("c")
        s = lax.axis_index("s")
        row0 = jnp.where(c == 0, s * n0, NS * n0 + s * n1)
        nchunks = jnp.where(c == 0, n0, n1)

        if not gather:
            @pl.loop(0, K)
            def _(r):
                @pl.loop(0, D, step=L)
                def _(f):
                    ones.at[r, pl.ds(f, L)][...] = jnp.ones((L,), jnp.float32)

        if gather:
            @pl.when(nchunks > 0)
            def _():
                pltpu.sync_copy(src_hbm.at[pl.ds(row0, CROWS)], sidx)

        for table_hbm, out_hbm in zip(tables, outs):
            @pl.loop(0, K)
            def _(r):
                @pl.loop(0, D, step=L)
                def _(f):
                    zbuf.at[r, pl.ds(f, L)][...] = jnp.zeros((L,),
                                                             jnp.float32)

            @pl.loop(0, ROWS, step=K)
            def _(r0):
                pltpu.sync_copy(zbuf, acc.at[pl.ds(s * ROWS + r0, K)])

            @pl.when(nchunks > 0)
            def _():
                for b in range(NBUF):
                    @pl.when(nchunks > b)
                    def _(b=b):
                        pltpu.async_copy(dst_hbm.at[row0 + b], didx[b],
                                         dsem[b])
                        if gather:
                            pltpu.async_copy(table_hbm.at[sidx.at[b]],
                                             rows[b], gsem[b])

            plsc.subcore_barrier()

            def chunk_group(i, carry):
                j = i * NBUF
                for b in range(NBUF):
                    jj = j + b
                    pltpu.make_async_copy(dst_hbm.at[row0 + jj], didx[b],
                                          dsem[b]).wait()
                    if gather:
                        pltpu.make_async_copy(table_hbm.at[sidx.at[jj]],
                                              rows[b], gsem[b]).wait()
                        rbuf = rows[b]
                    else:
                        rbuf = ones
                    pltpu.sync_copy(rbuf, acc.at[didx[b]], add=True)

                    @pl.when(jj + NBUF < nchunks)
                    def _(b=b, jj=jj, rbuf=rbuf):
                        pltpu.async_copy(dst_hbm.at[row0 + jj + NBUF],
                                         didx[b], dsem[b])
                        if gather:
                            pltpu.async_copy(
                                table_hbm.at[sidx.at[jj + NBUF]], rbuf,
                                gsem[b])
                return carry

            lax.fori_loop(0, nchunks // NBUF, chunk_group, 0)

            plsc.subcore_barrier()
            pltpu.sync_copy(acc.at[pl.ds(s * ROWS, ROWS)],
                            out_hbm.at[pl.ds(c * NP_ + s * ROWS, ROWS)])

    out_t = jax.ShapeDtypeStruct((NC * NP_, D), jnp.float32)
    return functools.partial(
        pl.kernel,
        out_type=[out_t] * ntables if (gather and ntables > 1) else out_t,
        mesh=mesh,
        scratch_types=scratch,
    )(body)


_deg_kernel = None
_agg128_kernel = None
_agg2x_kernel = None


def _get_sc_kernels():
    global _deg_kernel, _agg128_kernel, _agg2x_kernel
    if _deg_kernel is None:
        _deg_kernel = _sc_scatter_sum(128, gather=False)
        _agg128_kernel = _sc_scatter_sum(128, gather=True, n0=72, n1=8)
        _agg2x_kernel = _sc_scatter_sum(128, gather=True, n0=72, n1=8,
                                        ntables=2)
    return _deg_kernel, _agg128_kernel, _agg2x_kernel


def _mm1_body(x_ref, w_ref, o_ref):
    o_ref[...] = jnp.dot(x_ref[...], w_ref[...],
                         preferred_element_type=jnp.float32)


def _scale_body(h_ref, da_ref, db_ref, dis_ref, ha_ref, hb_ref):
    deg = da_ref[:, 0:1] + db_ref[:, 0:1] + 1.0
    dis = lax.rsqrt(deg)
    dis_ref[...] = dis
    hs = h_ref[...] * dis
    ha_ref[...] = hs[:, :128]
    hb_ref[...] = hs[:, 128:]


def _layer2_body(agga_ref, aggb_ref, ha_ref, hb_ref, dis_ref, b1_ref, w2_ref,
                 o_ref):
    agg_a = agga_ref[0] + agga_ref[1] + ha_ref[...]
    agg_b = aggb_ref[0] + aggb_ref[1] + hb_ref[...]
    dis = dis_ref[...]
    pre = jnp.concatenate([agg_a, agg_b], axis=1) * dis + b1_ref[...]
    out1 = jnp.maximum(pre, 0.0)
    h2 = jnp.dot(out1, w2_ref[...], preferred_element_type=jnp.float32)
    o_ref[...] = h2 * dis


def _out_body(agg_ref, h2s_ref, dis_ref, b2_ref, o_ref):
    tot = (agg_ref[0] + agg_ref[1] + h2s_ref[...]) * dis_ref[...] + b2_ref[...]
    col = lax.broadcasted_iota(jnp.int32, tot.shape, 1)
    valid = col < F_OUT
    masked = jnp.where(valid, tot, -jnp.inf)
    m = jnp.max(masked, axis=1, keepdims=True)
    ex = jnp.where(valid, jnp.exp(tot - m), 0.0)
    lse = jnp.log(jnp.sum(ex, axis=1, keepdims=True))
    o_ref[...] = (tot - m - lse)[:, :F_OUT]


def kernel(x, edge_index, W1, b1, W2, b2):
    deg_k, agg128_k, agg2x_k = _get_sc_kernels()

    pad_ids = jnp.full((EP - E,), N, dtype=jnp.int32)
    over = jnp.full((64, K), N, dtype=jnp.int32)
    srcp = jnp.concatenate(
        [jnp.concatenate([edge_index[0], pad_ids]).reshape(EP // K, K), over])
    dstp = jnp.concatenate(
        [jnp.concatenate([edge_index[1], pad_ids]).reshape(EP // K, K), over])
    x_pad = jnp.pad(x, ((0, NP_ - N), (0, 0)))
    W2p = jnp.pad(W2, ((0, 0), (0, F2P - F_OUT)))
    b1r = b1.reshape(1, F_HID)
    b2r = jnp.pad(b2, (0, F2P - F_OUT)).reshape(1, F2P)

    grid = (NP_ // BM,)

    deg2 = deg_k(dstp).reshape(NC, NP_, 128)

    h1 = pl.pallas_call(
        _mm1_body,
        grid=grid,
        in_specs=[
            pl.BlockSpec((BM, F_IN), lambda i: (i, 0)),
            pl.BlockSpec((F_IN, F_HID), lambda i: (0, 0)),
        ],
        out_specs=pl.BlockSpec((BM, F_HID), lambda i: (i, 0)),
        out_shape=jax.ShapeDtypeStruct((NP_, F_HID), jnp.float32),
    )(x_pad, W1)

    dis, h1sa, h1sb = pl.pallas_call(
        _scale_body,
        grid=grid,
        in_specs=[
            pl.BlockSpec((BM, F_HID), lambda i: (i, 0)),
            pl.BlockSpec((BM, 128), lambda i: (i, 0)),
            pl.BlockSpec((BM, 128), lambda i: (i, 0)),
        ],
        out_specs=[
            pl.BlockSpec((BM, 1), lambda i: (i, 0)),
            pl.BlockSpec((BM, 128), lambda i: (i, 0)),
            pl.BlockSpec((BM, 128), lambda i: (i, 0)),
        ],
        out_shape=[
            jax.ShapeDtypeStruct((NP_, 1), jnp.float32),
            jax.ShapeDtypeStruct((NP_, 128), jnp.float32),
            jax.ShapeDtypeStruct((NP_, 128), jnp.float32),
        ],
    )(h1, deg2[0], deg2[1])

    agga, aggb = agg2x_k(h1sa, h1sb, srcp, dstp)
    agga = agga.reshape(NC, NP_, 128)
    aggb = aggb.reshape(NC, NP_, 128)

    h2s = pl.pallas_call(
        _layer2_body,
        grid=grid,
        in_specs=[
            pl.BlockSpec((NC, BM, 128), lambda i: (0, i, 0)),
            pl.BlockSpec((NC, BM, 128), lambda i: (0, i, 0)),
            pl.BlockSpec((BM, 128), lambda i: (i, 0)),
            pl.BlockSpec((BM, 128), lambda i: (i, 0)),
            pl.BlockSpec((BM, 1), lambda i: (i, 0)),
            pl.BlockSpec((1, F_HID), lambda i: (0, 0)),
            pl.BlockSpec((F_HID, F2P), lambda i: (0, 0)),
        ],
        out_specs=pl.BlockSpec((BM, F2P), lambda i: (i, 0)),
        out_shape=jax.ShapeDtypeStruct((NP_, F2P), jnp.float32),
    )(agga, aggb, h1sa, h1sb, dis, b1r, W2p)

    agg2 = agg128_k(h2s, srcp, dstp).reshape(NC, NP_, F2P)

    BO = 1000
    out = pl.pallas_call(
        _out_body,
        grid=(N // BO,),
        in_specs=[
            pl.BlockSpec((NC, BO, F2P), lambda i: (0, i, 0)),
            pl.BlockSpec((BO, F2P), lambda i: (i, 0)),
            pl.BlockSpec((BO, 1), lambda i: (i, 0)),
            pl.BlockSpec((1, F2P), lambda i: (0, 0)),
        ],
        out_specs=pl.BlockSpec((BO, F_OUT), lambda i: (i, 0)),
        out_shape=jax.ShapeDtypeStruct((N, F_OUT), jnp.float32),
    )(agg2, h2s, dis, b2r)

    return out

# --- scband reference (transcript-rebuilt; emitter-appended) ---
"""Pipeline reference for scband-gcn-9320079032643 (READ-ONLY COPY).

The authoritative reference and input builder live on the scoring server;
editing this copy changes nothing except your own understanding.
"""

import jax, jax.numpy as jnp
import numpy as np

N = 10000
E = 160000
F_IN = 256
F_HID = 256
F_OUT = 40


def setup_inputs(seed: int = 0) -> dict:
    key = jax.random.key(seed)
    k1, k2, k3, k4, k5, k6 = jax.random.split(key, 6)
    x = jax.random.normal(k1, (N, F_IN), dtype=jnp.float32)
    edge_index = jax.random.randint(k2, (2, E), 0, N, dtype=jnp.int32)
    W1 = jax.random.normal(k3, (F_IN, F_HID), dtype=jnp.float32) * (1.0 / np.sqrt(F_IN))
    b1 = jnp.zeros((F_HID,), dtype=jnp.float32)
    W2 = jax.random.normal(k4, (F_HID, F_OUT), dtype=jnp.float32) * (1.0 / np.sqrt(F_HID))
    b2 = jnp.zeros((F_OUT,), dtype=jnp.float32)
    return {"x": x, "edge_index": edge_index, "W1": W1, "b1": b1, "W2": W2, "b2": b2}


def gcn_layer(x, edge_index, W, b):
    # PyG GCNConv: add self-loops, symmetric normalization D^-1/2 (A+I) D^-1/2 X W + b
    n = x.shape[0]
    src = edge_index[0]
    dst = edge_index[1]
    loop = jnp.arange(n, dtype=src.dtype)
    src = jnp.concatenate([src, loop])
    dst = jnp.concatenate([dst, loop])
    deg = jnp.zeros((n,), dtype=x.dtype).at[dst].add(1.0)
    deg_inv_sqrt = jnp.where(deg > 0, jax.lax.rsqrt(jnp.maximum(deg, 1e-12)), 0.0)
    norm = deg_inv_sqrt[src] * deg_inv_sqrt[dst]
    h = x @ W
    msg = h[src] * norm[:, None]
    out = jnp.zeros((n, W.shape[1]), dtype=x.dtype).at[dst].add(msg)
    return out + b


def reference(x, edge_index, W1, b1, W2, b2):
    h = jax.nn.relu(gcn_layer(x, edge_index, W1, b1))
    # F.dropout with training=False is identity (eval-mode reference)
    out = gcn_layer(h, edge_index, W2, b2)
    return jax.nn.log_softmax(out, axis=1)

if __name__ == "__main__":
    import jax
    _d = setup_inputs()
    print(jax.jit(kernel)(*tuple(_d.values())))

</pallas_src>

<mosaic_0001>
#map = affine_map<(d0, d1) -> (0, 0)>
module attributes {stable_mosaic.version = 14 : i64} {
  func.func @body(%arg0: i32, %arg1: i32, %arg2: memref<10240x128xf32, #tpu.memory_space<hbm>>, %arg3: memref<1344x128xi32, #tpu.memory_space<hbm>>, %arg4: memref<1344x128xi32, #tpu.memory_space<hbm>>, %arg5: memref<20480x128xf32, #tpu.memory_space<hbm>>, %arg6: memref<72x128xi32, #tpu.memory_space<vmem>>, %arg7: memref<128xi32, #tpu.memory_space<vmem>>, %arg8: memref<128xi32, #tpu.memory_space<vmem>>, %arg9: memref<128x128xf32, #tpu.memory_space<vmem>>, %arg10: memref<128x128xf32, #tpu.memory_space<vmem>>, %arg11: memref<10240x128xf32, #tpu.memory_space<vmem_shared>>, %arg12: memref<!tpu.dma_semaphore, #tpu.memory_space<semaphore_mem>>, %arg13: memref<!tpu.dma_semaphore, #tpu.memory_space<semaphore_mem>>, %arg14: memref<!tpu.dma_semaphore, #tpu.memory_space<semaphore_mem>>, %arg15: memref<!tpu.dma_semaphore, #tpu.memory_space<semaphore_mem>>) attributes {dimension_semantics = [#tpu.dimension_semantics<core_parallel>, #tpu.dimension_semantics<subcore_parallel>], iteration_bounds = array<i64: 2, 16>, scalar_prefetch = 0 : i64, scratch_operands = 10 : i64, tpu.core_type = #tpu.core_type<sc_vector_subcore>, window_params = [{transform_indices = #map}, {transform_indices = #map}, {transform_indices = #map}, {transform_indices = #map}]} {
    %eq3A = arith.constant 0 : i32
    %eq3A_0 = arith.cmpi eq, %arg0, %eq3A : i32
    %mul3A = arith.constant 72 : i32
    %mul3A_1 = arith.muli %arg1, %mul3A : i32
    %mul3A_2 = arith.constant 8 : i32
    %mul3A_3 = arith.muli %arg1, %mul3A_2 : i32
    %add3A = arith.constant 1152 : i32
    %add3A_4 = arith.addi %add3A, %mul3A_3 : i32
    %select_n3A = arith.select %eq3A_0, %mul3A_1, %add3A_4 : i32
    %eq3A_5 = arith.constant 0 : i32
    %eq3A_6 = arith.cmpi eq, %arg0, %eq3A_5 : i32
    %jit3A = arith.constant 72 : i32
    %jit3A_7 = arith.constant 8 : i32
    %select_n3A_8 = arith.select %eq3A_6, %jit3A, %jit3A_7 : i32
    %gt3A = arith.constant 0 : i32
    %gt3A_9 = arith.cmpi sgt, %select_n3A_8, %gt3A : i32
    %convert_element_type3A = arith.extui %gt3A_9 : i1 to i32
    %cond3A = arith.constant 0 : i32
    %cond3A_10 = arith.cmpi ne, %convert_element_type3A, %cond3A : i32
    scf.if %cond3A_10 {
      "tpu.region"() ({
        %run_scoped3A = tpu.sem_alloc : memref<!tpu.dma_semaphore, #tpu.memory_space<semaphore_mem>>
        %dma_start3A = arith.constant 0 : i32
        %dma_start3A_60 = tpu.memref_slice %arg3[%select_n3A, %dma_start3A] : memref<1344x128xi32, #tpu.memory_space<hbm>> -> memref<72x128xi32, #tpu.memory_space<hbm>>
        %dma_start3A_61 = arith.constant 0 : i32
        %dma_start3A_62 = tpu.memref_slice %arg3[%select_n3A, %dma_start3A_61] : memref<1344x128xi32, #tpu.memory_space<hbm>> -> memref<72x128xi32, #tpu.memory_space<hbm>>
        tpu.enqueue_dma source(%dma_start3A_62 : memref<72x128xi32, #tpu.memory_space<hbm>>) target(%arg6 : memref<72x128xi32, #tpu.memory_space<vmem>>) target_semaphore(%run_scoped3A : memref<!tpu.dma_semaphore, #tpu.memory_space<semaphore_mem>>)
        %dma_wait3A = arith.constant 0 : i32
        %dma_wait3A_63 = tpu.memref_slice %arg3[%select_n3A, %dma_wait3A] : memref<1344x128xi32, #tpu.memory_space<hbm>> -> memref<72x128xi32, #tpu.memory_space<hbm>>
        %dma_wait3A_64 = arith.constant 0 : i32
        %dma_wait3A_65 = tpu.memref_slice %arg3[%select_n3A, %dma_wait3A_64] : memref<1344x128xi32, #tpu.memory_space<hbm>> -> memref<72x128xi32, #tpu.memory_space<hbm>>
        tpu.wait_dma2 semaphore(%run_scoped3A : memref<!tpu.dma_semaphore, #tpu.memory_space<semaphore_mem>>) src(%dma_wait3A_65 : memref<72x128xi32, #tpu.memory_space<hbm>>) dst(%arg6 : memref<72x128xi32, #tpu.memory_space<vmem>>)
        tpu.yield
      }) : () -> ()
    } else {
    }
    %scan3A = arith.constant 0 : i32
    %scan3A_11 = arith.constant 128 : i32
    %scan3A_12 = arith.addi %scan3A, %scan3A_11 : i32
    %scan3A_13 = arith.constant 1 : i32
    scf.for %scan3A_60 = %scan3A to %scan3A_12 step %scan3A_13  : i32 {
      %mul3A_61 = arith.constant 1 : i32
      %mul3A_62 = arith.muli %scan3A_60, %mul3A_61 : i32
      %add3A_63 = arith.constant 0 : i32
      %add3A_64 = arith.addi %add3A_63, %mul3A_62 : i32
      %scan3A_65 = arith.constant 0 : i32
      %scan3A_66 = arith.constant 8 : i32
      %scan3A_67 = arith.addi %scan3A_65, %scan3A_66 : i32
      %scan3A_68 = arith.constant 1 : i32
      scf.for %scan3A_70 = %scan3A_65 to %scan3A_67 step %scan3A_68  : i32 {
        %mul3A_71 = arith.constant 16 : i32
        %mul3A_72 = arith.muli %scan3A_70, %mul3A_71 : i32
        %add3A_73 = arith.constant 0 : i32
        %add3A_74 = arith.addi %add3A_73, %mul3A_72 : i32
        %broadcast_in_dim3A = arith.constant 0.000000e+00 : f32
        %broadcast_in_dim3A_75 = vector.broadcast %broadcast_in_dim3A : f32 to vector<16xf32>
        %swap3A = arith.index_cast %add3A_64 : i32 to index
        %swap3A_76 = arith.index_cast %add3A_74 : i32 to index
        %swap3A_77 = tpu.vector_load %arg9[%swap3A, %swap3A_76] {strides = array<i32>} : memref<128x128xf32, #tpu.memory_space<vmem>>, vector<1x16xf32>,
        %swap3A_78 = vector.shape_cast %swap3A_77 : vector<1x16xf32> to vector<16xf32>
        %swap3A_79 = vector.shape_cast %broadcast_in_dim3A_75 : vector<16xf32> to vector<1x16xf32>
        tpu.vector_store %arg9[%swap3A, %swap3A_76], %swap3A_79 {strides = array<i32>} : memref<128x128xf32, #tpu.memory_space<vmem>>, vector<1x16xf32>,
      }
      %scan3A_69 = arith.constant 8 : i32
    }
    %scan3A_14 = arith.constant 128 : i32
    %scan3A_15 = arith.constant 0 : i32
    %scan3A_16 = arith.constant 5 : i32
    %scan3A_17 = arith.addi %scan3A_15, %scan3A_16 : i32
    %scan3A_18 = arith.constant 1 : i32
    scf.for %scan3A_60 = %scan3A_15 to %scan3A_17 step %scan3A_18  : i32 {
      %mul3A_61 = arith.constant 128 : i32
      %mul3A_62 = arith.muli %scan3A_60, %mul3A_61 : i32
      %add3A_63 = arith.constant 0 : i32
      %add3A_64 = arith.addi %add3A_63, %mul3A_62 : i32
      %mul3A_65 = arith.constant 640 : i32
      %mul3A_66 = arith.muli %arg1, %mul3A_65 : i32
      %add3A_67 = arith.addi %mul3A_66, %add3A_64 : i32
      "tpu.region"() ({
        %run_scoped3A = tpu.sem_alloc : memref<!tpu.dma_semaphore, #tpu.memory_space<semaphore_mem>>
        %dma_start3A = arith.constant 0 : i32
        %dma_start3A_68 = tpu.memref_slice %arg11[%add3A_67, %dma_start3A] : memref<10240x128xf32, #tpu.memory_space<vmem_shared>> -> memref<128x128xf32, #tpu.memory_space<vmem_shared>>
        %dma_start3A_69 = arith.constant 0 : i32
        %dma_start3A_70 = tpu.memref_slice %arg11[%add3A_67, %dma_start3A_69] : memref<10240x128xf32, #tpu.memory_space<vmem_shared>> -> memref<128x128xf32, #tpu.memory_space<vmem_shared>>
        tpu.enqueue_dma source(%arg9 : memref<128x128xf32, #tpu.memory_space<vmem>>) target(%dma_start3A_70 : memref<128x128xf32, #tpu.memory_space<vmem_shared>>) target_semaphore(%run_scoped3A : memref<!tpu.dma_semaphore, #tpu.memory_space<semaphore_mem>>)
        %dma_wait3A = arith.constant 0 : i32
        %dma_wait3A_71 = tpu.memref_slice %arg11[%add3A_67, %dma_wait3A] : memref<10240x128xf32, #tpu.memory_space<vmem_shared>> -> memref<128x128xf32, #tpu.memory_space<vmem_shared>>
        %dma_wait3A_72 = arith.constant 0 : i32
        %dma_wait3A_73 = tpu.memref_slice %arg11[%add3A_67, %dma_wait3A_72] : memref<10240x128xf32, #tpu.memory_space<vmem_shared>> -> memref<128x128xf32, #tpu.memory_space<vmem_shared>>
        tpu.wait_dma2 semaphore(%run_scoped3A : memref<!tpu.dma_semaphore, #tpu.memory_space<semaphore_mem>>) src(%arg9 : memref<128x128xf32, #tpu.memory_space<vmem>>) dst(%dma_wait3A_73 : memref<128x128xf32, #tpu.memory_space<vmem_shared>>)
        tpu.yield
      }) : () -> ()
    }
    %scan3A_19 = arith.constant 5 : i32
    %gt3A_20 = arith.constant 0 : i32
    %gt3A_21 = arith.cmpi sgt, %select_n3A_8, %gt3A_20 : i32
    %convert_element_type3A_22 = arith.extui %gt3A_21 : i1 to i32
    %cond3A_23 = arith.constant 0 : i32
    %cond3A_24 = arith.cmpi ne, %convert_element_type3A_22, %cond3A_23 : i32
    scf.if %cond3A_24 {
      %gt3A_60 = arith.constant 0 : i32
      %gt3A_61 = arith.cmpi sgt, %select_n3A_8, %gt3A_60 : i32
      %convert_element_type3A_62 = arith.extui %gt3A_61 : i1 to i32
      %cond3A_63 = arith.constant 0 : i32
      %cond3A_64 = arith.cmpi ne, %convert_element_type3A_62, %cond3A_63 : i32
      scf.if %cond3A_64 {
        %add3A_70 = arith.constant 0 : i32
        %add3A_71 = arith.addi %select_n3A, %add3A_70 : i32
        %dma_start3A = arith.constant 0 : i32
        %dma_start3A_72 = tpu.memref_slice %arg4[%add3A_71, %dma_start3A] : memref<1344x128xi32, #tpu.memory_space<hbm>> -> memref<1x128xi32, #tpu.memory_space<hbm>>
        %dma_start3A_73 = tpu.memref_squeeze %dma_start3A_72 : memref<1x128xi32, #tpu.memory_space<hbm>> -> memref<128xi32, #tpu.memory_space<hbm>>
        %dma_start3A_74 = arith.constant 0 : i32
        %dma_start3A_75 = tpu.memref_slice %arg4[%add3A_71, %dma_start3A_74] : memref<1344x128xi32, #tpu.memory_space<hbm>> -> memref<1x128xi32, #tpu.memory_space<hbm>>
        %dma_start3A_76 = tpu.memref_squeeze %dma_start3A_75 : memref<1x128xi32, #tpu.memory_space<hbm>> -> memref<128xi32, #tpu.memory_space<hbm>>
        tpu.enqueue_dma source(%dma_start3A_76 : memref<128xi32, #tpu.memory_space<hbm>>) target(%arg7 : memref<128xi32, #tpu.memory_space<vmem>>) target_semaphore(%arg12 : memref<!tpu.dma_semaphore, #tpu.memory_space<semaphore_mem>>)
        %dma_start3A_77 = arith.constant 0 : i32
        %dma_start3A_78 = arith.constant 0 : i32
        %dma_start3A_79 = tpu.memref_slice %arg6[%dma_start3A_77, %dma_start3A_78] : memref<72x128xi32, #tpu.memory_space<vmem>> -> memref<1x128xi32, #tpu.memory_space<vmem>>
        %dma_start3A_80 = tpu.memref_squeeze %dma_start3A_79 : memref<1x128xi32, #tpu.memory_space<vmem>> -> memref<128xi32, #tpu.memory_space<vmem>>
        %dma_start3A_81 = arith.constant 0 : i32
        %dma_start3A_82 = arith.constant 0 : i32
        %dma_start3A_83 = tpu.memref_slice %arg2[%dma_start3A_81, %dma_start3A_82] : memref<10240x128xf32, #tpu.memory_space<hbm>> -> memref<10240x128xf32, #tpu.memory_space<hbm>>
        tpu.enqueue_indirect_dma source(%dma_start3A_83 : memref<10240x128xf32, #tpu.memory_space<hbm>>) target(%arg9 : memref<128x128xf32, #tpu.memory_space<vmem>>) offsets(%dma_start3A_80 : memref<128xi32, #tpu.memory_space<vmem>>) semaphore(%arg14 : memref<!tpu.dma_semaphore, #tpu.memory_space<semaphore_mem>>)
      } else {
      }
      %gt3A_65 = arith.constant 1 : i32
      %gt3A_66 = arith.cmpi sgt, %select_n3A_8, %gt3A_65 : i32
      %convert_element_type3A_67 = arith.extui %gt3A_66 : i1 to i32
      %cond3A_68 = arith.constant 0 : i32
      %cond3A_69 = arith.cmpi ne, %convert_element_type3A_67, %cond3A_68 : i32
      scf.if %cond3A_69 {
        %add3A_70 = arith.constant 1 : i32
        %add3A_71 = arith.addi %select_n3A, %add3A_70 : i32
        %dma_start3A = arith.constant 0 : i32
        %dma_start3A_72 = tpu.memref_slice %arg4[%add3A_71, %dma_start3A] : memref<1344x128xi32, #tpu.memory_space<hbm>> -> memref<1x128xi32, #tpu.memory_space<hbm>>
        %dma_start3A_73 = tpu.memref_squeeze %dma_start3A_72 : memref<1x128xi32, #tpu.memory_space<hbm>> -> memref<128xi32, #tpu.memory_space<hbm>>
        %dma_start3A_74 = arith.constant 0 : i32
        %dma_start3A_75 = tpu.memref_slice %arg4[%add3A_71, %dma_start3A_74] : memref<1344x128xi32, #tpu.memory_space<hbm>> -> memref<1x128xi32, #tpu.memory_space<hbm>>
        %dma_start3A_76 = tpu.memref_squeeze %dma_start3A_75 : memref<1x128xi32, #tpu.memory_space<hbm>> -> memref<128xi32, #tpu.memory_space<hbm>>
        tpu.enqueue_dma source(%dma_start3A_76 : memref<128xi32, #tpu.memory_space<hbm>>) target(%arg8 : memref<128xi32, #tpu.memory_space<vmem>>) target_semaphore(%arg13 : memref<!tpu.dma_semaphore, #tpu.memory_space<semaphore_mem>>)
        %dma_start3A_77 = arith.constant 1 : i32
        %dma_start3A_78 = arith.constant 0 : i32
        %dma_start3A_79 = tpu.memref_slice %arg6[%dma_start3A_77, %dma_start3A_78] : memref<72x128xi32, #tpu.memory_space<vmem>> -> memref<1x128xi32, #tpu.memory_space<vmem>>
        %dma_start3A_80 = tpu.memref_squeeze %dma_start3A_79 : memref<1x128xi32, #tpu.memory_space<vmem>> -> memref<128xi32, #tpu.memory_space<vmem>>
        %dma_start3A_81 = arith.constant 0 : i32
        %dma_start3A_82 = arith.constant 0 : i32
        %dma_start3A_83 = tpu.memref_slice %arg2[%dma_start3A_81, %dma_start3A_82] : memref<10240x128xf32, #tpu.memory_space<hbm>> -> memref<10240x128xf32, #tpu.memory_space<hbm>>
        tpu.enqueue_indirect_dma source(%dma_start3A_83 : memref<10240x128xf32, #tpu.memory_space<hbm>>) target(%arg10 : memref<128x128xf32, #tpu.memory_space<vmem>>) offsets(%dma_start3A_80 : memref<128xi32, #tpu.memory_space<vmem>>) semaphore(%arg15 : memref<!tpu.dma_semaphore, #tpu.memory_space<semaphore_mem>>)
      } else {
      }
    } else {
    }
    %barrier3A = arith.constant 0 : index
    tpu.barrier barrier_id(%barrier3A)
    %jit3A_25 = arith.constant 2 : i32
    %div3A = arith.divsi %select_n3A_8, %jit3A_25 : i32
    %sign3A = arith.constant 0 : i32
    %sign3A_26 = arith.cmpi sgt, %select_n3A_8, %sign3A : i32
    %sign3A_27 = arith.extui %sign3A_26 : i1 to i32
    %sign3A_28 = arith.constant 0 : i32
    %sign3A_29 = arith.cmpi slt, %select_n3A_8, %sign3A_28 : i32
    %sign3A_30 = arith.extui %sign3A_29 : i1 to i32
    %sign3A_31 = arith.subi %sign3A_27, %sign3A_30 : i32
    %sign3A_32 = arith.constant 0 : i32
    %sign3A_33 = arith.cmpi sgt, %jit3A_25, %sign3A_32 : i32
    %sign3A_34 = arith.extui %sign3A_33 : i1 to i32
    %sign3A_35 = arith.constant 0 : i32
    %sign3A_36 = arith.cmpi slt, %jit3A_25, %sign3A_35 : i32
    %sign3A_37 = arith.extui %sign3A_36 : i1 to i32
    %sign3A_38 = arith.subi %sign3A_34, %sign3A_37 : i32
    %ne3A = arith.cmpi ne, %sign3A_31, %sign3A_38 : i32
    %rem3A = arith.remsi %select_n3A_8, %jit3A_25 : i32
    %ne3A_39 = arith.constant 0 : i32
    %ne3A_40 = arith.cmpi ne, %rem3A, %ne3A_39 : i32
    %and3A = arith.andi %ne3A, %ne3A_40 : i1
    %sub3A = arith.constant 1 : i32
    %sub3A_41 = arith.subi %div3A, %sub3A : i32
    %select_n3A_42 = arith.select %and3A, %sub3A_41, %div3A : i32
    %while3A = arith.constant 0 : i32
    %while3A_43 = arith.constant 0 : i32
    %while3A_44 = arith.subi %select_n3A_42, %while3A_43 : i32
    %while3A_45 = arith.addi %while3A_43, %while3A_44 : i32
    %while3A_46 = arith.constant 1 : i32
    %while3A_47 = arith.divsi %while3A_44, %while3A_46 : i32
    %while3A_48 = arith.muli %while3A_47, %while3A_46 : i32
    %while3A_49 = arith.addi %while3A_43, %while3A_48 : i32
    %while3A_50 = arith.constant 1 : i32
    scf.for %while3A_60 = %while3A_43 to %while3A_49 step %while3A_50  : i32 {
      %mul3A_61 = arith.constant 2 : i32
      %mul3A_62 = arith.muli %while3A_60, %mul3A_61 : i32
      %add3A_63 = arith.constant 0 : i32
      %add3A_64 = arith.addi %mul3A_62, %add3A_63 : i32
      %add3A_65 = arith.addi %select_n3A, %add3A_64 : i32
      %dma_wait3A = arith.constant 0 : i32
      %dma_wait3A_66 = tpu.memref_slice %arg4[%add3A_65, %dma_wait3A] : memref<1344x128xi32, #tpu.memory_space<hbm>> -> memref<1x128xi32, #tpu.memory_space<hbm>>
      %dma_wait3A_67 = tpu.memref_squeeze %dma_wait3A_66 : memref<1x128xi32, #tpu.memory_space<hbm>> -> memref<128xi32, #tpu.memory_space<hbm>>
      %dma_wait3A_68 = arith.constant 0 : i32
      %dma_wait3A_69 = tpu.memref_slice %arg4[%add3A_65, %dma_wait3A_68] : memref<1344x128xi32, #tpu.memory_space<hbm>> -> memref<1x128xi32, #tpu.memory_space<hbm>>
      %dma_wait3A_70 = tpu.memref_squeeze %dma_wait3A_69 : memref<1x128xi32, #tpu.memory_space<hbm>> -> memref<128xi32, #tpu.memory_space<hbm>>
      tpu.wait_dma2 semaphore(%arg12 : memref<!tpu.dma_semaphore, #tpu.memory_space<semaphore_mem>>) src(%dma_wait3A_70 : memref<128xi32, #tpu.memory_space<hbm>>) dst(%arg7 : memref<128xi32, #tpu.memory_space<vmem>>)
      %dma_wait3A_71 = arith.constant 0 : i32
      %dma_wait3A_72 = tpu.memref_slice %arg6[%add3A_64, %dma_wait3A_71] : memref<72x128xi32, #tpu.memory_space<vmem>> -> memref<1x128xi32, #tpu.memory_space<vmem>>
      %dma_wait3A_73 = tpu.memref_squeeze %dma_wait3A_72 : memref<1x128xi32, #tpu.memory_space<vmem>> -> memref<128xi32, #tpu.memory_space<vmem>>
      %dma_wait3A_74 = arith.constant 0 : i32
      %dma_wait3A_75 = arith.constant 0 : i32
      %dma_wait3A_76 = tpu.memref_slice %arg2[%dma_wait3A_74, %dma_wait3A_75] : memref<10240x128xf32, #tpu.memory_space<hbm>> -> memref<10240x128xf32, #tpu.memory_space<hbm>>
      tpu.wait_indirect_dma semaphore(%arg14 : memref<!tpu.dma_semaphore, #tpu.memory_space<semaphore_mem>>) src(%dma_wait3A_76 : memref<10240x128xf32, #tpu.memory_space<hbm>>) dst(%arg9 : memref<128x128xf32, #tpu.memory_space<vmem>>)
      "tpu.region"() ({
        %run_scoped3A = tpu.sem_alloc : memref<!tpu.dma_semaphore, #tpu.memory_space<semaphore_mem>>
        %dma_start3A = arith.constant 0 : i32
        %dma_start3A_103 = arith.constant 0 : i32
        %dma_start3A_104 = tpu.memref_slice %arg11[%dma_start3A, %dma_start3A_103] : memref<10240x128xf32, #tpu.memory_space<vmem_shared>> -> memref<10240x128xf32, #tpu.memory_space<vmem_shared>>
        tpu.enqueue_indirect_dma source(%arg9 : memref<128x128xf32, #tpu.memory_space<vmem>>) target(%dma_start3A_104 : memref<10240x128xf32, #tpu.memory_space<vmem_shared>>) offsets(%arg7 : memref<128xi32, #tpu.memory_space<vmem>>) semaphore(%run_scoped3A : memref<!tpu.dma_semaphore, #tpu.memory_space<semaphore_mem>>) {add = true}
        %dma_wait3A_105 = arith.constant 0 : i32
        %dma_wait3A_106 = arith.constant 0 : i32
        %dma_wait3A_107 = tpu.memref_slice %arg11[%dma_wait3A_105, %dma_wait3A_106] : memref<10240x128xf32, #tpu.memory_space<vmem_shared>> -> memref<10240x128xf32, #tpu.memory_space<vmem_shared>>
        tpu.wait_indirect_dma semaphore(%run_scoped3A : memref<!tpu.dma_semaphore, #tpu.memory_space<semaphore_mem>>) src(%arg9 : memref<128x128xf32, #tpu.memory_space<vmem>>) dst(%dma_wait3A_107 : memref<10240x128xf32, #tpu.memory_space<vmem_shared>>)
        tpu.yield
      }) : () -> ()
      %add3A_77 = arith.constant 2 : i32
      %add3A_78 = arith.addi %add3A_64, %add3A_77 : i32
      %lt3A = arith.cmpi slt, %add3A_78, %select_n3A_8 : i32
      %convert_element_type3A_79 = arith.extui %lt3A : i1 to i32
      %cond3A_80 = arith.constant 0 : i32
      %cond3A_81 = arith.cmpi ne, %convert_element_type3A_79, %cond3A_80 : i32
      scf.if %cond3A_81 {
        %add3A_103 = arith.addi %select_n3A, %add3A_64 : i32
        %add3A_104 = arith.constant 2 : i32
        %add3A_105 = arith.addi %add3A_103, %add3A_104 : i32
        %dma_start3A = arith.constant 0 : i32
        %dma_start3A_106 = tpu.memref_slice %arg4[%add3A_105, %dma_start3A] : memref<1344x128xi32, #tpu.memory_space<hbm>> -> memref<1x128xi32, #tpu.memory_space<hbm>>
        %dma_start3A_107 = tpu.memref_squeeze %dma_start3A_106 : memref<1x128xi32, #tpu.memory_space<hbm>> -> memref<128xi32, #tpu.memory_space<hbm>>
        %dma_start3A_108 = arith.constant 0 : i32
        %dma_start3A_109 = tpu.memref_slice %arg4[%add3A_105, %dma_start3A_108] : memref<1344x128xi32, #tpu.memory_space<hbm>> -> memref<1x128xi32, #tpu.memory_space<hbm>>
        %dma_start3A_110 = tpu.memref_squeeze %dma_start3A_109 : memref<1x128xi32, #tpu.memory_space<hbm>> -> memref<128xi32, #tpu.memory_space<hbm>>
        tpu.enqueue_dma source(%dma_start3A_110 : memref<128xi32, #tpu.memory_space<hbm>>) target(%arg7 : memref<128xi32, #tpu.memory_space<vmem>>) target_semaphore(%arg12 : memref<!tpu.dma_semaphore, #tpu.memory_space<semaphore_mem>>)
        %add3A_111 = arith.constant 2 : i32
        %add3A_112 = arith.addi %add3A_64, %add3A_111 : i32
        %dma_start3A_113 = arith.constant 0 : i32
        %dma_start3A_114 = tpu.memref_slice %arg6[%add3A_112, %dma_start3A_113] : memref<72x128xi32, #tpu.memory_space<vmem>> -> memref<1x128xi32, #tpu.memory_space<vmem>>
        %dma_start3A_115 = tpu.memref_squeeze %dma_start3A_114 : memref<1x128xi32, #tpu.memory_space<vmem>> -> memref<128xi32, #tpu.memory_space<vmem>>
        %dma_start3A_116 = arith.constant 0 : i32
        %dma_start3A_117 = arith.constant 0 : i32
        %dma_start3A_118 = tpu.memref_slice %arg2[%dma_start3A_116, %dma_start3A_117] : memref<10240x128xf32, #tpu.memory_space<hbm>> -> memref<10240x128xf32, #tpu.memory_space<hbm>>
        tpu.enqueue_indirect_dma source(%dma_start3A_118 : memref<10240x128xf32, #tpu.memory_space<hbm>>) target(%arg9 : memref<128x128xf32, #tpu.memory_space<vmem>>) offsets(%dma_start3A_115 : memref<128xi32, #tpu.memory_space<vmem>>) semaphore(%arg14 : memref<!tpu.dma_semaphore, #tpu.memory_space<semaphore_mem>>)
      } else {
      }
      %add3A_82 = arith.constant 1 : i32
      %add3A_83 = arith.addi %mul3A_62, %add3A_82 : i32
      %add3A_84 = arith.addi %select_n3A, %add3A_83 : i32
      %dma_wait3A_85 = arith.constant 0 : i32
      %dma_wait3A_86 = tpu.memref_slice %arg4[%add3A_84, %dma_wait3A_85] : memref<1344x128xi32, #tpu.memory_space<hbm>> -> memref<1x128xi32, #tpu.memory_space<hbm>>
      %dma_wait3A_87 = tpu.memref_squeeze %dma_wait3A_86 : memref<1x128xi32, #tpu.memory_space<hbm>> -> memref<128xi32, #tpu.memory_space<hbm>>
      %dma_wait3A_88 = arith.constant 0 : i32
      %dma_wait3A_89 = tpu.memref_slice %arg4[%add3A_84, %dma_wait3A_88] : memref<1344x128xi32, #tpu.memory_space<hbm>> -> memref<1x128xi32, #tpu.memory_space<hbm>>
      %dma_wait3A_90 = tpu.memref_squeeze %dma_wait3A_89 : memref<1x128xi32, #tpu.memory_space<hbm>> -> memref<128xi32, #tpu.memory_space<hbm>>
      tpu.wait_dma2 semaphore(%arg13 : memref<!tpu.dma_semaphore, #tpu.memory_space<semaphore_mem>>) src(%dma_wait3A_90 : memref<128xi32, #tpu.memory_space<hbm>>) dst(%arg8 : memref<128xi32, #tpu.memory_space<vmem>>)
      %dma_wait3A_91 = arith.constant 0 : i32
      %dma_wait3A_92 = tpu.memref_slice %arg6[%add3A_83, %dma_wait3A_91] : memref<72x128xi32, #tpu.memory_space<vmem>> -> memref<1x128xi32, #tpu.memory_space<vmem>>
      %dma_wait3A_93 = tpu.memref_squeeze %dma_wait3A_92 : memref<1x128xi32, #tpu.memory_space<vmem>> -> memref<128xi32, #tpu.memory_space<vmem>>
      %dma_wait3A_94 = arith.constant 0 : i32
      %dma_wait3A_95 = arith.constant 0 : i32
      %dma_wait3A_96 = tpu.memref_slice %arg2[%dma_wait3A_94, %dma_wait3A_95] : memref<10240x128xf32, #tpu.memory_space<hbm>> -> memref<10240x128xf32, #tpu.memory_space<hbm>>
      tpu.wait_indirect_dma semaphore(%arg15 : memref<!tpu.dma_semaphore, #tpu.memory_space<semaphore_mem>>) src(%dma_wait3A_96 : memref<10240x128xf32, #tpu.memory_space<hbm>>) dst(%arg10 : memref<128x128xf32, #tpu.memory_space<vmem>>)
      "tpu.region"() ({
        %run_scoped3A = tpu.sem_alloc : memref<!tpu.dma_semaphore, #tpu.memory_space<semaphore_mem>>
        %dma_start3A = arith.constant 0 : i32
        %dma_start3A_103 = arith.constant 0 : i32
        %dma_start3A_104 = tpu.memref_slice %arg11[%dma_start3A, %dma_start3A_103] : memref<10240x128xf32, #tpu.memory_space<vmem_shared>> -> memref<10240x128xf32, #tpu.memory_space<vmem_shared>>
        tpu.enqueue_indirect_dma source(%arg10 : memref<128x128xf32, #tpu.memory_space<vmem>>) target(%dma_start3A_104 : memref<10240x128xf32, #tpu.memory_space<vmem_shared>>) offsets(%arg8 : memref<128xi32, #tpu.memory_space<vmem>>) semaphore(%run_scoped3A : memref<!tpu.dma_semaphore, #tpu.memory_space<semaphore_mem>>) {add = true}
        %dma_wait3A_105 = arith.constant 0 : i32
        %dma_wait3A_106 = arith.constant 0 : i32
        %dma_wait3A_107 = tpu.memref_slice %arg11[%dma_wait3A_105, %dma_wait3A_106] : memref<10240x128xf32, #tpu.memory_space<vmem_shared>> -> memref<10240x128xf32, #tpu.memory_space<vmem_shared>>
        tpu.wait_indirect_dma semaphore(%run_scoped3A : memref<!tpu.dma_semaphore, #tpu.memory_space<semaphore_mem>>) src(%arg10 : memref<128x128xf32, #tpu.memory_space<vmem>>) dst(%dma_wait3A_107 : memref<10240x128xf32, #tpu.memory_space<vmem_shared>>)
        tpu.yield
      }) : () -> ()
      %add3A_97 = arith.constant 2 : i32
      %add3A_98 = arith.addi %add3A_83, %add3A_97 : i32
      %lt3A_99 = arith.cmpi slt, %add3A_98, %select_n3A_8 : i32
      %convert_element_type3A_100 = arith.extui %lt3A_99 : i1 to i32
      %cond3A_101 = arith.constant 0 : i32
      %cond3A_102 = arith.cmpi ne, %convert_element_type3A_100, %cond3A_101 : i32
      scf.if %cond3A_102 {
        %add3A_103 = arith.addi %select_n3A, %add3A_83 : i32
        %add3A_104 = arith.constant 2 : i32
        %add3A_105 = arith.addi %add3A_103, %add3A_104 : i32
        %dma_start3A = arith.constant 0 : i32
        %dma_start3A_106 = tpu.memref_slice %arg4[%add3A_105, %dma_start3A] : memref<1344x128xi32, #tpu.memory_space<hbm>> -> memref<1x128xi32, #tpu.memory_space<hbm>>
        %dma_start3A_107 = tpu.memref_squeeze %dma_start3A_106 : memref<1x128xi32, #tpu.memory_space<hbm>> -> memref<128xi32, #tpu.memory_space<hbm>>
        %dma_start3A_108 = arith.constant 0 : i32
        %dma_start3A_109 = tpu.memref_slice %arg4[%add3A_105, %dma_start3A_108] : memref<1344x128xi32, #tpu.memory_space<hbm>> -> memref<1x128xi32, #tpu.memory_space<hbm>>
        %dma_start3A_110 = tpu.memref_squeeze %dma_start3A_109 : memref<1x128xi32, #tpu.memory_space<hbm>> -> memref<128xi32, #tpu.memory_space<hbm>>
        tpu.enqueue_dma source(%dma_start3A_110 : memref<128xi32, #tpu.memory_space<hbm>>) target(%arg8 : memref<128xi32, #tpu.memory_space<vmem>>) target_semaphore(%arg13 : memref<!tpu.dma_semaphore, #tpu.memory_space<semaphore_mem>>)
        %add3A_111 = arith.constant 2 : i32
        %add3A_112 = arith.addi %add3A_83, %add3A_111 : i32
        %dma_start3A_113 = arith.constant 0 : i32
        %dma_start3A_114 = tpu.memref_slice %arg6[%add3A_112, %dma_start3A_113] : memref<72x128xi32, #tpu.memory_space<vmem>> -> memref<1x128xi32, #tpu.memory_space<vmem>>
        %dma_start3A_115 = tpu.memref_squeeze %dma_start3A_114 : memref<1x128xi32, #tpu.memory_space<vmem>> -> memref<128xi32, #tpu.memory_space<vmem>>
        %dma_start3A_116 = arith.constant 0 : i32
        %dma_start3A_117 = arith.constant 0 : i32
        %dma_start3A_118 = tpu.memref_slice %arg2[%dma_start3A_116, %dma_start3A_117] : memref<10240x128xf32, #tpu.memory_space<hbm>> -> memref<10240x128xf32, #tpu.memory_space<hbm>>
        tpu.enqueue_indirect_dma source(%dma_start3A_118 : memref<10240x128xf32, #tpu.memory_space<hbm>>) target(%arg10 : memref<128x128xf32, #tpu.memory_space<vmem>>) offsets(%dma_start3A_115 : memref<128xi32, #tpu.memory_space<vmem>>) semaphore(%arg15 : memref<!tpu.dma_semaphore, #tpu.memory_space<semaphore_mem>>)
      } else {
      }
    }
    %while3A_51 = arith.constant 1 : i32
    scf.for %while3A_60 = %while3A_49 to %while3A_45 step %while3A_51  : i32 {
      %mul3A_61 = arith.constant 2 : i32
      %mul3A_62 = arith.muli %while3A_60, %mul3A_61 : i32
      %add3A_63 = arith.constant 0 : i32
      %add3A_64 = arith.addi %mul3A_62, %add3A_63 : i32
      %add3A_65 = arith.addi %select_n3A, %add3A_64 : i32
      %dma_wait3A = arith.constant 0 : i32
      %dma_wait3A_66 = tpu.memref_slice %arg4[%add3A_65, %dma_wait3A] : memref<1344x128xi32, #tpu.memory_space<hbm>> -> memref<1x128xi32, #tpu.memory_space<hbm>>
      %dma_wait3A_67 = tpu.memref_squeeze %dma_wait3A_66 : memref<1x128xi32, #tpu.memory_space<hbm>> -> memref<128xi32, #tpu.memory_space<hbm>>
      %dma_wait3A_68 = arith.constant 0 : i32
      %dma_wait3A_69 = tpu.memref_slice %arg4[%add3A_65, %dma_wait3A_68] : memref<1344x128xi32, #tpu.memory_space<hbm>> -> memref<1x128xi32, #tpu.memory_space<hbm>>
      %dma_wait3A_70 = tpu.memref_squeeze %dma_wait3A_69 : memref<1x128xi32, #tpu.memory_space<hbm>> -> memref<128xi32, #tpu.memory_space<hbm>>
      tpu.wait_dma2 semaphore(%arg12 : memref<!tpu.dma_semaphore, #tpu.memory_space<semaphore_mem>>) src(%dma_wait3A_70 : memref<128xi32, #tpu.memory_space<hbm>>) dst(%arg7 : memref<128xi32, #tpu.memory_space<vmem>>)
      %dma_wait3A_71 = arith.constant 0 : i32
      %dma_wait3A_72 = tpu.memref_slice %arg6[%add3A_64, %dma_wait3A_71] : memref<72x128xi32, #tpu.memory_space<vmem>> -> memref<1x128xi32, #tpu.memory_space<vmem>>
      %dma_wait3A_73 = tpu.memref_squeeze %dma_wait3A_72 : memref<1x128xi32, #tpu.memory_space<vmem>> -> memref<128xi32, #tpu.memory_space<vmem>>
      %dma_wait3A_74 = arith.constant 0 : i32
      %dma_wait3A_75 = arith.constant 0 : i32
      %dma_wait3A_76 = tpu.memref_slice %arg2[%dma_wait3A_74, %dma_wait3A_75] : memref<10240x128xf32, #tpu.memory_space<hbm>> -> memref<10240x128xf32, #tpu.memory_space<hbm>>
      tpu.wait_indirect_dma semaphore(%arg14 : memref<!tpu.dma_semaphore, #tpu.memory_space<semaphore_mem>>) src(%dma_wait3A_76 : memref<10240x128xf32, #tpu.memory_space<hbm>>) dst(%arg9 : memref<128x128xf32, #tpu.memory_space<vmem>>)
      "tpu.region"() ({
        %run_scoped3A = tpu.sem_alloc : memref<!tpu.dma_semaphore, #tpu.memory_space<semaphore_mem>>
        %dma_start3A = arith.constant 0 : i32
        %dma_start3A_103 = arith.constant 0 : i32
        %dma_start3A_104 = tpu.memref_slice %arg11[%dma_start3A, %dma_start3A_103] : memref<10240x128xf32, #tpu.memory_space<vmem_shared>> -> memref<10240x128xf32, #tpu.memory_space<vmem_shared>>
        tpu.enqueue_indirect_dma source(%arg9 : memref<128x128xf32, #tpu.memory_space<vmem>>) target(%dma_start3A_104 : memref<10240x128xf32, #tpu.memory_space<vmem_shared>>) offsets(%arg7 : memref<128xi32, #tpu.memory_space<vmem>>) semaphore(%run_scoped3A : memref<!tpu.dma_semaphore, #tpu.memory_space<semaphore_mem>>) {add = true}
        %dma_wait3A_105 = arith.constant 0 : i32
        %dma_wait3A_106 = arith.constant 0 : i32
        %dma_wait3A_107 = tpu.memref_slice %arg11[%dma_wait3A_105, %dma_wait3A_106] : memref<10240x128xf32, #tpu.memory_space<vmem_shared>> -> memref<10240x128xf32, #tpu.memory_space<vmem_shared>>
        tpu.wait_indirect_dma semaphore(%run_scoped3A : memref<!tpu.dma_semaphore, #tpu.memory_space<semaphore_mem>>) src(%arg9 : memref<128x128xf32, #tpu.memory_space<vmem>>) dst(%dma_wait3A_107 : memref<10240x128xf32, #tpu.memory_space<vmem_shared>>)
        tpu.yield
      }) : () -> ()
      %add3A_77 = arith.constant 2 : i32
      %add3A_78 = arith.addi %add3A_64, %add3A_77 : i32
      %lt3A = arith.cmpi slt, %add3A_78, %select_n3A_8 : i32
      %convert_element_type3A_79 = arith.extui %lt3A : i1 to i32
      %cond3A_80 = arith.constant 0 : i32
      %cond3A_81 = arith.cmpi ne, %convert_element_type3A_79, %cond3A_80 : i32
      scf.if %cond3A_81 {
        %add3A_103 = arith.addi %select_n3A, %add3A_64 : i32
        %add3A_104 = arith.constant 2 : i32
        %add3A_105 = arith.addi %add3A_103, %add3A_104 : i32
        %dma_start3A = arith.constant 0 : i32
        %dma_start3A_106 = tpu.memref_slice %arg4[%add3A_105, %dma_start3A] : memref<1344x128xi32, #tpu.memory_space<hbm>> -> memref<1x128xi32, #tpu.memory_space<hbm>>
        %dma_start3A_107 = tpu.memref_squeeze %dma_start3A_106 : memref<1x128xi32, #tpu.memory_space<hbm>> -> memref<128xi32, #tpu.memory_space<hbm>>
        %dma_start3A_108 = arith.constant 0 : i32
        %dma_start3A_109 = tpu.memref_slice %arg4[%add3A_105, %dma_start3A_108] : memref<1344x128xi32, #tpu.memory_space<hbm>> -> memref<1x128xi32, #tpu.memory_space<hbm>>
        %dma_start3A_110 = tpu.memref_squeeze %dma_start3A_109 : memref<1x128xi32, #tpu.memory_space<hbm>> -> memref<128xi32, #tpu.memory_space<hbm>>
        tpu.enqueue_dma source(%dma_start3A_110 : memref<128xi32, #tpu.memory_space<hbm>>) target(%arg7 : memref<128xi32, #tpu.memory_space<vmem>>) target_semaphore(%arg12 : memref<!tpu.dma_semaphore, #tpu.memory_space<semaphore_mem>>)
        %add3A_111 = arith.constant 2 : i32
        %add3A_112 = arith.addi %add3A_64, %add3A_111 : i32
        %dma_start3A_113 = arith.constant 0 : i32
        %dma_start3A_114 = tpu.memref_slice %arg6[%add3A_112, %dma_start3A_113] : memref<72x128xi32, #tpu.memory_space<vmem>> -> memref<1x128xi32, #tpu.memory_space<vmem>>
        %dma_start3A_115 = tpu.memref_squeeze %dma_start3A_114 : memref<1x128xi32, #tpu.memory_space<vmem>> -> memref<128xi32, #tpu.memory_space<vmem>>
        %dma_start3A_116 = arith.constant 0 : i32
        %dma_start3A_117 = arith.constant 0 : i32
        %dma_start3A_118 = tpu.memref_slice %arg2[%dma_start3A_116, %dma_start3A_117] : memref<10240x128xf32, #tpu.memory_space<hbm>> -> memref<10240x128xf32, #tpu.memory_space<hbm>>
        tpu.enqueue_indirect_dma source(%dma_start3A_118 : memref<10240x128xf32, #tpu.memory_space<hbm>>) target(%arg9 : memref<128x128xf32, #tpu.memory_space<vmem>>) offsets(%dma_start3A_115 : memref<128xi32, #tpu.memory_space<vmem>>) semaphore(%arg14 : memref<!tpu.dma_semaphore, #tpu.memory_space<semaphore_mem>>)
      } else {
      }
      %add3A_82 = arith.constant 1 : i32
      %add3A_83 = arith.addi %mul3A_62, %add3A_82 : i32
      %add3A_84 = arith.addi %select_n3A, %add3A_83 : i32
      %dma_wait3A_85 = arith.constant 0 : i32
      %dma_wait3A_86 = tpu.memref_slice %arg4[%add3A_84, %dma_wait3A_85] : memref<1344x128xi32, #tpu.memory_space<hbm>> -> memref<1x128xi32, #tpu.memory_space<hbm>>
      %dma_wait3A_87 = tpu.memref_squeeze %dma_wait3A_86 : memref<1x128xi32, #tpu.memory_space<hbm>> -> memref<128xi32, #tpu.memory_space<hbm>>
      %dma_wait3A_88 = arith.constant 0 : i32
      %dma_wait3A_89 = tpu.memref_slice %arg4[%add3A_84, %dma_wait3A_88] : memref<1344x128xi32, #tpu.memory_space<hbm>> -> memref<1x128xi32, #tpu.memory_space<hbm>>
      %dma_wait3A_90 = tpu.memref_squeeze %dma_wait3A_89 : memref<1x128xi32, #tpu.memory_space<hbm>> -> memref<128xi32, #tpu.memory_space<hbm>>
      tpu.wait_dma2 semaphore(%arg13 : memref<!tpu.dma_semaphore, #tpu.memory_space<semaphore_mem>>) src(%dma_wait3A_90 : memref<128xi32, #tpu.memory_space<hbm>>) dst(%arg8 : memref<128xi32, #tpu.memory_space<vmem>>)
      %dma_wait3A_91 = arith.constant 0 : i32
      %dma_wait3A_92 = tpu.memref_slice %arg6[%add3A_83, %dma_wait3A_91] : memref<72x128xi32, #tpu.memory_space<vmem>> -> memref<1x128xi32, #tpu.memory_space<vmem>>
      %dma_wait3A_93 = tpu.memref_squeeze %dma_wait3A_92 : memref<1x128xi32, #tpu.memory_space<vmem>> -> memref<128xi32, #tpu.memory_space<vmem>>
      %dma_wait3A_94 = arith.constant 0 : i32
      %dma_wait3A_95 = arith.constant 0 : i32
      %dma_wait3A_96 = tpu.memref_slice %arg2[%dma_wait3A_94, %dma_wait3A_95] : memref<10240x128xf32, #tpu.memory_space<hbm>> -> memref<10240x128xf32, #tpu.memory_space<hbm>>
      tpu.wait_indirect_dma semaphore(%arg15 : memref<!tpu.dma_semaphore, #tpu.memory_space<semaphore_mem>>) src(%dma_wait3A_96 : memref<10240x128xf32, #tpu.memory_space<hbm>>) dst(%arg10 : memref<128x128xf32, #tpu.memory_space<vmem>>)
      "tpu.region"() ({
        %run_scoped3A = tpu.sem_alloc : memref<!tpu.dma_semaphore, #tpu.memory_space<semaphore_mem>>
        %dma_start3A = arith.constant 0 : i32
        %dma_start3A_103 = arith.constant 0 : i32
        %dma_start3A_104 = tpu.memref_slice %arg11[%dma_start3A, %dma_start3A_103] : memref<10240x128xf32, #tpu.memory_space<vmem_shared>> -> memref<10240x128xf32, #tpu.memory_space<vmem_shared>>
        tpu.enqueue_indirect_dma source(%arg10 : memref<128x128xf32, #tpu.memory_space<vmem>>) target(%dma_start3A_104 : memref<10240x128xf32, #tpu.memory_space<vmem_shared>>) offsets(%arg8 : memref<128xi32, #tpu.memory_space<vmem>>) semaphore(%run_scoped3A : memref<!tpu.dma_semaphore, #tpu.memory_space<semaphore_mem>>) {add = true}
        %dma_wait3A_105 = arith.constant 0 : i32
        %dma_wait3A_106 = arith.constant 0 : i32
        %dma_wait3A_107 = tpu.memref_slice %arg11[%dma_wait3A_105, %dma_wait3A_106] : memref<10240x128xf32, #tpu.memory_space<vmem_shared>> -> memref<10240x128xf32, #tpu.memory_space<vmem_shared>>
        tpu.wait_indirect_dma semaphore(%run_scoped3A : memref<!tpu.dma_semaphore, #tpu.memory_space<semaphore_mem>>) src(%arg10 : memref<128x128xf32, #tpu.memory_space<vmem>>) dst(%dma_wait3A_107 : memref<10240x128xf32, #tpu.memory_space<vmem_shared>>)
        tpu.yield
      }) : () -> ()
      %add3A_97 = arith.constant 2 : i32
      %add3A_98 = arith.addi %add3A_83, %add3A_97 : i32
      %lt3A_99 = arith.cmpi slt, %add3A_98, %select_n3A_8 : i32
      %convert_element_type3A_100 = arith.extui %lt3A_99 : i1 to i32
      %cond3A_101 = arith.constant 0 : i32
      %cond3A_102 = arith.cmpi ne, %convert_element_type3A_100, %cond3A_101 : i32
      scf.if %cond3A_102 {
        %add3A_103 = arith.addi %select_n3A, %add3A_83 : i32
        %add3A_104 = arith.constant 2 : i32
        %add3A_105 = arith.addi %add3A_103, %add3A_104 : i32
        %dma_start3A = arith.constant 0 : i32
        %dma_start3A_106 = tpu.memref_slice %arg4[%add3A_105, %dma_start3A] : memref<1344x128xi32, #tpu.memory_space<hbm>> -> memref<1x128xi32, #tpu.memory_space<hbm>>
        %dma_start3A_107 = tpu.memref_squeeze %dma_start3A_106 : memref<1x128xi32, #tpu.memory_space<hbm>> -> memref<128xi32, #tpu.memory_space<hbm>>
        %dma_start3A_108 = arith.constant 0 : i32
        %dma_start3A_109 = tpu.memref_slice %arg4[%add3A_105, %dma_start3A_108] : memref<1344x128xi32, #tpu.memory_space<hbm>> -> memref<1x128xi32, #tpu.memory_space<hbm>>
        %dma_start3A_110 = tpu.memref_squeeze %dma_start3A_109 : memref<1x128xi32, #tpu.memory_space<hbm>> -> memref<128xi32, #tpu.memory_space<hbm>>
        tpu.enqueue_dma source(%dma_start3A_110 : memref<128xi32, #tpu.memory_space<hbm>>) target(%arg8 : memref<128xi32, #tpu.memory_space<vmem>>) target_semaphore(%arg13 : memref<!tpu.dma_semaphore, #tpu.memory_space<semaphore_mem>>)
        %add3A_111 = arith.constant 2 : i32
        %add3A_112 = arith.addi %add3A_83, %add3A_111 : i32
        %dma_start3A_113 = arith.constant 0 : i32
        %dma_start3A_114 = tpu.memref_slice %arg6[%add3A_112, %dma_start3A_113] : memref<72x128xi32, #tpu.memory_space<vmem>> -> memref<1x128xi32, #tpu.memory_space<vmem>>
        %dma_start3A_115 = tpu.memref_squeeze %dma_start3A_114 : memref<1x128xi32, #tpu.memory_space<vmem>> -> memref<128xi32, #tpu.memory_space<vmem>>
        %dma_start3A_116 = arith.constant 0 : i32
        %dma_start3A_117 = arith.constant 0 : i32
        %dma_start3A_118 = tpu.memref_slice %arg2[%dma_start3A_116, %dma_start3A_117] : memref<10240x128xf32, #tpu.memory_space<hbm>> -> memref<10240x128xf32, #tpu.memory_space<hbm>>
        tpu.enqueue_indirect_dma source(%dma_start3A_118 : memref<10240x128xf32, #tpu.memory_space<hbm>>) target(%arg10 : memref<128x128xf32, #tpu.memory_space<vmem>>) offsets(%dma_start3A_115 : memref<128xi32, #tpu.memory_space<vmem>>) semaphore(%arg15 : memref<!tpu.dma_semaphore, #tpu.memory_space<semaphore_mem>>)
      } else {
      }
    }
    %barrier3A_52 = arith.constant 0 : index
    tpu.barrier barrier_id(%barrier3A_52)
    %mul3A_53 = arith.constant 640 : i32
    %mul3A_54 = arith.muli %arg1, %mul3A_53 : i32
    %mul3A_55 = arith.constant 10240 : i32
    %mul3A_56 = arith.muli %arg0, %mul3A_55 : i32
    %mul3A_57 = arith.constant 640 : i32
    %mul3A_58 = arith.muli %arg1, %mul3A_57 : i32
    %add3A_59 = arith.addi %mul3A_56, %mul3A_58 : i32
    "tpu.region"() ({
      %run_scoped3A = tpu.sem_alloc : memref<!tpu.dma_semaphore, #tpu.memory_space<semaphore_mem>>
      %dma_start3A = arith.constant 0 : i32
      %dma_start3A_60 = tpu.memref_slice %arg5[%add3A_59, %dma_start3A] : memref<20480x128xf32, #tpu.memory_space<hbm>> -> memref<640x128xf32, #tpu.memory_space<hbm>>
      %dma_start3A_61 = arith.constant 0 : i32
      %dma_start3A_62 = tpu.memref_slice %arg11[%mul3A_54, %dma_start3A_61] : memref<10240x128xf32, #tpu.memory_space<vmem_shared>> -> memref<640x128xf32, #tpu.memory_space<vmem_shared>>
      tpu.enqueue_dma source(%dma_start3A_62 : memref<640x128xf32, #tpu.memory_space<vmem_shared>>) target(%dma_start3A_60 : memref<640x128xf32, #tpu.memory_space<hbm>>) target_semaphore(%run_scoped3A : memref<!tpu.dma_semaphore, #tpu.memory_space<semaphore_mem>>)
      %dma_wait3A = arith.constant 0 : i32
      %dma_wait3A_63 = tpu.memref_slice %arg5[%add3A_59, %dma_wait3A] : memref<20480x128xf32, #tpu.memory_space<hbm>> -> memref<640x128xf32, #tpu.memory_space<hbm>>
      %dma_wait3A_64 = arith.constant 0 : i32
      %dma_wait3A_65 = tpu.memref_slice %arg11[%mul3A_54, %dma_wait3A_64] : memref<10240x128xf32, #tpu.memory_space<vmem_shared>> -> memref<640x128xf32, #tpu.memory_space<vmem_shared>>
      tpu.wait_dma2 semaphore(%run_scoped3A : memref<!tpu.dma_semaphore, #tpu.memory_space<semaphore_mem>>) src(%dma_wait3A_65 : memref<640x128xf32, #tpu.memory_space<vmem_shared>>) dst(%dma_wait3A_63 : memref<640x128xf32, #tpu.memory_space<hbm>>)
      tpu.yield
    }) : () -> ()
    return
  }
}

#map = affine_map<(d0, d1) -> (0, 0)>
module attributes {stable_mosaic.version = 14 : i64} {
  func.func @body(%arg0: i32, %arg1: i32, %arg2: memref<10240x128xf32, #tpu.memory_space<hbm>>, %arg3: memref<10240x128xf32, #tpu.memory_space<hbm>>, %arg4: memref<1344x128xi32, #tpu.memory_space<hbm>>, %arg5: memref<1344x128xi32, #tpu.memory_space<hbm>>, %arg6: memref<20480x128xf32, #tpu.memory_space<hbm>>, %arg7: memref<20480x128xf32, #tpu.memory_space<hbm>>, %arg8: memref<72x128xi32, #tpu.memory_space<vmem>>, %arg9: memref<128xi32, #tpu.memory_space<vmem>>, %arg10: memref<128xi32, #tpu.memory_space<vmem>>, %arg11: memref<128x128xf32, #tpu.memory_space<vmem>>, %arg12: memref<128x128xf32, #tpu.memory_space<vmem>>, %arg13: memref<10240x128xf32, #tpu.memory_space<vmem_shared>>, %arg14: memref<!tpu.dma_semaphore, #tpu.memory_space<semaphore_mem>>, %arg15: memref<!tpu.dma_semaphore, #tpu.memory_space<semaphore_mem>>, %arg16: memref<!tpu.dma_semaphore, #tpu.memory_space<semaphore_mem>>, %arg17: memref<!tpu.dma_semaphore, #tpu.memory_space<semaphore_mem>>) attributes {dimension_semantics = [#tpu.dimension_semantics<core_parallel>, #tpu.dimension_semantics<subcore_parallel>], iteration_bounds = array<i64: 2, 16>, scalar_prefetch = 0 : i64, scratch_operands = 10 : i64, tpu.core_type = #tpu.core_type<sc_vector_subcore>, window_params = [{transform_indices = #map}, {transform_indices = #map}, {transform_indices = #map}, {transform_indices = #map}, {transform_indices = #map}, {transform_indices = #map}]} {
    %eq3A = arith.constant 0 : i32
    %eq3A_0 = arith.cmpi eq, %arg0, %eq3A : i32
    %mul3A = arith.constant 72 : i32
    %mul3A_1 = arith.muli %arg1, %mul3A : i32
    %mul3A_2 = arith.constant 8 : i32
    %mul3A_3 = arith.muli %arg1, %mul3A_2 : i32
    %add3A = arith.constant 1152 : i32
    %add3A_4 = arith.addi %add3A, %mul3A_3 : i32
    %select_n3A = arith.select %eq3A_0, %mul3A_1, %add3A_4 : i32
    %eq3A_5 = arith.constant 0 : i32
    %eq3A_6 = arith.cmpi eq, %arg0, %eq3A_5 : i32
    %jit3A = arith.constant 72 : i32
    %jit3A_7 = arith.constant 8 : i32
    %select_n3A_8 = arith.select %eq3A_6, %jit3A, %jit3A_7 : i32
    %gt3A = arith.constant 0 : i32
    %gt3A_9 = arith.cmpi sgt, %select_n3A_8, %gt3A : i32
    %convert_element_type3A = arith.extui %gt3A_9 : i1 to i32
    %cond3A = arith.constant 0 : i32
    %cond3A_10 = arith.cmpi ne, %convert_element_type3A, %cond3A : i32
    scf.if %cond3A_10 {
      "tpu.region"() ({
        %run_scoped3A = tpu.sem_alloc : memref<!tpu.dma_semaphore, #tpu.memory_space<semaphore_mem>>
        %dma_start3A = arith.constant 0 : i32
        %dma_start3A_118 = tpu.memref_slice %arg4[%select_n3A, %dma_start3A] : memref<1344x128xi32, #tpu.memory_space<hbm>> -> memref<72x128xi32, #tpu.memory_space<hbm>>
        %dma_start3A_119 = arith.constant 0 : i32
        %dma_start3A_120 = tpu.memref_slice %arg4[%select_n3A, %dma_start3A_119] : memref<1344x128xi32, #tpu.memory_space<hbm>> -> memref<72x128xi32, #tpu.memory_space<hbm>>
        tpu.enqueue_dma source(%dma_start3A_120 : memref<72x128xi32, #tpu.memory_space<hbm>>) target(%arg8 : memref<72x128xi32, #tpu.memory_space<vmem>>) target_semaphore(%run_scoped3A : memref<!tpu.dma_semaphore, #tpu.memory_space<semaphore_mem>>)
        %dma_wait3A = arith.constant 0 : i32
        %dma_wait3A_121 = tpu.memref_slice %arg4[%select_n3A, %dma_wait3A] : memref<1344x128xi32, #tpu.memory_space<hbm>> -> memref<72x128xi32, #tpu.memory_space<hbm>>
        %dma_wait3A_122 = arith.constant 0 : i32
        %dma_wait3A_123 = tpu.memref_slice %arg4[%select_n3A, %dma_wait3A_122] : memref<1344x128xi32, #tpu.memory_space<hbm>> -> memref<72x128xi32, #tpu.memory_space<hbm>>
        tpu.wait_dma2 semaphore(%run_scoped3A : memref<!tpu.dma_semaphore, #tpu.memory_space<semaphore_mem>>) src(%dma_wait3A_123 : memref<72x128xi32, #tpu.memory_space<hbm>>) dst(%arg8 : memref<72x128xi32, #tpu.memory_space<vmem>>)
        tpu.yield
      }) : () -> ()
    } else {
    }
    %scan3A = arith.constant 0 : i32
    %scan3A_11 = arith.constant 128 : i32
    %scan3A_12 = arith.addi %scan3A, %scan3A_11 : i32
    %scan3A_13 = arith.constant 1 : i32
    scf.for %scan3A_118 = %scan3A to %scan3A_12 step %scan3A_13  : i32 {
      %mul3A_119 = arith.constant 1 : i32
      %mul3A_120 = arith.muli %scan3A_118, %mul3A_119 : i32
      %add3A_121 = arith.constant 0 : i32
      %add3A_122 = arith.addi %add3A_121, %mul3A_120 : i32
      %scan3A_123 = arith.constant 0 : i32
      %scan3A_124 = arith.constant 8 : i32
      %scan3A_125 = arith.addi %scan3A_123, %scan3A_124 : i32
      %scan3A_126 = arith.constant 1 : i32
      scf.for %scan3A_128 = %scan3A_123 to %scan3A_125 step %scan3A_126  : i32 {
        %mul3A_129 = arith.constant 16 : i32
        %mul3A_130 = arith.muli %scan3A_128, %mul3A_129 : i32
        %add3A_131 = arith.constant 0 : i32
        %add3A_132 = arith.addi %add3A_131, %mul3A_130 : i32
        %broadcast_in_dim3A = arith.constant 0.000000e+00 : f32
        %broadcast_in_dim3A_133 = vector.broadcast %broadcast_in_dim3A : f32 to vector<16xf32>
        %swap3A = arith.index_cast %add3A_122 : i32 to index
        %swap3A_134 = arith.index_cast %add3A_132 : i32 to index
        %swap3A_135 = tpu.vector_load %arg11[%swap3A, %swap3A_134] {strides = array<i32>} : memref<128x128xf32, #tpu.memory_space<vmem>>, vector<1x16xf32>,
        %swap3A_136 = vector.shape_cast %swap3A_135 : vector<1x16xf32> to vector<16xf32>
        %swap3A_137 = vector.shape_cast %broadcast_in_dim3A_133 : vector<16xf32> to vector<1x16xf32>
        tpu.vector_store %arg11[%swap3A, %swap3A_134], %swap3A_137 {strides = array<i32>} : memref<128x128xf32, #tpu.memory_space<vmem>>, vector<1x16xf32>,
      }
      %scan3A_127 = arith.constant 8 : i32
    }
    %scan3A_14 = arith.constant 128 : i32
    %scan3A_15 = arith.constant 0 : i32
    %scan3A_16 = arith.constant 5 : i32
    %scan3A_17 = arith.addi %scan3A_15, %scan3A_16 : i32
    %scan3A_18 = arith.constant 1 : i32
    scf.for %scan3A_118 = %scan3A_15 to %scan3A_17 step %scan3A_18  : i32 {
      %mul3A_119 = arith.constant 128 : i32
      %mul3A_120 = arith.muli %scan3A_118, %mul3A_119 : i32
      %add3A_121 = arith.constant 0 : i32
      %add3A_122 = arith.addi %add3A_121, %mul3A_120 : i32
      %mul3A_123 = arith.constant 640 : i32
      %mul3A_124 = arith.muli %arg1, %mul3A_123 : i32
      %add3A_125 = arith.addi %mul3A_124, %add3A_122 : i32
      "tpu.region"() ({
        %run_scoped3A = tpu.sem_alloc : memref<!tpu.dma_semaphore, #tpu.memory_space<semaphore_mem>>
        %dma_start3A = arith.constant 0 : i32
        %dma_start3A_126 = tpu.memref_slice %arg13[%add3A_125, %dma_start3A] : memref<10240x128xf32, #tpu.memory_space<vmem_shared>> -> memref<128x128xf32, #tpu.memory_space<vmem_shared>>
        %dma_start3A_127 = arith.constant 0 : i32
        %dma_start3A_128 = tpu.memref_slice %arg13[%add3A_125, %dma_start3A_127] : memref<10240x128xf32, #tpu.memory_space<vmem_shared>> -> memref<128x128xf32, #tpu.memory_space<vmem_shared>>
        tpu.enqueue_dma source(%arg11 : memref<128x128xf32, #tpu.memory_space<vmem>>) target(%dma_start3A_128 : memref<128x128xf32, #tpu.memory_space<vmem_shared>>) target_semaphore(%run_scoped3A : memref<!tpu.dma_semaphore, #tpu.memory_space<semaphore_mem>>)
        %dma_wait3A = arith.constant 0 : i32
        %dma_wait3A_129 = tpu.memref_slice %arg13[%add3A_125, %dma_wait3A] : memref<10240x128xf32, #tpu.memory_space<vmem_shared>> -> memref<128x128xf32, #tpu.memory_space<vmem_shared>>
        %dma_wait3A_130 = arith.constant 0 : i32
        %dma_wait3A_131 = tpu.memref_slice %arg13[%add3A_125, %dma_wait3A_130] : memref<10240x128xf32, #tpu.memory_space<vmem_shared>> -> memref<128x128xf32, #tpu.memory_space<vmem_shared>>
        tpu.wait_dma2 semaphore(%run_scoped3A : memref<!tpu.dma_semaphore, #tpu.memory_space<semaphore_mem>>) src(%arg11 : memref<128x128xf32, #tpu.memory_space<vmem>>) dst(%dma_wait3A_131 : memref<128x128xf32, #tpu.memory_space<vmem_shared>>)
        tpu.yield
      }) : () -> ()
    }
    %scan3A_19 = arith.constant 5 : i32
    %gt3A_20 = arith.constant 0 : i32
    %gt3A_21 = arith.cmpi sgt, %select_n3A_8, %gt3A_20 : i32
    %convert_element_type3A_22 = arith.extui %gt3A_21 : i1 to i32
    %cond3A_23 = arith.constant 0 : i32
    %cond3A_24 = arith.cmpi ne, %convert_element_type3A_22, %cond3A_23 : i32
    scf.if %cond3A_24 {
      %gt3A_118 = arith.constant 0 : i32
      %gt3A_119 = arith.cmpi sgt, %select_n3A_8, %gt3A_118 : i32
      %convert_element_type3A_120 = arith.extui %gt3A_119 : i1 to i32
      %cond3A_121 = arith.constant 0 : i32
      %cond3A_122 = arith.cmpi ne, %convert_element_type3A_120, %cond3A_121 : i32
      scf.if %cond3A_122 {
        %add3A_128 = arith.constant 0 : i32
        %add3A_129 = arith.addi %select_n3A, %add3A_128 : i32
        %dma_start3A = arith.constant 0 : i32
        %dma_start3A_130 = tpu.memref_slice %arg5[%add3A_129, %dma_start3A] : memref<1344x128xi32, #tpu.memory_space<hbm>> -> memref<1x128xi32, #tpu.memory_space<hbm>>
        %dma_start3A_131 = tpu.memref_squeeze %dma_start3A_130 : memref<1x128xi32, #tpu.memory_space<hbm>> -> memref<128xi32, #tpu.memory_space<hbm>>
        %dma_start3A_132 = arith.constant 0 : i32
        %dma_start3A_133 = tpu.memref_slice %arg5[%add3A_129, %dma_start3A_132] : memref<1344x128xi32, #tpu.memory_space<hbm>> -> memref<1x128xi32, #tpu.memory_space<hbm>>
        %dma_start3A_134 = tpu.memref_squeeze %dma_start3A_133 : memref<1x128xi32, #tpu.memory_space<hbm>> -> memref<128xi32, #tpu.memory_space<hbm>>
        tpu.enqueue_dma source(%dma_start3A_134 : memref<128xi32, #tpu.memory_space<hbm>>) target(%arg9 : memref<128xi32, #tpu.memory_space<vmem>>) target_semaphore(%arg14 : memref<!tpu.dma_semaphore, #tpu.memory_space<semaphore_mem>>)
        %dma_start3A_135 = arith.constant 0 : i32
        %dma_start3A_136 = arith.constant 0 : i32
        %dma_start3A_137 = tpu.memref_slice %arg8[%dma_start3A_135, %dma_start3A_136] : memref<72x128xi32, #tpu.memory_space<vmem>> -> memref<1x128xi32, #tpu.memory_space<vmem>>
        %dma_start3A_138 = tpu.memref_squeeze %dma_start3A_137 : memref<1x128xi32, #tpu.memory_space<vmem>> -> memref<128xi32, #tpu.memory_space<vmem>>
        %dma_start3A_139 = arith.constant 0 : i32
        %dma_start3A_140 = arith.constant 0 : i32
        %dma_start3A_141 = tpu.memref_slice %arg2[%dma_start3A_139, %dma_start3A_140] : memref<10240x128xf32, #tpu.memory_space<hbm>> -> memref<10240x128xf32, #tpu.memory_space<hbm>>
        tpu.enqueue_indirect_dma source(%dma_start3A_141 : memref<10240x128xf32, #tpu.memory_space<hbm>>) target(%arg11 : memref<128x128xf32, #tpu.memory_space<vmem>>) offsets(%dma_start3A_138 : memref<128xi32, #tpu.memory_space<vmem>>) semaphore(%arg16 : memref<!tpu.dma_semaphore, #tpu.memory_space<semaphore_mem>>)
      } else {
      }
      %gt3A_123 = arith.constant 1 : i32
      %gt3A_124 = arith.cmpi sgt, %select_n3A_8, %gt3A_123 : i32
      %convert_element_type3A_125 = arith.extui %gt3A_124 : i1 to i32
      %cond3A_126 = arith.constant 0 : i32
      %cond3A_127 = arith.cmpi ne, %convert_element_type3A_125, %cond3A_126 : i32
      scf.if %cond3A_127 {
        %add3A_128 = arith.constant 1 : i32
        %add3A_129 = arith.addi %select_n3A, %add3A_128 : i32
        %dma_start3A = arith.constant 0 : i32
        %dma_start3A_130 = tpu.memref_slice %arg5[%add3A_129, %dma_start3A] : memref<1344x128xi32, #tpu.memory_space<hbm>> -> memref<1x128xi32, #tpu.memory_space<hbm>>
        %dma_start3A_131 = tpu.memref_squeeze %dma_start3A_130 : memref<1x128xi32, #tpu.memory_space<hbm>> -> memref<128xi32, #tpu.memory_space<hbm>>
        %dma_start3A_132 = arith.constant 0 : i32
        %dma_start3A_133 = tpu.memref_slice %arg5[%add3A_129, %dma_start3A_132] : memref<1344x128xi32, #tpu.memory_space<hbm>> -> memref<1x128xi32, #tpu.memory_space<hbm>>
        %dma_start3A_134 = tpu.memref_squeeze %dma_start3A_133 : memref<1x128xi32, #tpu.memory_space<hbm>> -> memref<128xi32, #tpu.memory_space<hbm>>
        tpu.enqueue_dma source(%dma_start3A_134 : memref<128xi32, #tpu.memory_space<hbm>>) target(%arg10 : memref<128xi32, #tpu.memory_space<vmem>>) target_semaphore(%arg15 : memref<!tpu.dma_semaphore, #tpu.memory_space<semaphore_mem>>)
        %dma_start3A_135 = arith.constant 1 : i32
        %dma_start3A_136 = arith.constant 0 : i32
        %dma_start3A_137 = tpu.memref_slice %arg8[%dma_start3A_135, %dma_start3A_136] : memref<72x128xi32, #tpu.memory_space<vmem>> -> memref<1x128xi32, #tpu.memory_space<vmem>>
        %dma_start3A_138 = tpu.memref_squeeze %dma_start3A_137 : memref<1x128xi32, #tpu.memory_space<vmem>> -> memref<128xi32, #tpu.memory_space<vmem>>
        %dma_start3A_139 = arith.constant 0 : i32
        %dma_start3A_140 = arith.constant 0 : i32
        %dma_start3A_141 = tpu.memref_slice %arg2[%dma_start3A_139, %dma_start3A_140] : memref<10240x128xf32, #tpu.memory_space<hbm>> -> memref<10240x128xf32, #tpu.memory_space<hbm>>
        tpu.enqueue_indirect_dma source(%dma_start3A_141 : memref<10240x128xf32, #tpu.memory_space<hbm>>) target(%arg12 : memref<128x128xf32, #tpu.memory_space<vmem>>) offsets(%dma_start3A_138 : memref<128xi32, #tpu.memory_space<vmem>>) semaphore(%arg17 : memref<!tpu.dma_semaphore, #tpu.memory_space<semaphore_mem>>)
      } else {
      }
    } else {
    }
    %barrier3A = arith.constant 0 : index
    tpu.barrier barrier_id(%barrier3A)
    %jit3A_25 = arith.constant 2 : i32
    %div3A = arith.divsi %select_n3A_8, %jit3A_25 : i32
    %sign3A = arith.constant 0 : i32
    %sign3A_26 = arith.cmpi sgt, %select_n3A_8, %sign3A : i32
    %sign3A_27 = arith.extui %sign3A_26 : i1 to i32
    %sign3A_28 = arith.constant 0 : i32
    %sign3A_29 = arith.cmpi slt, %select_n3A_8, %sign3A_28 : i32
    %sign3A_30 = arith.extui %sign3A_29 : i1 to i32
    %sign3A_31 = arith.subi %sign3A_27, %sign3A_30 : i32
    %sign3A_32 = arith.constant 0 : i32
    %sign3A_33 = arith.cmpi sgt, %jit3A_25, %sign3A_32 : i32
    %sign3A_34 = arith.extui %sign3A_33 : i1 to i32
    %sign3A_35 = arith.constant 0 : i32
    %sign3A_36 = arith.cmpi slt, %jit3A_25, %sign3A_35 : i32
    %sign3A_37 = arith.extui %sign3A_36 : i1 to i32
    %sign3A_38 = arith.subi %sign3A_34, %sign3A_37 : i32
    %ne3A = arith.cmpi ne, %sign3A_31, %sign3A_38 : i32
    %rem3A = arith.remsi %select_n3A_8, %jit3A_25 : i32
    %ne3A_39 = arith.constant 0 : i32
    %ne3A_40 = arith.cmpi ne, %rem3A, %ne3A_39 : i32
    %and3A = arith.andi %ne3A, %ne3A_40 : i1
    %sub3A = arith.constant 1 : i32
    %sub3A_41 = arith.subi %div3A, %sub3A : i32
    %select_n3A_42 = arith.select %and3A, %sub3A_41, %div3A : i32
    %while3A = arith.constant 0 : i32
    %while3A_43 = arith.constant 0 : i32
    %while3A_44 = arith.subi %select_n3A_42, %while3A_43 : i32
    %while3A_45 = arith.addi %while3A_43, %while3A_44 : i32
    %while3A_46 = arith.constant 1 : i32
    %while3A_47 = arith.divsi %while3A_44, %while3A_46 : i32
    %while3A_48 = arith.muli %while3A_47, %while3A_46 : i32
    %while3A_49 = arith.addi %while3A_43, %while3A_48 : i32
    %while3A_50 = arith.constant 1 : i32
    scf.for %while3A_118 = %while3A_43 to %while3A_49 step %while3A_50  : i32 {
      %mul3A_119 = arith.constant 2 : i32
      %mul3A_120 = arith.muli %while3A_118, %mul3A_119 : i32
      %add3A_121 = arith.constant 0 : i32
      %add3A_122 = arith.addi %mul3A_120, %add3A_121 : i32
      %add3A_123 = arith.addi %select_n3A, %add3A_122 : i32
      %dma_wait3A = arith.constant 0 : i32
      %dma_wait3A_124 = tpu.memref_slice %arg5[%add3A_123, %dma_wait3A] : memref<1344x128xi32, #tpu.memory_space<hbm>> -> memref<1x128xi32, #tpu.memory_space<hbm>>
      %dma_wait3A_125 = tpu.memref_squeeze %dma_wait3A_124 : memref<1x128xi32, #tpu.memory_space<hbm>> -> memref<128xi32, #tpu.memory_space<hbm>>
      %dma_wait3A_126 = arith.constant 0 : i32
      %dma_wait3A_127 = tpu.memref_slice %arg5[%add3A_123, %dma_wait3A_126] : memref<1344x128xi32, #tpu.memory_space<hbm>> -> memref<1x128xi32, #tpu.memory_space<hbm>>
      %dma_wait3A_128 = tpu.memref_squeeze %dma_wait3A_127 : memref<1x128xi32, #tpu.memory_space<hbm>> -> memref<128xi32, #tpu.memory_space<hbm>>
      tpu.wait_dma2 semaphore(%arg14 : memref<!tpu.dma_semaphore, #tpu.memory_space<semaphore_mem>>) src(%dma_wait3A_128 : memref<128xi32, #tpu.memory_space<hbm>>) dst(%arg9 : memref<128xi32, #tpu.memory_space<vmem>>)
      %dma_wait3A_129 = arith.constant 0 : i32
      %dma_wait3A_130 = tpu.memref_slice %arg8[%add3A_122, %dma_wait3A_129] : memref<72x128xi32, #tpu.memory_space<vmem>> -> memref<1x128xi32, #tpu.memory_space<vmem>>
      %dma_wait3A_131 = tpu.memref_squeeze %dma_wait3A_130 : memref<1x128xi32, #tpu.memory_space<vmem>> -> memref<128xi32, #tpu.memory_space<vmem>>
      %dma_wait3A_132 = arith.constant 0 : i32
      %dma_wait3A_133 = arith.constant 0 : i32
      %dma_wait3A_134 = tpu.memref_slice %arg2[%dma_wait3A_132, %dma_wait3A_133] : memref<10240x128xf32, #tpu.memory_space<hbm>> -> memref<10240x128xf32, #tpu.memory_space<hbm>>
      tpu.wait_indirect_dma semaphore(%arg16 : memref<!tpu.dma_semaphore, #tpu.memory_space<semaphore_mem>>) src(%dma_wait3A_134 : memref<10240x128xf32, #tpu.memory_space<hbm>>) dst(%arg11 : memref<128x128xf32, #tpu.memory_space<vmem>>)
      "tpu.region"() ({
        %run_scoped3A = tpu.sem_alloc : memref<!tpu.dma_semaphore, #tpu.memory_space<semaphore_mem>>
        %dma_start3A = arith.constant 0 : i32
        %dma_start3A_161 = arith.constant 0 : i32
        %dma_start3A_162 = tpu.memref_slice %arg13[%dma_start3A, %dma_start3A_161] : memref<10240x128xf32, #tpu.memory_space<vmem_shared>> -> memref<10240x128xf32, #tpu.memory_space<vmem_shared>>
        tpu.enqueue_indirect_dma source(%arg11 : memref<128x128xf32, #tpu.memory_space<vmem>>) target(%dma_start3A_162 : memref<10240x128xf32, #tpu.memory_space<vmem_shared>>) offsets(%arg9 : memref<128xi32, #tpu.memory_space<vmem>>) semaphore(%run_scoped3A : memref<!tpu.dma_semaphore, #tpu.memory_space<semaphore_mem>>) {add = true}
        %dma_wait3A_163 = arith.constant 0 : i32
        %dma_wait3A_164 = arith.constant 0 : i32
        %dma_wait3A_165 = tpu.memref_slice %arg13[%dma_wait3A_163, %dma_wait3A_164] : memref<10240x128xf32, #tpu.memory_space<vmem_shared>> -> memref<10240x128xf32, #tpu.memory_space<vmem_shared>>
        tpu.wait_indirect_dma semaphore(%run_scoped3A : memref<!tpu.dma_semaphore, #tpu.memory_space<semaphore_mem>>) src(%arg11 : memref<128x128xf32, #tpu.memory_space<vmem>>) dst(%dma_wait3A_165 : memref<10240x128xf32, #tpu.memory_space<vmem_shared>>)
        tpu.yield
      }) : () -> ()
      %add3A_135 = arith.constant 2 : i32
      %add3A_136 = arith.addi %add3A_122, %add3A_135 : i32
      %lt3A = arith.cmpi slt, %add3A_136, %select_n3A_8 : i32
      %convert_element_type3A_137 = arith.extui %lt3A : i1 to i32
      %cond3A_138 = arith.constant 0 : i32
      %cond3A_139 = arith.cmpi ne, %convert_element_type3A_137, %cond3A_138 : i32
      scf.if %cond3A_139 {
        %add3A_161 = arith.addi %select_n3A, %add3A_122 : i32
        %add3A_162 = arith.constant 2 : i32
        %add3A_163 = arith.addi %add3A_161, %add3A_162 : i32
        %dma_start3A = arith.constant 0 : i32
        %dma_start3A_164 = tpu.memref_slice %arg5[%add3A_163, %dma_start3A] : memref<1344x128xi32, #tpu.memory_space<hbm>> -> memref<1x128xi32, #tpu.memory_space<hbm>>
        %dma_start3A_165 = tpu.memref_squeeze %dma_start3A_164 : memref<1x128xi32, #tpu.memory_space<hbm>> -> memref<128xi32, #tpu.memory_space<hbm>>
        %dma_start3A_166 = arith.constant 0 : i32
        %dma_start3A_167 = tpu.memref_slice %arg5[%add3A_163, %dma_start3A_166] : memref<1344x128xi32, #tpu.memory_space<hbm>> -> memref<1x128xi32, #tpu.memory_space<hbm>>
        %dma_start3A_168 = tpu.memref_squeeze %dma_start3A_167 : memref<1x128xi32, #tpu.memory_space<hbm>> -> memref<128xi32, #tpu.memory_space<hbm>>
        tpu.enqueue_dma source(%dma_start3A_168 : memref<128xi32, #tpu.memory_space<hbm>>) target(%arg9 : memref<128xi32, #tpu.memory_space<vmem>>) target_semaphore(%arg14 : memref<!tpu.dma_semaphore, #tpu.memory_space<semaphore_mem>>)
        %add3A_169 = arith.constant 2 : i32
        %add3A_170 = arith.addi %add3A_122, %add3A_169 : i32
        %dma_start3A_171 = arith.constant 0 : i32
        %dma_start3A_172 = tpu.memref_slice %arg8[%add3A_170, %dma_start3A_171] : memref<72x128xi32, #tpu.memory_space<vmem>> -> memref<1x128xi32, #tpu.memory_space<vmem>>
        %dma_start3A_173 = tpu.memref_squeeze %dma_start3A_172 : memref<1x128xi32, #tpu.memory_space<vmem>> -> memref<128xi32, #tpu.memory_space<vmem>>
        %dma_start3A_174 = arith.constant 0 : i32
        %dma_start3A_175 = arith.constant 0 : i32
        %dma_start3A_176 = tpu.memref_slice %arg2[%dma_start3A_174, %dma_start3A_175] : memref<10240x128xf32, #tpu.memory_space<hbm>> -> memref<10240x128xf32, #tpu.memory_space<hbm>>
        tpu.enqueue_indirect_dma source(%dma_start3A_176 : memref<10240x128xf32, #tpu.memory_space<hbm>>) target(%arg11 : memref<128x128xf32, #tpu.memory_space<vmem>>) offsets(%dma_start3A_173 : memref<128xi32, #tpu.memory_space<vmem>>) semaphore(%arg16 : memref<!tpu.dma_semaphore, #tpu.memory_space<semaphore_mem>>)
      } else {
      }
      %add3A_140 = arith.constant 1 : i32
      %add3A_141 = arith.addi %mul3A_120, %add3A_140 : i32
      %add3A_142 = arith.addi %select_n3A, %add3A_141 : i32
      %dma_wait3A_143 = arith.constant 0 : i32
      %dma_wait3A_144 = tpu.memref_slice %arg5[%add3A_142, %dma_wait3A_143] : memref<1344x128xi32, #tpu.memory_space<hbm>> -> memref<1x128xi32, #tpu.memory_space<hbm>>
      %dma_wait3A_145 = tpu.memref_squeeze %dma_wait3A_144 : memref<1x128xi32, #tpu.memory_space<hbm>> -> memref<128xi32, #tpu.memory_space<hbm>>
      %dma_wait3A_146 = arith.constant 0 : i32
      %dma_wait3A_147 = tpu.memref_slice %arg5[%add3A_142, %dma_wait3A_146] : memref<1344x128xi32, #tpu.memory_space<hbm>> -> memref<1x128xi32, #tpu.memory_space<hbm>>
      %dma_wait3A_148 = tpu.memref_squeeze %dma_wait3A_147 : memref<1x128xi32, #tpu.memory_space<hbm>> -> memref<128xi32, #tpu.memory_space<hbm>>
      tpu.wait_dma2 semaphore(%arg15 : memref<!tpu.dma_semaphore, #tpu.memory_space<semaphore_mem>>) src(%dma_wait3A_148 : memref<128xi32, #tpu.memory_space<hbm>>) dst(%arg10 : memref<128xi32, #tpu.memory_space<vmem>>)
      %dma_wait3A_149 = arith.constant 0 : i32
      %dma_wait3A_150 = tpu.memref_slice %arg8[%add3A_141, %dma_wait3A_149] : memref<72x128xi32, #tpu.memory_space<vmem>> -> memref<1x128xi32, #tpu.memory_space<vmem>>
      %dma_wait3A_151 = tpu.memref_squeeze %dma_wait3A_150 : memref<1x128xi32, #tpu.memory_space<vmem>> -> memref<128xi32, #tpu.memory_space<vmem>>
      %dma_wait3A_152 = arith.constant 0 : i32
      %dma_wait3A_153 = arith.constant 0 : i32
      %dma_wait3A_154 = tpu.memref_slice %arg2[%dma_wait3A_152, %dma_wait3A_153] : memref<10240x128xf32, #tpu.memory_space<hbm>> -> memref<10240x128xf32, #tpu.memory_space<hbm>>
      tpu.wait_indirect_dma semaphore(%arg17 : memref<!tpu.dma_semaphore, #tpu.memory_space<semaphore_mem>>) src(%dma_wait3A_154 : memref<10240x128xf32, #tpu.memory_space<hbm>>) dst(%arg12 : memref<128x128xf32, #tpu.memory_space<vmem>>)
      "tpu.region"() ({
        %run_scoped3A = tpu.sem_alloc : memref<!tpu.dma_semaphore, #tpu.memory_space<semaphore_mem>>
        %dma_start3A = arith.constant 0 : i32
        %dma_start3A_161 = arith.constant 0 : i32
        %dma_start3A_162 = tpu.memref_slice %arg13[%dma_start3A, %dma_start3A_161] : memref<10240x128xf32, #tpu.memory_space<vmem_shared>> -> memref<10240x128xf32, #tpu.memory_space<vmem_shared>>
        tpu.enqueue_indirect_dma source(%arg12 : memref<128x128xf32, #tpu.memory_space<vmem>>) target(%dma_start3A_162 : memref<10240x128xf32, #tpu.memory_space<vmem_shared>>) offsets(%arg10 : memref<128xi32, #tpu.memory_space<vmem>>) semaphore(%run_scoped3A : memref<!tpu.dma_semaphore, #tpu.memory_space<semaphore_mem>>) {add = true}
        %dma_wait3A_163 = arith.constant 0 : i32
        %dma_wait3A_164 = arith.constant 0 : i32
        %dma_wait3A_165 = tpu.memref_slice %arg13[%dma_wait3A_163, %dma_wait3A_164] : memref<10240x128xf32, #tpu.memory_space<vmem_shared>> -> memref<10240x128xf32, #tpu.memory_space<vmem_shared>>
        tpu.wait_indirect_dma semaphore(%run_scoped3A : memref<!tpu.dma_semaphore, #tpu.memory_space<semaphore_mem>>) src(%arg12 : memref<128x128xf32, #tpu.memory_space<vmem>>) dst(%dma_wait3A_165 : memref<10240x128xf32, #tpu.memory_space<vmem_shared>>)
        tpu.yield
      }) : () -> ()
      %add3A_155 = arith.constant 2 : i32
      %add3A_156 = arith.addi %add3A_141, %add3A_155 : i32
      %lt3A_157 = arith.cmpi slt, %add3A_156, %select_n3A_8 : i32
      %convert_element_type3A_158 = arith.extui %lt3A_157 : i1 to i32
      %cond3A_159 = arith.constant 0 : i32
      %cond3A_160 = arith.cmpi ne, %convert_element_type3A_158, %cond3A_159 : i32
      scf.if %cond3A_160 {
        %add3A_161 = arith.addi %select_n3A, %add3A_141 : i32
        %add3A_162 = arith.constant 2 : i32
        %add3A_163 = arith.addi %add3A_161, %add3A_162 : i32
        %dma_start3A = arith.constant 0 : i32
        %dma_start3A_164 = tpu.memref_slice %arg5[%add3A_163, %dma_start3A] : memref<1344x128xi32, #tpu.memory_space<hbm>> -> memref<1x128xi32, #tpu.memory_space<hbm>>
        %dma_start3A_165 = tpu.memref_squeeze %dma_start3A_164 : memref<1x128xi32, #tpu.memory_space<hbm>> -> memref<128xi32, #tpu.memory_space<hbm>>
        %dma_start3A_166 = arith.constant 0 : i32
        %dma_start3A_167 = tpu.memref_slice %arg5[%add3A_163, %dma_start3A_166] : memref<1344x128xi32, #tpu.memory_space<hbm>> -> memref<1x128xi32, #tpu.memory_space<hbm>>
        %dma_start3A_168 = tpu.memref_squeeze %dma_start3A_167 : memref<1x128xi32, #tpu.memory_space<hbm>> -> memref<128xi32, #tpu.memory_space<hbm>>
        tpu.enqueue_dma source(%dma_start3A_168 : memref<128xi32, #tpu.memory_space<hbm>>) target(%arg10 : memref<128xi32, #tpu.memory_space<vmem>>) target_semaphore(%arg15 : memref<!tpu.dma_semaphore, #tpu.memory_space<semaphore_mem>>)
        %add3A_169 = arith.constant 2 : i32
        %add3A_170 = arith.addi %add3A_141, %add3A_169 : i32
        %dma_start3A_171 = arith.constant 0 : i32
        %dma_start3A_172 = tpu.memref_slice %arg8[%add3A_170, %dma_start3A_171] : memref<72x128xi32, #tpu.memory_space<vmem>> -> memref<1x128xi32, #tpu.memory_space<vmem>>
        %dma_start3A_173 = tpu.memref_squeeze %dma_start3A_172 : memref<1x128xi32, #tpu.memory_space<vmem>> -> memref<128xi32, #tpu.memory_space<vmem>>
        %dma_start3A_174 = arith.constant 0 : i32
        %dma_start3A_175 = arith.constant 0 : i32
        %dma_start3A_176 = tpu.memref_slice %arg2[%dma_start3A_174, %dma_start3A_175] : memref<10240x128xf32, #tpu.memory_space<hbm>> -> memref<10240x128xf32, #tpu.memory_space<hbm>>
        tpu.enqueue_indirect_dma source(%dma_start3A_176 : memref<10240x128xf32, #tpu.memory_space<hbm>>) target(%arg12 : memref<128x128xf32, #tpu.memory_space<vmem>>) offsets(%dma_start3A_173 : memref<128xi32, #tpu.memory_space<vmem>>) semaphore(%arg17 : memref<!tpu.dma_semaphore, #tpu.memory_space<semaphore_mem>>)
      } else {
      }
    }
    %while3A_51 = arith.constant 1 : i32
    scf.for %while3A_118 = %while3A_49 to %while3A_45 step %while3A_51  : i32 {
      %mul3A_119 = arith.constant 2 : i32
      %mul3A_120 = arith.muli %while3A_118, %mul3A_119 : i32
      %add3A_121 = arith.constant 0 : i32
      %add3A_122 = arith.addi %mul3A_120, %add3A_121 : i32
      %add3A_123 = arith.addi %select_n3A, %add3A_122 : i32
      %dma_wait3A = arith.constant 0 : i32
      %dma_wait3A_124 = tpu.memref_slice %arg5[%add3A_123, %dma_wait3A] : memref<1344x128xi32, #tpu.memory_space<hbm>> -> memref<1x128xi32, #tpu.memory_space<hbm>>
      %dma_wait3A_125 = tpu.memref_squeeze %dma_wait3A_124 : memref<1x128xi32, #tpu.memory_space<hbm>> -> memref<128xi32, #tpu.memory_space<hbm>>
      %dma_wait3A_126 = arith.constant 0 : i32
      %dma_wait3A_127 = tpu.memref_slice %arg5[%add3A_123, %dma_wait3A_126] : memref<1344x128xi32, #tpu.memory_space<hbm>> -> memref<1x128xi32, #tpu.memory_space<hbm>>
      %dma_wait3A_128 = tpu.memref_squeeze %dma_wait3A_127 : memref<1x128xi32, #tpu.memory_space<hbm>> -> memref<128xi32, #tpu.memory_space<hbm>>
      tpu.wait_dma2 semaphore(%arg14 : memref<!tpu.dma_semaphore, #tpu.memory_space<semaphore_mem>>) src(%dma_wait3A_128 : memref<128xi32, #tpu.memory_space<hbm>>) dst(%arg9 : memref<128xi32, #tpu.memory_space<vmem>>)
      %dma_wait3A_129 = arith.constant 0 : i32
      %dma_wait3A_130 = tpu.memref_slice %arg8[%add3A_122, %dma_wait3A_129] : memref<72x128xi32, #tpu.memory_space<vmem>> -> memref<1x128xi32, #tpu.memory_space<vmem>>
      %dma_wait3A_131 = tpu.memref_squeeze %dma_wait3A_130 : memref<1x128xi32, #tpu.memory_space<vmem>> -> memref<128xi32, #tpu.memory_space<vmem>>
      %dma_wait3A_132 = arith.constant 0 : i32
      %dma_wait3A_133 = arith.constant 0 : i32
      %dma_wait3A_134 = tpu.memref_slice %arg2[%dma_wait3A_132, %dma_wait3A_133] : memref<10240x128xf32, #tpu.memory_space<hbm>> -> memref<10240x128xf32, #tpu.memory_space<hbm>>
      tpu.wait_indirect_dma semaphore(%arg16 : memref<!tpu.dma_semaphore, #tpu.memory_space<semaphore_mem>>) src(%dma_wait3A_134 : memref<10240x128xf32, #tpu.memory_space<hbm>>) dst(%arg11 : memref<128x128xf32, #tpu.memory_space<vmem>>)
      "tpu.region"() ({
        %run_scoped3A = tpu.sem_alloc : memref<!tpu.dma_semaphore, #tpu.memory_space<semaphore_mem>>
        %dma_start3A = arith.constant 0 : i32
        %dma_start3A_161 = arith.constant 0 : i32
        %dma_start3A_162 = tpu.memref_slice %arg13[%dma_start3A, %dma_start3A_161] : memref<10240x128xf32, #tpu.memory_space<vmem_shared>> -> memref<10240x128xf32, #tpu.memory_space<vmem_shared>>
        tpu.enqueue_indirect_dma source(%arg11 : memref<128x128xf32, #tpu.memory_space<vmem>>) target(%dma_start3A_162 : memref<10240x128xf32, #tpu.memory_space<vmem_shared>>) offsets(%arg9 : memref<128xi32, #tpu.memory_space<vmem>>) semaphore(%run_scoped3A : memref<!tpu.dma_semaphore, #tpu.memory_space<semaphore_mem>>) {add = true}
        %dma_wait3A_163 = arith.constant 0 : i32
        %dma_wait3A_164 = arith.constant 0 : i32
        %dma_wait3A_165 = tpu.memref_slice %arg13[%dma_wait3A_163, %dma_wait3A_164] : memref<10240x128xf32, #tpu.memory_space<vmem_shared>> -> memref<10240x128xf32, #tpu.memory_space<vmem_shared>>
        tpu.wait_indirect_dma semaphore(%run_scoped3A : memref<!tpu.dma_semaphore, #tpu.memory_space<semaphore_mem>>) src(%arg11 : memref<128x128xf32, #tpu.memory_space<vmem>>) dst(%dma_wait3A_165 : memref<10240x128xf32, #tpu.memory_space<vmem_shared>>)
        tpu.yield
      }) : () -> ()
      %add3A_135 = arith.constant 2 : i32
      %add3A_136 = arith.addi %add3A_122, %add3A_135 : i32
      %lt3A = arith.cmpi slt, %add3A_136, %select_n3A_8 : i32
      %convert_element_type3A_137 = arith.extui %lt3A : i1 to i32
      %cond3A_138 = arith.constant 0 : i32
      %cond3A_139 = arith.cmpi ne, %convert_element_type3A_137, %cond3A_138 : i32
      scf.if %cond3A_139 {
        %add3A_161 = arith.addi %select_n3A, %add3A_122 : i32
        %add3A_162 = arith.constant 2 : i32
        %add3A_163 = arith.addi %add3A_161, %add3A_162 : i32
        %dma_start3A = arith.constant 0 : i32
        %dma_start3A_164 = tpu.memref_slice %arg5[%add3A_163, %dma_start3A] : memref<1344x128xi32, #tpu.memory_space<hbm>> -> memref<1x128xi32, #tpu.memory_space<hbm>>
        %dma_start3A_165 = tpu.memref_squeeze %dma_start3A_164 : memref<1x128xi32, #tpu.memory_space<hbm>> -> memref<128xi32, #tpu.memory_space<hbm>>
        %dma_start3A_166 = arith.constant 0 : i32
        %dma_start3A_167 = tpu.memref_slice %arg5[%add3A_163, %dma_start3A_166] : memref<1344x128xi32, #tpu.memory_space<hbm>> -> memref<1x128xi32, #tpu.memory_space<hbm>>
        %dma_start3A_168 = tpu.memref_squeeze %dma_start3A_167 : memref<1x128xi32, #tpu.memory_space<hbm>> -> memref<128xi32, #tpu.memory_space<hbm>>
        tpu.enqueue_dma source(%dma_start3A_168 : memref<128xi32, #tpu.memory_space<hbm>>) target(%arg9 : memref<128xi32, #tpu.memory_space<vmem>>) target_semaphore(%arg14 : memref<!tpu.dma_semaphore, #tpu.memory_space<semaphore_mem>>)
        %add3A_169 = arith.constant 2 : i32
        %add3A_170 = arith.addi %add3A_122, %add3A_169 : i32
        %dma_start3A_171 = arith.constant 0 : i32
        %dma_start3A_172 = tpu.memref_slice %arg8[%add3A_170, %dma_start3A_171] : memref<72x128xi32, #tpu.memory_space<vmem>> -> memref<1x128xi32, #tpu.memory_space<vmem>>
        %dma_start3A_173 = tpu.memref_squeeze %dma_start3A_172 : memref<1x128xi32, #tpu.memory_space<vmem>> -> memref<128xi32, #tpu.memory_space<vmem>>
        %dma_start3A_174 = arith.constant 0 : i32
        %dma_start3A_175 = arith.constant 0 : i32
        %dma_start3A_176 = tpu.memref_slice %arg2[%dma_start3A_174, %dma_start3A_175] : memref<10240x128xf32, #tpu.memory_space<hbm>> -> memref<10240x128xf32, #tpu.memory_space<hbm>>
        tpu.enqueue_indirect_dma source(%dma_start3A_176 : memref<10240x128xf32, #tpu.memory_space<hbm>>) target(%arg11 : memref<128x128xf32, #tpu.memory_space<vmem>>) offsets(%dma_start3A_173 : memref<128xi32, #tpu.memory_space<vmem>>) semaphore(%arg16 : memref<!tpu.dma_semaphore, #tpu.memory_space<semaphore_mem>>)
      } else {
      }
      %add3A_140 = arith.constant 1 : i32
      %add3A_141 = arith.addi %mul3A_120, %add3A_140 : i32
      %add3A_142 = arith.addi %select_n3A, %add3A_141 : i32
      %dma_wait3A_143 = arith.constant 0 : i32
      %dma_wait3A_144 = tpu.memref_slice %arg5[%add3A_142, %dma_wait3A_143] : memref<1344x128xi32, #tpu.memory_space<hbm>> -> memref<1x128xi32, #tpu.memory_space<hbm>>
      %dma_wait3A_145 = tpu.memref_squeeze %dma_wait3A_144 : memref<1x128xi32, #tpu.memory_space<hbm>> -> memref<128xi32, #tpu.memory_space<hbm>>
      %dma_wait3A_146 = arith.constant 0 : i32
      %dma_wait3A_147 = tpu.memref_slice %arg5[%add3A_142, %dma_wait3A_146] : memref<1344x128xi32, #tpu.memory_space<hbm>> -> memref<1x128xi32, #tpu.memory_space<hbm>>
      %dma_wait3A_148 = tpu.memref_squeeze %dma_wait3A_147 : memref<1x128xi32, #tpu.memory_space<hbm>> -> memref<128xi32, #tpu.memory_space<hbm>>
      tpu.wait_dma2 semaphore(%arg15 : memref<!tpu.dma_semaphore, #tpu.memory_space<semaphore_mem>>) src(%dma_wait3A_148 : memref<128xi32, #tpu.memory_space<hbm>>) dst(%arg10 : memref<128xi32, #tpu.memory_space<vmem>>)
      %dma_wait3A_149 = arith.constant 0 : i32
      %dma_wait3A_150 = tpu.memref_slice %arg8[%add3A_141, %dma_wait3A_149] : memref<72x128xi32, #tpu.memory_space<vmem>> -> memref<1x128xi32, #tpu.memory_space<vmem>>
      %dma_wait3A_151 = tpu.memref_squeeze %dma_wait3A_150 : memref<1x128xi32, #tpu.memory_space<vmem>> -> memref<128xi32, #tpu.memory_space<vmem>>
      %dma_wait3A_152 = arith.constant 0 : i32
      %dma_wait3A_153 = arith.constant 0 : i32
      %dma_wait3A_154 = tpu.memref_slice %arg2[%dma_wait3A_152, %dma_wait3A_153] : memref<10240x128xf32, #tpu.memory_space<hbm>> -> memref<10240x128xf32, #tpu.memory_space<hbm>>
      tpu.wait_indirect_dma semaphore(%arg17 : memref<!tpu.dma_semaphore, #tpu.memory_space<semaphore_mem>>) src(%dma_wait3A_154 : memref<10240x128xf32, #tpu.memory_space<hbm>>) dst(%arg12 : memref<128x128xf32, #tpu.memory_space<vmem>>)
      "tpu.region"() ({
        %run_scoped3A = tpu.sem_alloc : memref<!tpu.dma_semaphore, #tpu.memory_space<semaphore_mem>>
        %dma_start3A = arith.constant 0 : i32
        %dma_start3A_161 = arith.constant 0 : i32
        %dma_start3A_162 = tpu.memref_slice %arg13[%dma_start3A, %dma_start3A_161] : memref<10240x128xf32, #tpu.memory_space<vmem_shared>> -> memref<10240x128xf32, #tpu.memory_space<vmem_shared>>
        tpu.enqueue_indirect_dma source(%arg12 : memref<128x128xf32, #tpu.memory_space<vmem>>) target(%dma_start3A_162 : memref<10240x128xf32, #tpu.memory_space<vmem_shared>>) offsets(%arg10 : memref<128xi32, #tpu.memory_space<vmem>>) semaphore(%run_scoped3A : memref<!tpu.dma_semaphore, #tpu.memory_space<semaphore_mem>>) {add = true}
        %dma_wait3A_163 = arith.constant 0 : i32
        %dma_wait3A_164 = arith.constant 0 : i32
        %dma_wait3A_165 = tpu.memref_slice %arg13[%dma_wait3A_163, %dma_wait3A_164] : memref<10240x128xf32, #tpu.memory_space<vmem_shared>> -> memref<10240x128xf32, #tpu.memory_space<vmem_shared>>
        tpu.wait_indirect_dma semaphore(%run_scoped3A : memref<!tpu.dma_semaphore, #tpu.memory_space<semaphore_mem>>) src(%arg12 : memref<128x128xf32, #tpu.memory_space<vmem>>) dst(%dma_wait3A_165 : memref<10240x128xf32, #tpu.memory_space<vmem_shared>>)
        tpu.yield
      }) : () -> ()
      %add3A_155 = arith.constant 2 : i32
      %add3A_156 = arith.addi %add3A_141, %add3A_155 : i32
      %lt3A_157 = arith.cmpi slt, %add3A_156, %select_n3A_8 : i32
      %convert_element_type3A_158 = arith.extui %lt3A_157 : i1 to i32
      %cond3A_159 = arith.constant 0 : i32
      %cond3A_160 = arith.cmpi ne, %convert_element_type3A_158, %cond3A_159 : i32
      scf.if %cond3A_160 {
        %add3A_161 = arith.addi %select_n3A, %add3A_141 : i32
        %add3A_162 = arith.constant 2 : i32
        %add3A_163 = arith.addi %add3A_161, %add3A_162 : i32
        %dma_start3A = arith.constant 0 : i32
        %dma_start3A_164 = tpu.memref_slice %arg5[%add3A_163, %dma_start3A] : memref<1344x128xi32, #tpu.memory_space<hbm>> -> memref<1x128xi32, #tpu.memory_space<hbm>>
        %dma_start3A_165 = tpu.memref_squeeze %dma_start3A_164 : memref<1x128xi32, #tpu.memory_space<hbm>> -> memref<128xi32, #tpu.memory_space<hbm>>
        %dma_start3A_166 = arith.constant 0 : i32
        %dma_start3A_167 = tpu.memref_slice %arg5[%add3A_163, %dma_start3A_166] : memref<1344x128xi32, #tpu.memory_space<hbm>> -> memref<1x128xi32, #tpu.memory_space<hbm>>
        %dma_start3A_168 = tpu.memref_squeeze %dma_start3A_167 : memref<1x128xi32, #tpu.memory_space<hbm>> -> memref<128xi32, #tpu.memory_space<hbm>>
        tpu.enqueue_dma source(%dma_start3A_168 : memref<128xi32, #tpu.memory_space<hbm>>) target(%arg10 : memref<128xi32, #tpu.memory_space<vmem>>) target_semaphore(%arg15 : memref<!tpu.dma_semaphore, #tpu.memory_space<semaphore_mem>>)
        %add3A_169 = arith.constant 2 : i32
        %add3A_170 = arith.addi %add3A_141, %add3A_169 : i32
        %dma_start3A_171 = arith.constant 0 : i32
        %dma_start3A_172 = tpu.memref_slice %arg8[%add3A_170, %dma_start3A_171] : memref<72x128xi32, #tpu.memory_space<vmem>> -> memref<1x128xi32, #tpu.memory_space<vmem>>
        %dma_start3A_173 = tpu.memref_squeeze %dma_start3A_172 : memref<1x128xi32, #tpu.memory_space<vmem>> -> memref<128xi32, #tpu.memory_space<vmem>>
        %dma_start3A_174 = arith.constant 0 : i32
        %dma_start3A_175 = arith.constant 0 : i32
        %dma_start3A_176 = tpu.memref_slice %arg2[%dma_start3A_174, %dma_start3A_175] : memref<10240x128xf32, #tpu.memory_space<hbm>> -> memref<10240x128xf32, #tpu.memory_space<hbm>>
        tpu.enqueue_indirect_dma source(%dma_start3A_176 : memref<10240x128xf32, #tpu.memory_space<hbm>>) target(%arg12 : memref<128x128xf32, #tpu.memory_space<vmem>>) offsets(%dma_start3A_173 : memref<128xi32, #tpu.memory_space<vmem>>) semaphore(%arg17 : memref<!tpu.dma_semaphore, #tpu.memory_space<semaphore_mem>>)
      } else {
      }
    }
    %barrier3A_52 = arith.constant 0 : index
    tpu.barrier barrier_id(%barrier3A_52)
    %mul3A_53 = arith.constant 640 : i32
    %mul3A_54 = arith.muli %arg1, %mul3A_53 : i32
    %mul3A_55 = arith.constant 10240 : i32
    %mul3A_56 = arith.muli %arg0, %mul3A_55 : i32
    %mul3A_57 = arith.constant 640 : i32
    %mul3A_58 = arith.muli %arg1, %mul3A_57 : i32
    %add3A_59 = arith.addi %mul3A_56, %mul3A_58 : i32
    "tpu.region"() ({
      %run_scoped3A = tpu.sem_alloc : memref<!tpu.dma_semaphore, #tpu.memory_space<semaphore_mem>>
      %dma_start3A = arith.constant 0 : i32
      %dma_start3A_118 = tpu.memref_slice %arg6[%add3A_59, %dma_start3A] : memref<20480x128xf32, #tpu.memory_space<hbm>> -> memref<640x128xf32, #tpu.memory_space<hbm>>
      %dma_start3A_119 = arith.constant 0 : i32
      %dma_start3A_120 = tpu.memref_slice %arg13[%mul3A_54, %dma_start3A_119] : memref<10240x128xf32, #tpu.memory_space<vmem_shared>> -> memref<640x128xf32, #tpu.memory_space<vmem_shared>>
      tpu.enqueue_dma source(%dma_start3A_120 : memref<640x128xf32, #tpu.memory_space<vmem_shared>>) target(%dma_start3A_118 : memref<640x128xf32, #tpu.memory_space<hbm>>) target_semaphore(%run_scoped3A : memref<!tpu.dma_semaphore, #tpu.memory_space<semaphore_mem>>)
      %dma_wait3A = arith.constant 0 : i32
      %dma_wait3A_121 = tpu.memref_slice %arg6[%add3A_59, %dma_wait3A] : memref<20480x128xf32, #tpu.memory_space<hbm>> -> memref<640x128xf32, #tpu.memory_space<hbm>>
      %dma_wait3A_122 = arith.constant 0 : i32
      %dma_wait3A_123 = tpu.memref_slice %arg13[%mul3A_54, %dma_wait3A_122] : memref<10240x128xf32, #tpu.memory_space<vmem_shared>> -> memref<640x128xf32, #tpu.memory_space<vmem_shared>>
      tpu.wait_dma2 semaphore(%run_scoped3A : memref<!tpu.dma_semaphore, #tpu.memory_space<semaphore_mem>>) src(%dma_wait3A_123 : memref<640x128xf32, #tpu.memory_space<vmem_shared>>) dst(%dma_wait3A_121 : memref<640x128xf32, #tpu.memory_space<hbm>>)
      tpu.yield
    }) : () -> ()
    %scan3A_60 = arith.constant 0 : i32
    %scan3A_61 = arith.constant 128 : i32
    %scan3A_62 = arith.addi %scan3A_60, %scan3A_61 : i32
    %scan3A_63 = arith.constant 1 : i32
    scf.for %scan3A_118 = %scan3A_60 to %scan3A_62 step %scan3A_63  : i32 {
      %mul3A_119 = arith.constant 1 : i32
      %mul3A_120 = arith.muli %scan3A_118, %mul3A_119 : i32
      %add3A_121 = arith.constant 0 : i32
      %add3A_122 = arith.addi %add3A_121, %mul3A_120 : i32
      %scan3A_123 = arith.constant 0 : i32
      %scan3A_124 = arith.constant 8 : i32
      %scan3A_125 = arith.addi %scan3A_123, %scan3A_124 : i32
      %scan3A_126 = arith.constant 1 : i32
      scf.for %scan3A_128 = %scan3A_123 to %scan3A_125 step %scan3A_126  : i32 {
        %mul3A_129 = arith.constant 16 : i32
        %mul3A_130 = arith.muli %scan3A_128, %mul3A_129 : i32
        %add3A_131 = arith.constant 0 : i32
        %add3A_132 = arith.addi %add3A_131, %mul3A_130 : i32
        %broadcast_in_dim3A = arith.constant 0.000000e+00 : f32
        %broadcast_in_dim3A_133 = vector.broadcast %broadcast_in_dim3A : f32 to vector<16xf32>
        %swap3A = arith.index_cast %add3A_122 : i32 to index
        %swap3A_134 = arith.index_cast %add3A_132 : i32 to index
        %swap3A_135 = tpu.vector_load %arg11[%swap3A, %swap3A_134] {strides = array<i32>} : memref<128x128xf32, #tpu.memory_space<vmem>>, vector<1x16xf32>,
        %swap3A_136 = vector.shape_cast %swap3A_135 : vector<1x16xf32> to vector<16xf32>
        %swap3A_137 = vector.shape_cast %broadcast_in_dim3A_133 : vector<16xf32> to vector<1x16xf32>
        tpu.vector_store %arg11[%swap3A, %swap3A_134], %swap3A_137 {strides = array<i32>} : memref<128x128xf32, #tpu.memory_space<vmem>>, vector<1x16xf32>,
      }
      %scan3A_127 = arith.constant 8 : i32
    }
    %scan3A_64 = arith.constant 128 : i32
    %scan3A_65 = arith.constant 0 : i32
    %scan3A_66 = arith.constant 5 : i32
    %scan3A_67 = arith.addi %scan3A_65, %scan3A_66 : i32
    %scan3A_68 = arith.constant 1 : i32
    scf.for %scan3A_118 = %scan3A_65 to %scan3A_67 step %scan3A_68  : i32 {
      %mul3A_119 = arith.constant 128 : i32
      %mul3A_120 = arith.muli %scan3A_118, %mul3A_119 : i32
      %add3A_121 = arith.constant 0 : i32
      %add3A_122 = arith.addi %add3A_121, %mul3A_120 : i32
      %mul3A_123 = arith.constant 640 : i32
      %mul3A_124 = arith.muli %arg1, %mul3A_123 : i32
      %add3A_125 = arith.addi %mul3A_124, %add3A_122 : i32
      "tpu.region"() ({
        %run_scoped3A = tpu.sem_alloc : memref<!tpu.dma_semaphore, #tpu.memory_space<semaphore_mem>>
        %dma_start3A = arith.constant 0 : i32
        %dma_start3A_126 = tpu.memref_slice %arg13[%add3A_125, %dma_start3A] : memref<10240x128xf32, #tpu.memory_space<vmem_shared>> -> memref<128x128xf32, #tpu.memory_space<vmem_shared>>
        %dma_start3A_127 = arith.constant 0 : i32
        %dma_start3A_128 = tpu.memref_slice %arg13[%add3A_125, %dma_start3A_127] : memref<10240x128xf32, #tpu.memory_space<vmem_shared>> -> memref<128x128xf32, #tpu.memory_space<vmem_shared>>
        tpu.enqueue_dma source(%arg11 : memref<128x128xf32, #tpu.memory_space<vmem>>) target(%dma_start3A_128 : memref<128x128xf32, #tpu.memory_space<vmem_shared>>) target_semaphore(%run_scoped3A : memref<!tpu.dma_semaphore, #tpu.memory_space<semaphore_mem>>)
        %dma_wait3A = arith.constant 0 : i32
        %dma_wait3A_129 = tpu.memref_slice %arg13[%add3A_125, %dma_wait3A] : memref<10240x128xf32, #tpu.memory_space<vmem_shared>> -> memref<128x128xf32, #tpu.memory_space<vmem_shared>>
        %dma_wait3A_130 = arith.constant 0 : i32
        %dma_wait3A_131 = tpu.memref_slice %arg13[%add3A_125, %dma_wait3A_130] : memref<10240x128xf32, #tpu.memory_space<vmem_shared>> -> memref<128x128xf32, #tpu.memory_space<vmem_shared>>
        tpu.wait_dma2 semaphore(%run_scoped3A : memref<!tpu.dma_semaphore, #tpu.memory_space<semaphore_mem>>) src(%arg11 : memref<128x128xf32, #tpu.memory_space<vmem>>) dst(%dma_wait3A_131 : memref<128x128xf32, #tpu.memory_space<vmem_shared>>)
        tpu.yield
      }) : () -> ()
    }
    %scan3A_69 = arith.constant 5 : i32
    %gt3A_70 = arith.constant 0 : i32
    %gt3A_71 = arith.cmpi sgt, %select_n3A_8, %gt3A_70 : i32
    %convert_element_type3A_72 = arith.extui %gt3A_71 : i1 to i32
    %cond3A_73 = arith.constant 0 : i32
    %cond3A_74 = arith.cmpi ne, %convert_element_type3A_72, %cond3A_73 : i32
    scf.if %cond3A_74 {
      %gt3A_118 = arith.constant 0 : i32
      %gt3A_119 = arith.cmpi sgt, %select_n3A_8, %gt3A_118 : i32
      %convert_element_type3A_120 = arith.extui %gt3A_119 : i1 to i32
      %cond3A_121 = arith.constant 0 : i32
      %cond3A_122 = arith.cmpi ne, %convert_element_type3A_120, %cond3A_121 : i32
      scf.if %cond3A_122 {
        %add3A_128 = arith.constant 0 : i32
        %add3A_129 = arith.addi %select_n3A, %add3A_128 : i32
        %dma_start3A = arith.constant 0 : i32
        %dma_start3A_130 = tpu.memref_slice %arg5[%add3A_129, %dma_start3A] : memref<1344x128xi32, #tpu.memory_space<hbm>> -> memref<1x128xi32, #tpu.memory_space<hbm>>
        %dma_start3A_131 = tpu.memref_squeeze %dma_start3A_130 : memref<1x128xi32, #tpu.memory_space<hbm>> -> memref<128xi32, #tpu.memory_space<hbm>>
        %dma_start3A_132 = arith.constant 0 : i32
        %dma_start3A_133 = tpu.memref_slice %arg5[%add3A_129, %dma_start3A_132] : memref<1344x128xi32, #tpu.memory_space<hbm>> -> memref<1x128xi32, #tpu.memory_space<hbm>>
        %dma_start3A_134 = tpu.memref_squeeze %dma_start3A_133 : memref<1x128xi32, #tpu.memory_space<hbm>> -> memref<128xi32, #tpu.memory_space<hbm>>
        tpu.enqueue_dma source(%dma_start3A_134 : memref<128xi32, #tpu.memory_space<hbm>>) target(%arg9 : memref<128xi32, #tpu.memory_space<vmem>>) target_semaphore(%arg14 : memref<!tpu.dma_semaphore, #tpu.memory_space<semaphore_mem>>)
        %dma_start3A_135 = arith.constant 0 : i32
        %dma_start3A_136 = arith.constant 0 : i32
        %dma_start3A_137 = tpu.memref_slice %arg8[%dma_start3A_135, %dma_start3A_136] : memref<72x128xi32, #tpu.memory_space<vmem>> -> memref<1x128xi32, #tpu.memory_space<vmem>>
        %dma_start3A_138 = tpu.memref_squeeze %dma_start3A_137 : memref<1x128xi32, #tpu.memory_space<vmem>> -> memref<128xi32, #tpu.memory_space<vmem>>
        %dma_start3A_139 = arith.constant 0 : i32
        %dma_start3A_140 = arith.constant 0 : i32
        %dma_start3A_141 = tpu.memref_slice %arg3[%dma_start3A_139, %dma_start3A_140] : memref<10240x128xf32, #tpu.memory_space<hbm>> -> memref<10240x128xf32, #tpu.memory_space<hbm>>
        tpu.enqueue_indirect_dma source(%dma_start3A_141 : memref<10240x128xf32, #tpu.memory_space<hbm>>) target(%arg11 : memref<128x128xf32, #tpu.memory_space<vmem>>) offsets(%dma_start3A_138 : memref<128xi32, #tpu.memory_space<vmem>>) semaphore(%arg16 : memref<!tpu.dma_semaphore, #tpu.memory_space<semaphore_mem>>)
      } else {
      }
      %gt3A_123 = arith.constant 1 : i32
      %gt3A_124 = arith.cmpi sgt, %select_n3A_8, %gt3A_123 : i32
      %convert_element_type3A_125 = arith.extui %gt3A_124 : i1 to i32
      %cond3A_126 = arith.constant 0 : i32
      %cond3A_127 = arith.cmpi ne, %convert_element_type3A_125, %cond3A_126 : i32
      scf.if %cond3A_127 {
        %add3A_128 = arith.constant 1 : i32
        %add3A_129 = arith.addi %select_n3A, %add3A_128 : i32
        %dma_start3A = arith.constant 0 : i32
        %dma_start3A_130 = tpu.memref_slice %arg5[%add3A_129, %dma_start3A] : memref<1344x128xi32, #tpu.memory_space<hbm>> -> memref<1x128xi32, #tpu.memory_space<hbm>>
        %dma_start3A_131 = tpu.memref_squeeze %dma_start3A_130 : memref<1x128xi32, #tpu.memory_space<hbm>> -> memref<128xi32, #tpu.memory_space<hbm>>
        %dma_start3A_132 = arith.constant 0 : i32
        %dma_start3A_133 = tpu.memref_slice %arg5[%add3A_129, %dma_start3A_132] : memref<1344x128xi32, #tpu.memory_space<hbm>> -> memref<1x128xi32, #tpu.memory_space<hbm>>
        %dma_start3A_134 = tpu.memref_squeeze %dma_start3A_133 : memref<1x128xi32, #tpu.memory_space<hbm>> -> memref<128xi32, #tpu.memory_space<hbm>>
        tpu.enqueue_dma source(%dma_start3A_134 : memref<128xi32, #tpu.memory_space<hbm>>) target(%arg10 : memref<128xi32, #tpu.memory_space<vmem>>) target_semaphore(%arg15 : memref<!tpu.dma_semaphore, #tpu.memory_space<semaphore_mem>>)
        %dma_start3A_135 = arith.constant 1 : i32
        %dma_start3A_136 = arith.constant 0 : i32
        %dma_start3A_137 = tpu.memref_slice %arg8[%dma_start3A_135, %dma_start3A_136] : memref<72x128xi32, #tpu.memory_space<vmem>> -> memref<1x128xi32, #tpu.memory_space<vmem>>
        %dma_start3A_138 = tpu.memref_squeeze %dma_start3A_137 : memref<1x128xi32, #tpu.memory_space<vmem>> -> memref<128xi32, #tpu.memory_space<vmem>>
        %dma_start3A_139 = arith.constant 0 : i32
        %dma_start3A_140 = arith.constant 0 : i32
        %dma_start3A_141 = tpu.memref_slice %arg3[%dma_start3A_139, %dma_start3A_140] : memref<10240x128xf32, #tpu.memory_space<hbm>> -> memref<10240x128xf32, #tpu.memory_space<hbm>>
        tpu.enqueue_indirect_dma source(%dma_start3A_141 : memref<10240x128xf32, #tpu.memory_space<hbm>>) target(%arg12 : memref<128x128xf32, #tpu.memory_space<vmem>>) offsets(%dma_start3A_138 : memref<128xi32, #tpu.memory_space<vmem>>) semaphore(%arg17 : memref<!tpu.dma_semaphore, #tpu.memory_space<semaphore_mem>>)
      } else {
      }
    } else {
    }
    %barrier3A_75 = arith.constant 0 : index
    tpu.barrier barrier_id(%barrier3A_75)
    %jit3A_76 = arith.constant 2 : i32
    %div3A_77 = arith.divsi %select_n3A_8, %jit3A_76 : i32
    %sign3A_78 = arith.constant 0 : i32
    %sign3A_79 = arith.cmpi sgt, %select_n3A_8, %sign3A_78 : i32
    %sign3A_80 = arith.extui %sign3A_79 : i1 to i32
    %sign3A_81 = arith.constant 0 : i32
    %sign3A_82 = arith.cmpi slt, %select_n3A_8, %sign3A_81 : i32
    %sign3A_83 = arith.extui %sign3A_82 : i1 to i32
    %sign3A_84 = arith.subi %sign3A_80, %sign3A_83 : i32
    %sign3A_85 = arith.constant 0 : i32
    %sign3A_86 = arith.cmpi sgt, %jit3A_76, %sign3A_85 : i32
    %sign3A_87 = arith.extui %sign3A_86 : i1 to i32
    %sign3A_88 = arith.constant 0 : i32
    %sign3A_89 = arith.cmpi slt, %jit3A_76, %sign3A_88 : i32
    %sign3A_90 = arith.extui %sign3A_89 : i1 to i32
    %sign3A_91 = arith.subi %sign3A_87, %sign3A_90 : i32
    %ne3A_92 = arith.cmpi ne, %sign3A_84, %sign3A_91 : i32
    %rem3A_93 = arith.remsi %select_n3A_8, %jit3A_76 : i32
    %ne3A_94 = arith.constant 0 : i32
    %ne3A_95 = arith.cmpi ne, %rem3A_93, %ne3A_94 : i32
    %and3A_96 = arith.andi %ne3A_92, %ne3A_95 : i1
    %sub3A_97 = arith.constant 1 : i32
    %sub3A_98 = arith.subi %div3A_77, %sub3A_97 : i32
    %select_n3A_99 = arith.select %and3A_96, %sub3A_98, %div3A_77 : i32
    %while3A_100 = arith.constant 0 : i32
    %while3A_101 = arith.constant 0 : i32
    %while3A_102 = arith.subi %select_n3A_99, %while3A_101 : i32
    %while3A_103 = arith.addi %while3A_101, %while3A_102 : i32
    %while3A_104 = arith.constant 1 : i32
    %while3A_105 = arith.divsi %while3A_102, %while3A_104 : i32
    %while3A_106 = arith.muli %while3A_105, %while3A_104 : i32
    %while3A_107 = arith.addi %while3A_101, %while3A_106 : i32
    %while3A_108 = arith.constant 1 : i32
    scf.for %while3A_118 = %while3A_101 to %while3A_107 step %while3A_108  : i32 {
      %mul3A_119 = arith.constant 2 : i32
      %mul3A_120 = arith.muli %while3A_118, %mul3A_119 : i32
      %add3A_121 = arith.constant 0 : i32
      %add3A_122 = arith.addi %mul3A_120, %add3A_121 : i32
      %add3A_123 = arith.addi %select_n3A, %add3A_122 : i32
      %dma_wait3A = arith.constant 0 : i32
      %dma_wait3A_124 = tpu.memref_slice %arg5[%add3A_123, %dma_wait3A] : memref<1344x128xi32, #tpu.memory_space<hbm>> -> memref<1x128xi32, #tpu.memory_space<hbm>>
      %dma_wait3A_125 = tpu.memref_squeeze %dma_wait3A_124 : memref<1x128xi32, #tpu.memory_space<hbm>> -> memref<128xi32, #tpu.memory_space<hbm>>
      %dma_wait3A_126 = arith.constant 0 : i32
      %dma_wait3A_127 = tpu.memref_slice %arg5[%add3A_123, %dma_wait3A_126] : memref<1344x128xi32, #tpu.memory_space<hbm>> -> memref<1x128xi32, #tpu.memory_space<hbm>>
      %dma_wait3A_128 = tpu.memref_squeeze %dma_wait3A_127 : memref<1x128xi32, #tpu.memory_space<hbm>> -> memref<128xi32, #tpu.memory_space<hbm>>
      tpu.wait_dma2 semaphore(%arg14 : memref<!tpu.dma_semaphore, #tpu.memory_space<semaphore_mem>>) src(%dma_wait3A_128 : memref<128xi32, #tpu.memory_space<hbm>>) dst(%arg9 : memref<128xi32, #tpu.memory_space<vmem>>)
      %dma_wait3A_129 = arith.constant 0 : i32
      %dma_wait3A_130 = tpu.memref_slice %arg8[%add3A_122, %dma_wait3A_129] : memref<72x128xi32, #tpu.memory_space<vmem>> -> memref<1x128xi32, #tpu.memory_space<vmem>>
      %dma_wait3A_131 = tpu.memref_squeeze %dma_wait3A_130 : memref<1x128xi32, #tpu.memory_space<vmem>> -> memref<128xi32, #tpu.memory_space<vmem>>
      %dma_wait3A_132 = arith.constant 0 : i32
      %dma_wait3A_133 = arith.constant 0 : i32
      %dma_wait3A_134 = tpu.memref_slice %arg3[%dma_wait3A_132, %dma_wait3A_133] : memref<10240x128xf32, #tpu.memory_space<hbm>> -> memref<10240x128xf32, #tpu.memory_space<hbm>>
      tpu.wait_indirect_dma semaphore(%arg16 : memref<!tpu.dma_semaphore, #tpu.memory_space<semaphore_mem>>) src(%dma_wait3A_134 : memref<10240x128xf32, #tpu.memory_space<hbm>>) dst(%arg11 : memref<128x128xf32, #tpu.memory_space<vmem>>)
      "tpu.region"() ({
        %run_scoped3A = tpu.sem_alloc : memref<!tpu.dma_semaphore, #tpu.memory_space<semaphore_mem>>
        %dma_start3A = arith.constant 0 : i32
        %dma_start3A_161 = arith.constant 0 : i32
        %dma_start3A_162 = tpu.memref_slice %arg13[%dma_start3A, %dma_start3A_161] : memref<10240x128xf32, #tpu.memory_space<vmem_shared>> -> memref<10240x128xf32, #tpu.memory_space<vmem_shared>>
        tpu.enqueue_indirect_dma source(%arg11 : memref<128x128xf32, #tpu.memory_space<vmem>>) target(%dma_start3A_162 : memref<10240x128xf32, #tpu.memory_space<vmem_shared>>) offsets(%arg9 : memref<128xi32, #tpu.memory_space<vmem>>) semaphore(%run_scoped3A : memref<!tpu.dma_semaphore, #tpu.memory_space<semaphore_mem>>) {add = true}
        %dma_wait3A_163 = arith.constant 0 : i32
        %dma_wait3A_164 = arith.constant 0 : i32
        %dma_wait3A_165 = tpu.memref_slice %arg13[%dma_wait3A_163, %dma_wait3A_164] : memref<10240x128xf32, #tpu.memory_space<vmem_shared>> -> memref<10240x128xf32, #tpu.memory_space<vmem_shared>>
        tpu.wait_indirect_dma semaphore(%run_scoped3A : memref<!tpu.dma_semaphore, #tpu.memory_space<semaphore_mem>>) src(%arg11 : memref<128x128xf32, #tpu.memory_space<vmem>>) dst(%dma_wait3A_165 : memref<10240x128xf32, #tpu.memory_space<vmem_shared>>)
        tpu.yield
      }) : () -> ()
      %add3A_135 = arith.constant 2 : i32
      %add3A_136 = arith.addi %add3A_122, %add3A_135 : i32
      %lt3A = arith.cmpi slt, %add3A_136, %select_n3A_8 : i32
      %convert_element_type3A_137 = arith.extui %lt3A : i1 to i32
      %cond3A_138 = arith.constant 0 : i32
      %cond3A_139 = arith.cmpi ne, %convert_element_type3A_137, %cond3A_138 : i32
      scf.if %cond3A_139 {
        %add3A_161 = arith.addi %select_n3A, %add3A_122 : i32
        %add3A_162 = arith.constant 2 : i32
        %add3A_163 = arith.addi %add3A_161, %add3A_162 : i32
        %dma_start3A = arith.constant 0 : i32
        %dma_start3A_164 = tpu.memref_slice %arg5[%add3A_163, %dma_start3A] : memref<1344x128xi32, #tpu.memory_space<hbm>> -> memref<1x128xi32, #tpu.memory_space<hbm>>
        %dma_start3A_165 = tpu.memref_squeeze %dma_start3A_164 : memref<1x128xi32, #tpu.memory_space<hbm>> -> memref<128xi32, #tpu.memory_space<hbm>>
        %dma_start3A_166 = arith.constant 0 : i32
        %dma_start3A_167 = tpu.memref_slice %arg5[%add3A_163, %dma_start3A_166] : memref<1344x128xi32, #tpu.memory_space<hbm>> -> memref<1x128xi32, #tpu.memory_space<hbm>>
        %dma_start3A_168 = tpu.memref_squeeze %dma_start3A_167 : memref<1x128xi32, #tpu.memory_space<hbm>> -> memref<128xi32, #tpu.memory_space<hbm>>
        tpu.enqueue_dma source(%dma_start3A_168 : memref<128xi32, #tpu.memory_space<hbm>>) target(%arg9 : memref<128xi32, #tpu.memory_space<vmem>>) target_semaphore(%arg14 : memref<!tpu.dma_semaphore, #tpu.memory_space<semaphore_mem>>)
        %add3A_169 = arith.constant 2 : i32
        %add3A_170 = arith.addi %add3A_122, %add3A_169 : i32
        %dma_start3A_171 = arith.constant 0 : i32
        %dma_start3A_172 = tpu.memref_slice %arg8[%add3A_170, %dma_start3A_171] : memref<72x128xi32, #tpu.memory_space<vmem>> -> memref<1x128xi32, #tpu.memory_space<vmem>>
        %dma_start3A_173 = tpu.memref_squeeze %dma_start3A_172 : memref<1x128xi32, #tpu.memory_space<vmem>> -> memref<128xi32, #tpu.memory_space<vmem>>
        %dma_start3A_174 = arith.constant 0 : i32
        %dma_start3A_175 = arith.constant 0 : i32
        %dma_start3A_176 = tpu.memref_slice %arg3[%dma_start3A_174, %dma_start3A_175] : memref<10240x128xf32, #tpu.memory_space<hbm>> -> memref<10240x128xf32, #tpu.memory_space<hbm>>
        tpu.enqueue_indirect_dma source(%dma_start3A_176 : memref<10240x128xf32, #tpu.memory_space<hbm>>) target(%arg11 : memref<128x128xf32, #tpu.memory_space<vmem>>) offsets(%dma_start3A_173 : memref<128xi32, #tpu.memory_space<vmem>>) semaphore(%arg16 : memref<!tpu.dma_semaphore, #tpu.memory_space<semaphore_mem>>)
      } else {
      }
      %add3A_140 = arith.constant 1 : i32
      %add3A_141 = arith.addi %mul3A_120, %add3A_140 : i32
      %add3A_142 = arith.addi %select_n3A, %add3A_141 : i32
      %dma_wait3A_143 = arith.constant 0 : i32
      %dma_wait3A_144 = tpu.memref_slice %arg5[%add3A_142, %dma_wait3A_143] : memref<1344x128xi32, #tpu.memory_space<hbm>> -> memref<1x128xi32, #tpu.memory_space<hbm>>
      %dma_wait3A_145 = tpu.memref_squeeze %dma_wait3A_144 : memref<1x128xi32, #tpu.memory_space<hbm>> -> memref<128xi32, #tpu.memory_space<hbm>>
      %dma_wait3A_146 = arith.constant 0 : i32
      %dma_wait3A_147 = tpu.memref_slice %arg5[%add3A_142, %dma_wait3A_146] : memref<1344x128xi32, #tpu.memory_space<hbm>> -> memref<1x128xi32, #tpu.memory_space<hbm>>
      %dma_wait3A_148 = tpu.memref_squeeze %dma_wait3A_147 : memref<1x128xi32, #tpu.memory_space<hbm>> -> memref<128xi32, #tpu.memory_space<hbm>>
      tpu.wait_dma2 semaphore(%arg15 : memref<!tpu.dma_semaphore, #tpu.memory_space<semaphore_mem>>) src(%dma_wait3A_148 : memref<128xi32, #tpu.memory_space<hbm>>) dst(%arg10 : memref<128xi32, #tpu.memory_space<vmem>>)
      %dma_wait3A_149 = arith.constant 0 : i32
      %dma_wait3A_150 = tpu.memref_slice %arg8[%add3A_141, %dma_wait3A_149] : memref<72x128xi32, #tpu.memory_space<vmem>> -> memref<1x128xi32, #tpu.memory_space<vmem>>
      %dma_wait3A_151 = tpu.memref_squeeze %dma_wait3A_150 : memref<1x128xi32, #tpu.memory_space<vmem>> -> memref<128xi32, #tpu.memory_space<vmem>>
      %dma_wait3A_152 = arith.constant 0 : i32
      %dma_wait3A_153 = arith.constant 0 : i32
      %dma_wait3A_154 = tpu.memref_slice %arg3[%dma_wait3A_152, %dma_wait3A_153] : memref<10240x128xf32, #tpu.memory_space<hbm>> -> memref<10240x128xf32, #tpu.memory_space<hbm>>
      tpu.wait_indirect_dma semaphore(%arg17 : memref<!tpu.dma_semaphore, #tpu.memory_space<semaphore_mem>>) src(%dma_wait3A_154 : memref<10240x128xf32, #tpu.memory_space<hbm>>) dst(%arg12 : memref<128x128xf32, #tpu.memory_space<vmem>>)
      "tpu.region"() ({
        %run_scoped3A = tpu.sem_alloc : memref<!tpu.dma_semaphore, #tpu.memory_space<semaphore_mem>>
        %dma_start3A = arith.constant 0 : i32
        %dma_start3A_161 = arith.constant 0 : i32
        %dma_start3A_162 = tpu.memref_slice %arg13[%dma_start3A, %dma_start3A_161] : memref<10240x128xf32, #tpu.memory_space<vmem_shared>> -> memref<10240x128xf32, #tpu.memory_space<vmem_shared>>
        tpu.enqueue_indirect_dma source(%arg12 : memref<128x128xf32, #tpu.memory_space<vmem>>) target(%dma_start3A_162 : memref<10240x128xf32, #tpu.memory_space<vmem_shared>>) offsets(%arg10 : memref<128xi32, #tpu.memory_space<vmem>>) semaphore(%run_scoped3A : memref<!tpu.dma_semaphore, #tpu.memory_space<semaphore_mem>>) {add = true}
        %dma_wait3A_163 = arith.constant 0 : i32
        %dma_wait3A_164 = arith.constant 0 : i32
        %dma_wait3A_165 = tpu.memref_slice %arg13[%dma_wait3A_163, %dma_wait3A_164] : memref<10240x128xf32, #tpu.memory_space<vmem_shared>> -> memref<10240x128xf32, #tpu.memory_space<vmem_shared>>
        tpu.wait_indirect_dma semaphore(%run_scoped3A : memref<!tpu.dma_semaphore, #tpu.memory_space<semaphore_mem>>) src(%arg12 : memref<128x128xf32, #tpu.memory_space<vmem>>) dst(%dma_wait3A_165 : memref<10240x128xf32, #tpu.memory_space<vmem_shared>>)
        tpu.yield
      }) : () -> ()
      %add3A_155 = arith.constant 2 : i32
      %add3A_156 = arith.addi %add3A_141, %add3A_155 : i32
      %lt3A_157 = arith.cmpi slt, %add3A_156, %select_n3A_8 : i32
      %convert_element_type3A_158 = arith.extui %lt3A_157 : i1 to i32
      %cond3A_159 = arith.constant 0 : i32
      %cond3A_160 = arith.cmpi ne, %convert_element_type3A_158, %cond3A_159 : i32
      scf.if %cond3A_160 {
        %add3A_161 = arith.addi %select_n3A, %add3A_141 : i32
        %add3A_162 = arith.constant 2 : i32
        %add3A_163 = arith.addi %add3A_161, %add3A_162 : i32
        %dma_start3A = arith.constant 0 : i32
        %dma_start3A_164 = tpu.memref_slice %arg5[%add3A_163, %dma_start3A] : memref<1344x128xi32, #tpu.memory_space<hbm>> -> memref<1x128xi32, #tpu.memory_space<hbm>>
        %dma_start3A_165 = tpu.memref_squeeze %dma_start3A_164 : memref<1x128xi32, #tpu.memory_space<hbm>> -> memref<128xi32, #tpu.memory_space<hbm>>
        %dma_start3A_166 = arith.constant 0 : i32
        %dma_start3A_167 = tpu.memref_slice %arg5[%add3A_163, %dma_start3A_166] : memref<1344x128xi32, #tpu.memory_space<hbm>> -> memref<1x128xi32, #tpu.memory_space<hbm>>
        %dma_start3A_168 = tpu.memref_squeeze %dma_start3A_167 : memref<1x128xi32, #tpu.memory_space<hbm>> -> memref<128xi32, #tpu.memory_space<hbm>>
        tpu.enqueue_dma source(%dma_start3A_168 : memref<128xi32, #tpu.memory_space<hbm>>) target(%arg10 : memref<128xi32, #tpu.memory_space<vmem>>) target_semaphore(%arg15 : memref<!tpu.dma_semaphore, #tpu.memory_space<semaphore_mem>>)
        %add3A_169 = arith.constant 2 : i32
        %add3A_170 = arith.addi %add3A_141, %add3A_169 : i32
        %dma_start3A_171 = arith.constant 0 : i32
        %dma_start3A_172 = tpu.memref_slice %arg8[%add3A_170, %dma_start3A_171] : memref<72x128xi32, #tpu.memory_space<vmem>> -> memref<1x128xi32, #tpu.memory_space<vmem>>
        %dma_start3A_173 = tpu.memref_squeeze %dma_start3A_172 : memref<1x128xi32, #tpu.memory_space<vmem>> -> memref<128xi32, #tpu.memory_space<vmem>>
        %dma_start3A_174 = arith.constant 0 : i32
        %dma_start3A_175 = arith.constant 0 : i32
        %dma_start3A_176 = tpu.memref_slice %arg3[%dma_start3A_174, %dma_start3A_175] : memref<10240x128xf32, #tpu.memory_space<hbm>> -> memref<10240x128xf32, #tpu.memory_space<hbm>>
        tpu.enqueue_indirect_dma source(%dma_start3A_176 : memref<10240x128xf32, #tpu.memory_space<hbm>>) target(%arg12 : memref<128x128xf32, #tpu.memory_space<vmem>>) offsets(%dma_start3A_173 : memref<128xi32, #tpu.memory_space<vmem>>) semaphore(%arg17 : memref<!tpu.dma_semaphore, #tpu.memory_space<semaphore_mem>>)
      } else {
      }
    }
    %while3A_109 = arith.constant 1 : i32
    scf.for %while3A_118 = %while3A_107 to %while3A_103 step %while3A_109  : i32 {
      %mul3A_119 = arith.constant 2 : i32
      %mul3A_120 = arith.muli %while3A_118, %mul3A_119 : i32
      %add3A_121 = arith.constant 0 : i32
      %add3A_122 = arith.addi %mul3A_120, %add3A_121 : i32
      %add3A_123 = arith.addi %select_n3A, %add3A_122 : i32
      %dma_wait3A = arith.constant 0 : i32
      %dma_wait3A_124 = tpu.memref_slice %arg5[%add3A_123, %dma_wait3A] : memref<1344x128xi32, #tpu.memory_space<hbm>> -> memref<1x128xi32, #tpu.memory_space<hbm>>
      %dma_wait3A_125 = tpu.memref_squeeze %dma_wait3A_124 : memref<1x128xi32, #tpu.memory_space<hbm>> -> memref<128xi32, #tpu.memory_space<hbm>>
      %dma_wait3A_126 = arith.constant 0 : i32
      %dma_wait3A_127 = tpu.memref_slice %arg5[%add3A_123, %dma_wait3A_126] : memref<1344x128xi32, #tpu.memory_space<hbm>> -> memref<1x128xi32, #tpu.memory_space<hbm>>
      %dma_wait3A_128 = tpu.memref_squeeze %dma_wait3A_127 : memref<1x128xi32, #tpu.memory_space<hbm>> -> memref<128xi32, #tpu.memory_space<hbm>>
      tpu.wait_dma2 semaphore(%arg14 : memref<!tpu.dma_semaphore, #tpu.memory_space<semaphore_mem>>) src(%dma_wait3A_128 : memref<128xi32, #tpu.memory_space<hbm>>) dst(%arg9 : memref<128xi32, #tpu.memory_space<vmem>>)
      %dma_wait3A_129 = arith.constant 0 : i32
      %dma_wait3A_130 = tpu.memref_slice %arg8[%add3A_122, %dma_wait3A_129] : memref<72x128xi32, #tpu.memory_space<vmem>> -> memref<1x128xi32, #tpu.memory_space<vmem>>
      %dma_wait3A_131 = tpu.memref_squeeze %dma_wait3A_130 : memref<1x128xi32, #tpu.memory_space<vmem>> -> memref<128xi32, #tpu.memory_space<vmem>>
      %dma_wait3A_132 = arith.constant 0 : i32
      %dma_wait3A_133 = arith.constant 0 : i32
      %dma_wait3A_134 = tpu.memref_slice %arg3[%dma_wait3A_132, %dma_wait3A_133] : memref<10240x128xf32, #tpu.memory_space<hbm>> -> memref<10240x128xf32, #tpu.memory_space<hbm>>
      tpu.wait_indirect_dma semaphore(%arg16 : memref<!tpu.dma_semaphore, #tpu.memory_space<semaphore_mem>>) src(%dma_wait3A_134 : memref<10240x128xf32, #tpu.memory_space<hbm>>) dst(%arg11 : memref<128x128xf32, #tpu.memory_space<vmem>>)
      "tpu.region"() ({
        %run_scoped3A = tpu.sem_alloc : memref<!tpu.dma_semaphore, #tpu.memory_space<semaphore_mem>>
        %dma_start3A = arith.constant 0 : i32
        %dma_start3A_161 = arith.constant 0 : i32
        %dma_start3A_162 = tpu.memref_slice %arg13[%dma_start3A, %dma_start3A_161] : memref<10240x128xf32, #tpu.memory_space<vmem_shared>> -> memref<10240x128xf32, #tpu.memory_space<vmem_shared>>
        tpu.enqueue_indirect_dma source(%arg11 : memref<128x128xf32, #tpu.memory_space<vmem>>) target(%dma_start3A_162 : memref<10240x128xf32, #tpu.memory_space<vmem_shared>>) offsets(%arg9 : memref<128xi32, #tpu.memory_space<vmem>>) semaphore(%run_scoped3A : memref<!tpu.dma_semaphore, #tpu.memory_space<semaphore_mem>>) {add = true}
        %dma_wait3A_163 = arith.constant 0 : i32
        %dma_wait3A_164 = arith.constant 0 : i32
        %dma_wait3A_165 = tpu.memref_slice %arg13[%dma_wait3A_163, %dma_wait3A_164] : memref<10240x128xf32, #tpu.memory_space<vmem_shared>> -> memref<10240x128xf32, #tpu.memory_space<vmem_shared>>
        tpu.wait_indirect_dma semaphore(%run_scoped3A : memref<!tpu.dma_semaphore, #tpu.memory_space<semaphore_mem>>) src(%arg11 : memref<128x128xf32, #tpu.memory_space<vmem>>) dst(%dma_wait3A_165 : memref<10240x128xf32, #tpu.memory_space<vmem_shared>>)
        tpu.yield
      }) : () -> ()
      %add3A_135 = arith.constant 2 : i32
      %add3A_136 = arith.addi %add3A_122, %add3A_135 : i32
      %lt3A = arith.cmpi slt, %add3A_136, %select_n3A_8 : i32
      %convert_element_type3A_137 = arith.extui %lt3A : i1 to i32
      %cond3A_138 = arith.constant 0 : i32
      %cond3A_139 = arith.cmpi ne, %convert_element_type3A_137, %cond3A_138 : i32
      scf.if %cond3A_139 {
        %add3A_161 = arith.addi %select_n3A, %add3A_122 : i32
        %add3A_162 = arith.constant 2 : i32
        %add3A_163 = arith.addi %add3A_161, %add3A_162 : i32
        %dma_start3A = arith.constant 0 : i32
        %dma_start3A_164 = tpu.memref_slice %arg5[%add3A_163, %dma_start3A] : memref<1344x128xi32, #tpu.memory_space<hbm>> -> memref<1x128xi32, #tpu.memory_space<hbm>>
        %dma_start3A_165 = tpu.memref_squeeze %dma_start3A_164 : memref<1x128xi32, #tpu.memory_space<hbm>> -> memref<128xi32, #tpu.memory_space<hbm>>
        %dma_start3A_166 = arith.constant 0 : i32
        %dma_start3A_167 = tpu.memref_slice %arg5[%add3A_163, %dma_start3A_166] : memref<1344x128xi32, #tpu.memory_space<hbm>> -> memref<1x128xi32, #tpu.memory_space<hbm>>
        %dma_start3A_168 = tpu.memref_squeeze %dma_start3A_167 : memref<1x128xi32, #tpu.memory_space<hbm>> -> memref<128xi32, #tpu.memory_space<hbm>>
        tpu.enqueue_dma source(%dma_start3A_168 : memref<128xi32, #tpu.memory_space<hbm>>) target(%arg9 : memref<128xi32, #tpu.memory_space<vmem>>) target_semaphore(%arg14 : memref<!tpu.dma_semaphore, #tpu.memory_space<semaphore_mem>>)
        %add3A_169 = arith.constant 2 : i32
        %add3A_170 = arith.addi %add3A_122, %add3A_169 : i32
        %dma_start3A_171 = arith.constant 0 : i32
        %dma_start3A_172 = tpu.memref_slice %arg8[%add3A_170, %dma_start3A_171] : memref<72x128xi32, #tpu.memory_space<vmem>> -> memref<1x128xi32, #tpu.memory_space<vmem>>
        %dma_start3A_173 = tpu.memref_squeeze %dma_start3A_172 : memref<1x128xi32, #tpu.memory_space<vmem>> -> memref<128xi32, #tpu.memory_space<vmem>>
        %dma_start3A_174 = arith.constant 0 : i32
        %dma_start3A_175 = arith.constant 0 : i32
        %dma_start3A_176 = tpu.memref_slice %arg3[%dma_start3A_174, %dma_start3A_175] : memref<10240x128xf32, #tpu.memory_space<hbm>> -> memref<10240x128xf32, #tpu.memory_space<hbm>>
        tpu.enqueue_indirect_dma source(%dma_start3A_176 : memref<10240x128xf32, #tpu.memory_space<hbm>>) target(%arg11 : memref<128x128xf32, #tpu.memory_space<vmem>>) offsets(%dma_start3A_173 : memref<128xi32, #tpu.memory_space<vmem>>) semaphore(%arg16 : memref<!tpu.dma_semaphore, #tpu.memory_space<semaphore_mem>>)
      } else {
      }
      %add3A_140 = arith.constant 1 : i32
      %add3A_141 = arith.addi %mul3A_120, %add3A_140 : i32
      %add3A_142 = arith.addi %select_n3A, %add3A_141 : i32
      %dma_wait3A_143 = arith.constant 0 : i32
      %dma_wait3A_144 = tpu.memref_slice %arg5[%add3A_142, %dma_wait3A_143] : memref<1344x128xi32, #tpu.memory_space<hbm>> -> memref<1x128xi32, #tpu.memory_space<hbm>>
      %dma_wait3A_145 = tpu.memref_squeeze %dma_wait3A_144 : memref<1x128xi32, #tpu.memory_space<hbm>> -> memref<128xi32, #tpu.memory_space<hbm>>
      %dma_wait3A_146 = arith.constant 0 : i32
      %dma_wait3A_147 = tpu.memref_slice %arg5[%add3A_142, %dma_wait3A_146] : memref<1344x128xi32, #tpu.memory_space<hbm>> -> memref<1x128xi32, #tpu.memory_space<hbm>>
      %dma_wait3A_148 = tpu.memref_squeeze %dma_wait3A_147 : memref<1x128xi32, #tpu.memory_space<hbm>> -> memref<128xi32, #tpu.memory_space<hbm>>
      tpu.wait_dma2 semaphore(%arg15 : memref<!tpu.dma_semaphore, #tpu.memory_space<semaphore_mem>>) src(%dma_wait3A_148 : memref<128xi32, #tpu.memory_space<hbm>>) dst(%arg10 : memref<128xi32, #tpu.memory_space<vmem>>)
      %dma_wait3A_149 = arith.constant 0 : i32
      %dma_wait3A_150 = tpu.memref_slice %arg8[%add3A_141, %dma_wait3A_149] : memref<72x128xi32, #tpu.memory_space<vmem>> -> memref<1x128xi32, #tpu.memory_space<vmem>>
      %dma_wait3A_151 = tpu.memref_squeeze %dma_wait3A_150 : memref<1x128xi32, #tpu.memory_space<vmem>> -> memref<128xi32, #tpu.memory_space<vmem>>
      %dma_wait3A_152 = arith.constant 0 : i32
      %dma_wait3A_153 = arith.constant 0 : i32
      %dma_wait3A_154 = tpu.memref_slice %arg3[%dma_wait3A_152, %dma_wait3A_153] : memref<10240x128xf32, #tpu.memory_space<hbm>> -> memref<10240x128xf32, #tpu.memory_space<hbm>>
      tpu.wait_indirect_dma semaphore(%arg17 : memref<!tpu.dma_semaphore, #tpu.memory_space<semaphore_mem>>) src(%dma_wait3A_154 : memref<10240x128xf32, #tpu.memory_space<hbm>>) dst(%arg12 : memref<128x128xf32, #tpu.memory_space<vmem>>)
      "tpu.region"() ({
        %run_scoped3A = tpu.sem_alloc : memref<!tpu.dma_semaphore, #tpu.memory_space<semaphore_mem>>
        %dma_start3A = arith.constant 0 : i32
        %dma_start3A_161 = arith.constant 0 : i32
        %dma_start3A_162 = tpu.memref_slice %arg13[%dma_start3A, %dma_start3A_161] : memref<10240x128xf32, #tpu.memory_space<vmem_shared>> -> memref<10240x128xf32, #tpu.memory_space<vmem_shared>>
        tpu.enqueue_indirect_dma source(%arg12 : memref<128x128xf32, #tpu.memory_space<vmem>>) target(%dma_start3A_162 : memref<10240x128xf32, #tpu.memory_space<vmem_shared>>) offsets(%arg10 : memref<128xi32, #tpu.memory_space<vmem>>) semaphore(%run_scoped3A : memref<!tpu.dma_semaphore, #tpu.memory_space<semaphore_mem>>) {add = true}
        %dma_wait3A_163 = arith.constant 0 : i32
        %dma_wait3A_164 = arith.constant 0 : i32
        %dma_wait3A_165 = tpu.memref_slice %arg13[%dma_wait3A_163, %dma_wait3A_164] : memref<10240x128xf32, #tpu.memory_space<vmem_shared>> -> memref<10240x128xf32, #tpu.memory_space<vmem_shared>>
        tpu.wait_indirect_dma semaphore(%run_scoped3A : memref<!tpu.dma_semaphore, #tpu.memory_space<semaphore_mem>>) src(%arg12 : memref<128x128xf32, #tpu.memory_space<vmem>>) dst(%dma_wait3A_165 : memref<10240x128xf32, #tpu.memory_space<vmem_shared>>)
        tpu.yield
      }) : () -> ()
      %add3A_155 = arith.constant 2 : i32
      %add3A_156 = arith.addi %add3A_141, %add3A_155 : i32
      %lt3A_157 = arith.cmpi slt, %add3A_156, %select_n3A_8 : i32
      %convert_element_type3A_158 = arith.extui %lt3A_157 : i1 to i32
      %cond3A_159 = arith.constant 0 : i32
      %cond3A_160 = arith.cmpi ne, %convert_element_type3A_158, %cond3A_159 : i32
      scf.if %cond3A_160 {
        %add3A_161 = arith.addi %select_n3A, %add3A_141 : i32
        %add3A_162 = arith.constant 2 : i32
        %add3A_163 = arith.addi %add3A_161, %add3A_162 : i32
        %dma_start3A = arith.constant 0 : i32
        %dma_start3A_164 = tpu.memref_slice %arg5[%add3A_163, %dma_start3A] : memref<1344x128xi32, #tpu.memory_space<hbm>> -> memref<1x128xi32, #tpu.memory_space<hbm>>
        %dma_start3A_165 = tpu.memref_squeeze %dma_start3A_164 : memref<1x128xi32, #tpu.memory_space<hbm>> -> memref<128xi32, #tpu.memory_space<hbm>>
        %dma_start3A_166 = arith.constant 0 : i32
        %dma_start3A_167 = tpu.memref_slice %arg5[%add3A_163, %dma_start3A_166] : memref<1344x128xi32, #tpu.memory_space<hbm>> -> memref<1x128xi32, #tpu.memory_space<hbm>>
        %dma_start3A_168 = tpu.memref_squeeze %dma_start3A_167 : memref<1x128xi32, #tpu.memory_space<hbm>> -> memref<128xi32, #tpu.memory_space<hbm>>
        tpu.enqueue_dma source(%dma_start3A_168 : memref<128xi32, #tpu.memory_space<hbm>>) target(%arg10 : memref<128xi32, #tpu.memory_space<vmem>>) target_semaphore(%arg15 : memref<!tpu.dma_semaphore, #tpu.memory_space<semaphore_mem>>)
        %add3A_169 = arith.constant 2 : i32
        %add3A_170 = arith.addi %add3A_141, %add3A_169 : i32
        %dma_start3A_171 = arith.constant 0 : i32
        %dma_start3A_172 = tpu.memref_slice %arg8[%add3A_170, %dma_start3A_171] : memref<72x128xi32, #tpu.memory_space<vmem>> -> memref<1x128xi32, #tpu.memory_space<vmem>>
        %dma_start3A_173 = tpu.memref_squeeze %dma_start3A_172 : memref<1x128xi32, #tpu.memory_space<vmem>> -> memref<128xi32, #tpu.memory_space<vmem>>
        %dma_start3A_174 = arith.constant 0 : i32
        %dma_start3A_175 = arith.constant 0 : i32
        %dma_start3A_176 = tpu.memref_slice %arg3[%dma_start3A_174, %dma_start3A_175] : memref<10240x128xf32, #tpu.memory_space<hbm>> -> memref<10240x128xf32, #tpu.memory_space<hbm>>
        tpu.enqueue_indirect_dma source(%dma_start3A_176 : memref<10240x128xf32, #tpu.memory_space<hbm>>) target(%arg12 : memref<128x128xf32, #tpu.memory_space<vmem>>) offsets(%dma_start3A_173 : memref<128xi32, #tpu.memory_space<vmem>>) semaphore(%arg17 : memref<!tpu.dma_semaphore, #tpu.memory_space<semaphore_mem>>)
      } else {
      }
    }
    %barrier3A_110 = arith.constant 0 : index
    tpu.barrier barrier_id(%barrier3A_110)
    %mul3A_111 = arith.constant 640 : i32
    %mul3A_112 = arith.muli %arg1, %mul3A_111 : i32
    %mul3A_113 = arith.constant 10240 : i32
    %mul3A_114 = arith.muli %arg0, %mul3A_113 : i32
    %mul3A_115 = arith.constant 640 : i32
    %mul3A_116 = arith.muli %arg1, %mul3A_115 : i32
    %add3A_117 = arith.addi %mul3A_114, %mul3A_116 : i32
    "tpu.region"() ({
      %run_scoped3A = tpu.sem_alloc : memref<!tpu.dma_semaphore, #tpu.memory_space<semaphore_mem>>
      %dma_start3A = arith.constant 0 : i32
      %dma_start3A_118 = tpu.memref_slice %arg7[%add3A_117, %dma_start3A] : memref<20480x128xf32, #tpu.memory_space<hbm>> -> memref<640x128xf32, #tpu.memory_space<hbm>>
      %dma_start3A_119 = arith.constant 0 : i32
      %dma_start3A_120 = tpu.memref_slice %arg13[%mul3A_112, %dma_start3A_119] : memref<10240x128xf32, #tpu.memory_space<vmem_shared>> -> memref<640x128xf32, #tpu.memory_space<vmem_shared>>
      tpu.enqueue_dma source(%dma_start3A_120 : memref<640x128xf32, #tpu.memory_space<vmem_shared>>) target(%dma_start3A_118 : memref<640x128xf32, #tpu.memory_space<hbm>>) target_semaphore(%run_scoped3A : memref<!tpu.dma_semaphore, #tpu.memory_space<semaphore_mem>>)
      %dma_wait3A = arith.constant 0 : i32
      %dma_wait3A_121 = tpu.memref_slice %arg7[%add3A_117, %dma_wait3A] : memref<20480x128xf32, #tpu.memory_space<hbm>> -> memref<640x128xf32, #tpu.memory_space<hbm>>
      %dma_wait3A_122 = arith.constant 0 : i32
      %dma_wait3A_123 = tpu.memref_slice %arg13[%mul3A_112, %dma_wait3A_122] : memref<10240x128xf32, #tpu.memory_space<vmem_shared>> -> memref<640x128xf32, #tpu.memory_space<vmem_shared>>
      tpu.wait_dma2 semaphore(%run_scoped3A : memref<!tpu.dma_semaphore, #tpu.memory_space<semaphore_mem>>) src(%dma_wait3A_123 : memref<640x128xf32, #tpu.memory_space<vmem_shared>>) dst(%dma_wait3A_121 : memref<640x128xf32, #tpu.memory_space<hbm>>)
      tpu.yield
    }) : () -> ()
    return
  }
}

#map = affine_map<(d0, d1) -> (0, 0)>
module attributes {stable_mosaic.version = 14 : i64} {
  func.func @body(%arg0: i32, %arg1: i32, %arg2: memref<1344x128xi32, #tpu.memory_space<hbm>>, %arg3: memref<20480x128xf32, #tpu.memory_space<hbm>>, %arg4: memref<128xi32, #tpu.memory_space<vmem>>, %arg5: memref<128xi32, #tpu.memory_space<vmem>>, %arg6: memref<128x128xf32, #tpu.memory_space<vmem>>, %arg7: memref<128x128xf32, #tpu.memory_space<vmem>>, %arg8: memref<10240x128xf32, #tpu.memory_space<vmem_shared>>, %arg9: memref<!tpu.dma_semaphore, #tpu.memory_space<semaphore_mem>>, %arg10: memref<!tpu.dma_semaphore, #tpu.memory_space<semaphore_mem>>) attributes {dimension_semantics = [#tpu.dimension_semantics<core_parallel>, #tpu.dimension_semantics<subcore_parallel>], iteration_bounds = array<i64: 2, 16>, scalar_prefetch = 0 : i64, scratch_operands = 7 : i64, tpu.core_type = #tpu.core_type<sc_vector_subcore>, window_params = [{transform_indices = #map}, {transform_indices = #map}]} {
    %eq3A = arith.constant 0 : i32
    %eq3A_0 = arith.cmpi eq, %arg0, %eq3A : i32
    %mul3A = arith.constant 40 : i32
    %mul3A_1 = arith.muli %arg1, %mul3A : i32
    %mul3A_2 = arith.constant 40 : i32
    %mul3A_3 = arith.muli %arg1, %mul3A_2 : i32
    %add3A = arith.constant 640 : i32
    %add3A_4 = arith.addi %add3A, %mul3A_3 : i32
    %select_n3A = arith.select %eq3A_0, %mul3A_1, %add3A_4 : i32
    %eq3A_5 = arith.constant 0 : i32
    %eq3A_6 = arith.cmpi eq, %arg0, %eq3A_5 : i32
    %jit3A = arith.constant 40 : i32
    %jit3A_7 = arith.constant 40 : i32
    %select_n3A_8 = arith.select %eq3A_6, %jit3A, %jit3A_7 : i32
    %scan3A = arith.constant 0 : i32
    %scan3A_9 = arith.constant 128 : i32
    %scan3A_10 = arith.addi %scan3A, %scan3A_9 : i32
    %scan3A_11 = arith.constant 1 : i32
    scf.for %scan3A_60 = %scan3A to %scan3A_10 step %scan3A_11  : i32 {
      %mul3A_61 = arith.constant 1 : i32
      %mul3A_62 = arith.muli %scan3A_60, %mul3A_61 : i32
      %add3A_63 = arith.constant 0 : i32
      %add3A_64 = arith.addi %add3A_63, %mul3A_62 : i32
      %scan3A_65 = arith.constant 0 : i32
      %scan3A_66 = arith.constant 8 : i32
      %scan3A_67 = arith.addi %scan3A_65, %scan3A_66 : i32
      %scan3A_68 = arith.constant 1 : i32
      scf.for %scan3A_70 = %scan3A_65 to %scan3A_67 step %scan3A_68  : i32 {
        %mul3A_71 = arith.constant 16 : i32
        %mul3A_72 = arith.muli %scan3A_70, %mul3A_71 : i32
        %add3A_73 = arith.constant 0 : i32
        %add3A_74 = arith.addi %add3A_73, %mul3A_72 : i32
        %broadcast_in_dim3A = arith.constant 1.000000e+00 : f32
        %broadcast_in_dim3A_75 = vector.broadcast %broadcast_in_dim3A : f32 to vector<16xf32>
        %swap3A = arith.index_cast %add3A_64 : i32 to index
        %swap3A_76 = arith.index_cast %add3A_74 : i32 to index
        %swap3A_77 = tpu.vector_load %arg6[%swap3A, %swap3A_76] {strides = array<i32>} : memref<128x128xf32, #tpu.memory_space<vmem>>, vector<1x16xf32>,
        %swap3A_78 = vector.shape_cast %swap3A_77 : vector<1x16xf32> to vector<16xf32>
        %swap3A_79 = vector.shape_cast %broadcast_in_dim3A_75 : vector<16xf32> to vector<1x16xf32>
        tpu.vector_store %arg6[%swap3A, %swap3A_76], %swap3A_79 {strides = array<i32>} : memref<128x128xf32, #tpu.memory_space<vmem>>, vector<1x16xf32>,
      }
      %scan3A_69 = arith.constant 8 : i32
    }
    %scan3A_12 = arith.constant 128 : i32
    %scan3A_13 = arith.constant 0 : i32
    %scan3A_14 = arith.constant 128 : i32
    %scan3A_15 = arith.addi %scan3A_13, %scan3A_14 : i32
    %scan3A_16 = arith.constant 1 : i32
    scf.for %scan3A_60 = %scan3A_13 to %scan3A_15 step %scan3A_16  : i32 {
      %mul3A_61 = arith.constant 1 : i32
      %mul3A_62 = arith.muli %scan3A_60, %mul3A_61 : i32
      %add3A_63 = arith.constant 0 : i32
      %add3A_64 = arith.addi %add3A_63, %mul3A_62 : i32
      %scan3A_65 = arith.constant 0 : i32
      %scan3A_66 = arith.constant 8 : i32
      %scan3A_67 = arith.addi %scan3A_65, %scan3A_66 : i32
      %scan3A_68 = arith.constant 1 : i32
      scf.for %scan3A_70 = %scan3A_65 to %scan3A_67 step %scan3A_68  : i32 {
        %mul3A_71 = arith.constant 16 : i32
        %mul3A_72 = arith.muli %scan3A_70, %mul3A_71 : i32
        %add3A_73 = arith.constant 0 : i32
        %add3A_74 = arith.addi %add3A_73, %mul3A_72 : i32
        %broadcast_in_dim3A = arith.constant 0.000000e+00 : f32
        %broadcast_in_dim3A_75 = vector.broadcast %broadcast_in_dim3A : f32 to vector<16xf32>
        %swap3A = arith.index_cast %add3A_64 : i32 to index
        %swap3A_76 = arith.index_cast %add3A_74 : i32 to index
        %swap3A_77 = tpu.vector_load %arg7[%swap3A, %swap3A_76] {strides = array<i32>} : memref<128x128xf32, #tpu.memory_space<vmem>>, vector<1x16xf32>,
        %swap3A_78 = vector.shape_cast %swap3A_77 : vector<1x16xf32> to vector<16xf32>
        %swap3A_79 = vector.shape_cast %broadcast_in_dim3A_75 : vector<16xf32> to vector<1x16xf32>
        tpu.vector_store %arg7[%swap3A, %swap3A_76], %swap3A_79 {strides = array<i32>} : memref<128x128xf32, #tpu.memory_space<vmem>>, vector<1x16xf32>,
      }
      %scan3A_69 = arith.constant 8 : i32
    }
    %scan3A_17 = arith.constant 128 : i32
    %scan3A_18 = arith.constant 0 : i32
    %scan3A_19 = arith.constant 5 : i32
    %scan3A_20 = arith.addi %scan3A_18, %scan3A_19 : i32
    %scan3A_21 = arith.constant 1 : i32
    scf.for %scan3A_60 = %scan3A_18 to %scan3A_20 step %scan3A_21  : i32 {
      %mul3A_61 = arith.constant 128 : i32
      %mul3A_62 = arith.muli %scan3A_60, %mul3A_61 : i32
      %add3A_63 = arith.constant 0 : i32
      %add3A_64 = arith.addi %add3A_63, %mul3A_62 : i32
      %mul3A_65 = arith.constant 640 : i32
      %mul3A_66 = arith.muli %arg1, %mul3A_65 : i32
      %add3A_67 = arith.addi %mul3A_66, %add3A_64 : i32
      "tpu.region"() ({
        %run_scoped3A = tpu.sem_alloc : memref<!tpu.dma_semaphore, #tpu.memory_space<semaphore_mem>>
        %dma_start3A = arith.constant 0 : i32
        %dma_start3A_68 = tpu.memref_slice %arg8[%add3A_67, %dma_start3A] : memref<10240x128xf32, #tpu.memory_space<vmem_shared>> -> memref<128x128xf32, #tpu.memory_space<vmem_shared>>
        %dma_start3A_69 = arith.constant 0 : i32
        %dma_start3A_70 = tpu.memref_slice %arg8[%add3A_67, %dma_start3A_69] : memref<10240x128xf32, #tpu.memory_space<vmem_shared>> -> memref<128x128xf32, #tpu.memory_space<vmem_shared>>
        tpu.enqueue_dma source(%arg7 : memref<128x128xf32, #tpu.memory_space<vmem>>) target(%dma_start3A_70 : memref<128x128xf32, #tpu.memory_space<vmem_shared>>) target_semaphore(%run_scoped3A : memref<!tpu.dma_semaphore, #tpu.memory_space<semaphore_mem>>)
        %dma_wait3A = arith.constant 0 : i32
        %dma_wait3A_71 = tpu.memref_slice %arg8[%add3A_67, %dma_wait3A] : memref<10240x128xf32, #tpu.memory_space<vmem_shared>> -> memref<128x128xf32, #tpu.memory_space<vmem_shared>>
        %dma_wait3A_72 = arith.constant 0 : i32
        %dma_wait3A_73 = tpu.memref_slice %arg8[%add3A_67, %dma_wait3A_72] : memref<10240x128xf32, #tpu.memory_space<vmem_shared>> -> memref<128x128xf32, #tpu.memory_space<vmem_shared>>
        tpu.wait_dma2 semaphore(%run_scoped3A : memref<!tpu.dma_semaphore, #tpu.memory_space<semaphore_mem>>) src(%arg7 : memref<128x128xf32, #tpu.memory_space<vmem>>) dst(%dma_wait3A_73 : memref<128x128xf32, #tpu.memory_space<vmem_shared>>)
        tpu.yield
      }) : () -> ()
    }
    %scan3A_22 = arith.constant 5 : i32
    %gt3A = arith.constant 0 : i32
    %gt3A_23 = arith.cmpi sgt, %select_n3A_8, %gt3A : i32
    %convert_element_type3A = arith.extui %gt3A_23 : i1 to i32
    %cond3A = arith.constant 0 : i32
    %cond3A_24 = arith.cmpi ne, %convert_element_type3A, %cond3A : i32
    scf.if %cond3A_24 {
      %gt3A_60 = arith.constant 0 : i32
      %gt3A_61 = arith.cmpi sgt, %select_n3A_8, %gt3A_60 : i32
      %convert_element_type3A_62 = arith.extui %gt3A_61 : i1 to i32
      %cond3A_63 = arith.constant 0 : i32
      %cond3A_64 = arith.cmpi ne, %convert_element_type3A_62, %cond3A_63 : i32
      scf.if %cond3A_64 {
        %add3A_70 = arith.constant 0 : i32
        %add3A_71 = arith.addi %select_n3A, %add3A_70 : i32
        %dma_start3A = arith.constant 0 : i32
        %dma_start3A_72 = tpu.memref_slice %arg2[%add3A_71, %dma_start3A] : memref<1344x128xi32, #tpu.memory_space<hbm>> -> memref<1x128xi32, #tpu.memory_space<hbm>>
        %dma_start3A_73 = tpu.memref_squeeze %dma_start3A_72 : memref<1x128xi32, #tpu.memory_space<hbm>> -> memref<128xi32, #tpu.memory_space<hbm>>
        %dma_start3A_74 = arith.constant 0 : i32
        %dma_start3A_75 = tpu.memref_slice %arg2[%add3A_71, %dma_start3A_74] : memref<1344x128xi32, #tpu.memory_space<hbm>> -> memref<1x128xi32, #tpu.memory_space<hbm>>
        %dma_start3A_76 = tpu.memref_squeeze %dma_start3A_75 : memref<1x128xi32, #tpu.memory_space<hbm>> -> memref<128xi32, #tpu.memory_space<hbm>>
        tpu.enqueue_dma source(%dma_start3A_76 : memref<128xi32, #tpu.memory_space<hbm>>) target(%arg4 : memref<128xi32, #tpu.memory_space<vmem>>) target_semaphore(%arg9 : memref<!tpu.dma_semaphore, #tpu.memory_space<semaphore_mem>>)
      } else {
      }
      %gt3A_65 = arith.constant 1 : i32
      %gt3A_66 = arith.cmpi sgt, %select_n3A_8, %gt3A_65 : i32
      %convert_element_type3A_67 = arith.extui %gt3A_66 : i1 to i32
      %cond3A_68 = arith.constant 0 : i32
      %cond3A_69 = arith.cmpi ne, %convert_element_type3A_67, %cond3A_68 : i32
      scf.if %cond3A_69 {
        %add3A_70 = arith.constant 1 : i32
        %add3A_71 = arith.addi %select_n3A, %add3A_70 : i32
        %dma_start3A = arith.constant 0 : i32
        %dma_start3A_72 = tpu.memref_slice %arg2[%add3A_71, %dma_start3A] : memref<1344x128xi32, #tpu.memory_space<hbm>> -> memref<1x128xi32, #tpu.memory_space<hbm>>
        %dma_start3A_73 = tpu.memref_squeeze %dma_start3A_72 : memref<1x128xi32, #tpu.memory_space<hbm>> -> memref<128xi32, #tpu.memory_space<hbm>>
        %dma_start3A_74 = arith.constant 0 : i32
        %dma_start3A_75 = tpu.memref_slice %arg2[%add3A_71, %dma_start3A_74] : memref<1344x128xi32, #tpu.memory_space<hbm>> -> memref<1x128xi32, #tpu.memory_space<hbm>>
        %dma_start3A_76 = tpu.memref_squeeze %dma_start3A_75 : memref<1x128xi32, #tpu.memory_space<hbm>> -> memref<128xi32, #tpu.memory_space<hbm>>
        tpu.enqueue_dma source(%dma_start3A_76 : memref<128xi32, #tpu.memory_space<hbm>>) target(%arg5 : memref<128xi32, #tpu.memory_space<vmem>>) target_semaphore(%arg10 : memref<!tpu.dma_semaphore, #tpu.memory_space<semaphore_mem>>)
      } else {
      }
    } else {
    }
    %barrier3A = arith.constant 0 : index
    tpu.barrier barrier_id(%barrier3A)
    %jit3A_25 = arith.constant 2 : i32
    %div3A = arith.divsi %select_n3A_8, %jit3A_25 : i32
    %sign3A = arith.constant 0 : i32
    %sign3A_26 = arith.cmpi sgt, %select_n3A_8, %sign3A : i32
    %sign3A_27 = arith.extui %sign3A_26 : i1 to i32
    %sign3A_28 = arith.constant 0 : i32
    %sign3A_29 = arith.cmpi slt, %select_n3A_8, %sign3A_28 : i32
    %sign3A_30 = arith.extui %sign3A_29 : i1 to i32
    %sign3A_31 = arith.subi %sign3A_27, %sign3A_30 : i32
    %sign3A_32 = arith.constant 0 : i32
    %sign3A_33 = arith.cmpi sgt, %jit3A_25, %sign3A_32 : i32
    %sign3A_34 = arith.extui %sign3A_33 : i1 to i32
    %sign3A_35 = arith.constant 0 : i32
    %sign3A_36 = arith.cmpi slt, %jit3A_25, %sign3A_35 : i32
    %sign3A_37 = arith.extui %sign3A_36 : i1 to i32
    %sign3A_38 = arith.subi %sign3A_34, %sign3A_37 : i32
    %ne3A = arith.cmpi ne, %sign3A_31, %sign3A_38 : i32
    %rem3A = arith.remsi %select_n3A_8, %jit3A_25 : i32
    %ne3A_39 = arith.constant 0 : i32
    %ne3A_40 = arith.cmpi ne, %rem3A, %ne3A_39 : i32
    %and3A = arith.andi %ne3A, %ne3A_40 : i1
    %sub3A = arith.constant 1 : i32
    %sub3A_41 = arith.subi %div3A, %sub3A : i32
    %select_n3A_42 = arith.select %and3A, %sub3A_41, %div3A : i32
    %while3A = arith.constant 0 : i32
    %while3A_43 = arith.constant 0 : i32
    %while3A_44 = arith.subi %select_n3A_42, %while3A_43 : i32
    %while3A_45 = arith.addi %while3A_43, %while3A_44 : i32
    %while3A_46 = arith.constant 1 : i32
    %while3A_47 = arith.divsi %while3A_44, %while3A_46 : i32
    %while3A_48 = arith.muli %while3A_47, %while3A_46 : i32
    %while3A_49 = arith.addi %while3A_43, %while3A_48 : i32
    %while3A_50 = arith.constant 1 : i32
    scf.for %while3A_60 = %while3A_43 to %while3A_49 step %while3A_50  : i32 {
      %mul3A_61 = arith.constant 2 : i32
      %mul3A_62 = arith.muli %while3A_60, %mul3A_61 : i32
      %add3A_63 = arith.constant 0 : i32
      %add3A_64 = arith.addi %mul3A_62, %add3A_63 : i32
      %add3A_65 = arith.addi %select_n3A, %add3A_64 : i32
      %dma_wait3A = arith.constant 0 : i32
      %dma_wait3A_66 = tpu.memref_slice %arg2[%add3A_65, %dma_wait3A] : memref<1344x128xi32, #tpu.memory_space<hbm>> -> memref<1x128xi32, #tpu.memory_space<hbm>>
      %dma_wait3A_67 = tpu.memref_squeeze %dma_wait3A_66 : memref<1x128xi32, #tpu.memory_space<hbm>> -> memref<128xi32, #tpu.memory_space<hbm>>
      %dma_wait3A_68 = arith.constant 0 : i32
      %dma_wait3A_69 = tpu.memref_slice %arg2[%add3A_65, %dma_wait3A_68] : memref<1344x128xi32, #tpu.memory_space<hbm>> -> memref<1x128xi32, #tpu.memory_space<hbm>>
      %dma_wait3A_70 = tpu.memref_squeeze %dma_wait3A_69 : memref<1x128xi32, #tpu.memory_space<hbm>> -> memref<128xi32, #tpu.memory_space<hbm>>
      tpu.wait_dma2 semaphore(%arg9 : memref<!tpu.dma_semaphore, #tpu.memory_space<semaphore_mem>>) src(%dma_wait3A_70 : memref<128xi32, #tpu.memory_space<hbm>>) dst(%arg4 : memref<128xi32, #tpu.memory_space<vmem>>)
      "tpu.region"() ({
        %run_scoped3A = tpu.sem_alloc : memref<!tpu.dma_semaphore, #tpu.memory_space<semaphore_mem>>
        %dma_start3A = arith.constant 0 : i32
        %dma_start3A_91 = arith.constant 0 : i32
        %dma_start3A_92 = tpu.memref_slice %arg8[%dma_start3A, %dma_start3A_91] : memref<10240x128xf32, #tpu.memory_space<vmem_shared>> -> memref<10240x128xf32, #tpu.memory_space<vmem_shared>>
        tpu.enqueue_indirect_dma source(%arg6 : memref<128x128xf32, #tpu.memory_space<vmem>>) target(%dma_start3A_92 : memref<10240x128xf32, #tpu.memory_space<vmem_shared>>) offsets(%arg4 : memref<128xi32, #tpu.memory_space<vmem>>) semaphore(%run_scoped3A : memref<!tpu.dma_semaphore, #tpu.memory_space<semaphore_mem>>) {add = true}
        %dma_wait3A_93 = arith.constant 0 : i32
        %dma_wait3A_94 = arith.constant 0 : i32
        %dma_wait3A_95 = tpu.memref_slice %arg8[%dma_wait3A_93, %dma_wait3A_94] : memref<10240x128xf32, #tpu.memory_space<vmem_shared>> -> memref<10240x128xf32, #tpu.memory_space<vmem_shared>>
        tpu.wait_indirect_dma semaphore(%run_scoped3A : memref<!tpu.dma_semaphore, #tpu.memory_space<semaphore_mem>>) src(%arg6 : memref<128x128xf32, #tpu.memory_space<vmem>>) dst(%dma_wait3A_95 : memref<10240x128xf32, #tpu.memory_space<vmem_shared>>)
        tpu.yield
      }) : () -> ()
      %add3A_71 = arith.constant 2 : i32
      %add3A_72 = arith.addi %add3A_64, %add3A_71 : i32
      %lt3A = arith.cmpi slt, %add3A_72, %select_n3A_8 : i32
      %convert_element_type3A_73 = arith.extui %lt3A : i1 to i32
      %cond3A_74 = arith.constant 0 : i32
      %cond3A_75 = arith.cmpi ne, %convert_element_type3A_73, %cond3A_74 : i32
      scf.if %cond3A_75 {
        %add3A_91 = arith.addi %select_n3A, %add3A_64 : i32
        %add3A_92 = arith.constant 2 : i32
        %add3A_93 = arith.addi %add3A_91, %add3A_92 : i32
        %dma_start3A = arith.constant 0 : i32
        %dma_start3A_94 = tpu.memref_slice %arg2[%add3A_93, %dma_start3A] : memref<1344x128xi32, #tpu.memory_space<hbm>> -> memref<1x128xi32, #tpu.memory_space<hbm>>
        %dma_start3A_95 = tpu.memref_squeeze %dma_start3A_94 : memref<1x128xi32, #tpu.memory_space<hbm>> -> memref<128xi32, #tpu.memory_space<hbm>>
        %dma_start3A_96 = arith.constant 0 : i32
        %dma_start3A_97 = tpu.memref_slice %arg2[%add3A_93, %dma_start3A_96] : memref<1344x128xi32, #tpu.memory_space<hbm>> -> memref<1x128xi32, #tpu.memory_space<hbm>>
        %dma_start3A_98 = tpu.memref_squeeze %dma_start3A_97 : memref<1x128xi32, #tpu.memory_space<hbm>> -> memref<128xi32, #tpu.memory_space<hbm>>
        tpu.enqueue_dma source(%dma_start3A_98 : memref<128xi32, #tpu.memory_space<hbm>>) target(%arg4 : memref<128xi32, #tpu.memory_space<vmem>>) target_semaphore(%arg9 : memref<!tpu.dma_semaphore, #tpu.memory_space<semaphore_mem>>)
      } else {
      }
      %add3A_76 = arith.constant 1 : i32
      %add3A_77 = arith.addi %mul3A_62, %add3A_76 : i32
      %add3A_78 = arith.addi %select_n3A, %add3A_77 : i32
      %dma_wait3A_79 = arith.constant 0 : i32
      %dma_wait3A_80 = tpu.memref_slice %arg2[%add3A_78, %dma_wait3A_79] : memref<1344x128xi32, #tpu.memory_space<hbm>> -> memref<1x128xi32, #tpu.memory_space<hbm>>
      %dma_wait3A_81 = tpu.memref_squeeze %dma_wait3A_80 : memref<1x128xi32, #tpu.memory_space<hbm>> -> memref<128xi32, #tpu.memory_space<hbm>>
      %dma_wait3A_82 = arith.constant 0 : i32
      %dma_wait3A_83 = tpu.memref_slice %arg2[%add3A_78, %dma_wait3A_82] : memref<1344x128xi32, #tpu.memory_space<hbm>> -> memref<1x128xi32, #tpu.memory_space<hbm>>
      %dma_wait3A_84 = tpu.memref_squeeze %dma_wait3A_83 : memref<1x128xi32, #tpu.memory_space<hbm>> -> memref<128xi32, #tpu.memory_space<hbm>>
      tpu.wait_dma2 semaphore(%arg10 : memref<!tpu.dma_semaphore, #tpu.memory_space<semaphore_mem>>) src(%dma_wait3A_84 : memref<128xi32, #tpu.memory_space<hbm>>) dst(%arg5 : memref<128xi32, #tpu.memory_space<vmem>>)
      "tpu.region"() ({
        %run_scoped3A = tpu.sem_alloc : memref<!tpu.dma_semaphore, #tpu.memory_space<semaphore_mem>>
        %dma_start3A = arith.constant 0 : i32
        %dma_start3A_91 = arith.constant 0 : i32
        %dma_start3A_92 = tpu.memref_slice %arg8[%dma_start3A, %dma_start3A_91] : memref<10240x128xf32, #tpu.memory_space<vmem_shared>> -> memref<10240x128xf32, #tpu.memory_space<vmem_shared>>
        tpu.enqueue_indirect_dma source(%arg6 : memref<128x128xf32, #tpu.memory_space<vmem>>) target(%dma_start3A_92 : memref<10240x128xf32, #tpu.memory_space<vmem_shared>>) offsets(%arg5 : memref<128xi32, #tpu.memory_space<vmem>>) semaphore(%run_scoped3A : memref<!tpu.dma_semaphore, #tpu.memory_space<semaphore_mem>>) {add = true}
        %dma_wait3A_93 = arith.constant 0 : i32
        %dma_wait3A_94 = arith.constant 0 : i32
        %dma_wait3A_95 = tpu.memref_slice %arg8[%dma_wait3A_93, %dma_wait3A_94] : memref<10240x128xf32, #tpu.memory_space<vmem_shared>> -> memref<10240x128xf32, #tpu.memory_space<vmem_shared>>
        tpu.wait_indirect_dma semaphore(%run_scoped3A : memref<!tpu.dma_semaphore, #tpu.memory_space<semaphore_mem>>) src(%arg6 : memref<128x128xf32, #tpu.memory_space<vmem>>) dst(%dma_wait3A_95 : memref<10240x128xf32, #tpu.memory_space<vmem_shared>>)
        tpu.yield
      }) : () -> ()
      %add3A_85 = arith.constant 2 : i32
      %add3A_86 = arith.addi %add3A_77, %add3A_85 : i32
      %lt3A_87 = arith.cmpi slt, %add3A_86, %select_n3A_8 : i32
      %convert_element_type3A_88 = arith.extui %lt3A_87 : i1 to i32
      %cond3A_89 = arith.constant 0 : i32
      %cond3A_90 = arith.cmpi ne, %convert_element_type3A_88, %cond3A_89 : i32
      scf.if %cond3A_90 {
        %add3A_91 = arith.addi %select_n3A, %add3A_77 : i32
        %add3A_92 = arith.constant 2 : i32
        %add3A_93 = arith.addi %add3A_91, %add3A_92 : i32
        %dma_start3A = arith.constant 0 : i32
        %dma_start3A_94 = tpu.memref_slice %arg2[%add3A_93, %dma_start3A] : memref<1344x128xi32, #tpu.memory_space<hbm>> -> memref<1x128xi32, #tpu.memory_space<hbm>>
        %dma_start3A_95 = tpu.memref_squeeze %dma_start3A_94 : memref<1x128xi32, #tpu.memory_space<hbm>> -> memref<128xi32, #tpu.memory_space<hbm>>
        %dma_start3A_96 = arith.constant 0 : i32
        %dma_start3A_97 = tpu.memref_slice %arg2[%add3A_93, %dma_start3A_96] : memref<1344x128xi32, #tpu.memory_space<hbm>> -> memref<1x128xi32, #tpu.memory_space<hbm>>
        %dma_start3A_98 = tpu.memref_squeeze %dma_start3A_97 : memref<1x128xi32, #tpu.memory_space<hbm>> -> memref<128xi32, #tpu.memory_space<hbm>>
        tpu.enqueue_dma source(%dma_start3A_98 : memref<128xi32, #tpu.memory_space<hbm>>) target(%arg5 : memref<128xi32, #tpu.memory_space<vmem>>) target_semaphore(%arg10 : memref<!tpu.dma_semaphore, #tpu.memory_space<semaphore_mem>>)
      } else {
      }
    }
    %while3A_51 = arith.constant 1 : i32
    scf.for %while3A_60 = %while3A_49 to %while3A_45 step %while3A_51  : i32 {
      %mul3A_61 = arith.constant 2 : i32
      %mul3A_62 = arith.muli %while3A_60, %mul3A_61 : i32
      %add3A_63 = arith.constant 0 : i32
      %add3A_64 = arith.addi %mul3A_62, %add3A_63 : i32
      %add3A_65 = arith.addi %select_n3A, %add3A_64 : i32
      %dma_wait3A = arith.constant 0 : i32
      %dma_wait3A_66 = tpu.memref_slice %arg2[%add3A_65, %dma_wait3A] : memref<1344x128xi32, #tpu.memory_space<hbm>> -> memref<1x128xi32, #tpu.memory_space<hbm>>
      %dma_wait3A_67 = tpu.memref_squeeze %dma_wait3A_66 : memref<1x128xi32, #tpu.memory_space<hbm>> -> memref<128xi32, #tpu.memory_space<hbm>>
      %dma_wait3A_68 = arith.constant 0 : i32
      %dma_wait3A_69 = tpu.memref_slice %arg2[%add3A_65, %dma_wait3A_68] : memref<1344x128xi32, #tpu.memory_space<hbm>> -> memref<1x128xi32, #tpu.memory_space<hbm>>
      %dma_wait3A_70 = tpu.memref_squeeze %dma_wait3A_69 : memref<1x128xi32, #tpu.memory_space<hbm>> -> memref<128xi32, #tpu.memory_space<hbm>>
      tpu.wait_dma2 semaphore(%arg9 : memref<!tpu.dma_semaphore, #tpu.memory_space<semaphore_mem>>) src(%dma_wait3A_70 : memref<128xi32, #tpu.memory_space<hbm>>) dst(%arg4 : memref<128xi32, #tpu.memory_space<vmem>>)
      "tpu.region"() ({
        %run_scoped3A = tpu.sem_alloc : memref<!tpu.dma_semaphore, #tpu.memory_space<semaphore_mem>>
        %dma_start3A = arith.constant 0 : i32
        %dma_start3A_91 = arith.constant 0 : i32
        %dma_start3A_92 = tpu.memref_slice %arg8[%dma_start3A, %dma_start3A_91] : memref<10240x128xf32, #tpu.memory_space<vmem_shared>> -> memref<10240x128xf32, #tpu.memory_space<vmem_shared>>
        tpu.enqueue_indirect_dma source(%arg6 : memref<128x128xf32, #tpu.memory_space<vmem>>) target(%dma_start3A_92 : memref<10240x128xf32, #tpu.memory_space<vmem_shared>>) offsets(%arg4 : memref<128xi32, #tpu.memory_space<vmem>>) semaphore(%run_scoped3A : memref<!tpu.dma_semaphore, #tpu.memory_space<semaphore_mem>>) {add = true}
        %dma_wait3A_93 = arith.constant 0 : i32
        %dma_wait3A_94 = arith.constant 0 : i32
        %dma_wait3A_95 = tpu.memref_slice %arg8[%dma_wait3A_93, %dma_wait3A_94] : memref<10240x128xf32, #tpu.memory_space<vmem_shared>> -> memref<10240x128xf32, #tpu.memory_space<vmem_shared>>
        tpu.wait_indirect_dma semaphore(%run_scoped3A : memref<!tpu.dma_semaphore, #tpu.memory_space<semaphore_mem>>) src(%arg6 : memref<128x128xf32, #tpu.memory_space<vmem>>) dst(%dma_wait3A_95 : memref<10240x128xf32, #tpu.memory_space<vmem_shared>>)
        tpu.yield
      }) : () -> ()
      %add3A_71 = arith.constant 2 : i32
      %add3A_72 = arith.addi %add3A_64, %add3A_71 : i32
      %lt3A = arith.cmpi slt, %add3A_72, %select_n3A_8 : i32
      %convert_element_type3A_73 = arith.extui %lt3A : i1 to i32
      %cond3A_74 = arith.constant 0 : i32
      %cond3A_75 = arith.cmpi ne, %convert_element_type3A_73, %cond3A_74 : i32
      scf.if %cond3A_75 {
        %add3A_91 = arith.addi %select_n3A, %add3A_64 : i32
        %add3A_92 = arith.constant 2 : i32
        %add3A_93 = arith.addi %add3A_91, %add3A_92 : i32
        %dma_start3A = arith.constant 0 : i32
        %dma_start3A_94 = tpu.memref_slice %arg2[%add3A_93, %dma_start3A] : memref<1344x128xi32, #tpu.memory_space<hbm>> -> memref<1x128xi32, #tpu.memory_space<hbm>>
        %dma_start3A_95 = tpu.memref_squeeze %dma_start3A_94 : memref<1x128xi32, #tpu.memory_space<hbm>> -> memref<128xi32, #tpu.memory_space<hbm>>
        %dma_start3A_96 = arith.constant 0 : i32
        %dma_start3A_97 = tpu.memref_slice %arg2[%add3A_93, %dma_start3A_96] : memref<1344x128xi32, #tpu.memory_space<hbm>> -> memref<1x128xi32, #tpu.memory_space<hbm>>
        %dma_start3A_98 = tpu.memref_squeeze %dma_start3A_97 : memref<1x128xi32, #tpu.memory_space<hbm>> -> memref<128xi32, #tpu.memory_space<hbm>>
        tpu.enqueue_dma source(%dma_start3A_98 : memref<128xi32, #tpu.memory_space<hbm>>) target(%arg4 : memref<128xi32, #tpu.memory_space<vmem>>) target_semaphore(%arg9 : memref<!tpu.dma_semaphore, #tpu.memory_space<semaphore_mem>>)
      } else {
      }
      %add3A_76 = arith.constant 1 : i32
      %add3A_77 = arith.addi %mul3A_62, %add3A_76 : i32
      %add3A_78 = arith.addi %select_n3A, %add3A_77 : i32
      %dma_wait3A_79 = arith.constant 0 : i32
      %dma_wait3A_80 = tpu.memref_slice %arg2[%add3A_78, %dma_wait3A_79] : memref<1344x128xi32, #tpu.memory_space<hbm>> -> memref<1x128xi32, #tpu.memory_space<hbm>>
      %dma_wait3A_81 = tpu.memref_squeeze %dma_wait3A_80 : memref<1x128xi32, #tpu.memory_space<hbm>> -> memref<128xi32, #tpu.memory_space<hbm>>
      %dma_wait3A_82 = arith.constant 0 : i32
      %dma_wait3A_83 = tpu.memref_slice %arg2[%add3A_78, %dma_wait3A_82] : memref<1344x128xi32, #tpu.memory_space<hbm>> -> memref<1x128xi32, #tpu.memory_space<hbm>>
      %dma_wait3A_84 = tpu.memref_squeeze %dma_wait3A_83 : memref<1x128xi32, #tpu.memory_space<hbm>> -> memref<128xi32, #tpu.memory_space<hbm>>
      tpu.wait_dma2 semaphore(%arg10 : memref<!tpu.dma_semaphore, #tpu.memory_space<semaphore_mem>>) src(%dma_wait3A_84 : memref<128xi32, #tpu.memory_space<hbm>>) dst(%arg5 : memref<128xi32, #tpu.memory_space<vmem>>)
      "tpu.region"() ({
        %run_scoped3A = tpu.sem_alloc : memref<!tpu.dma_semaphore, #tpu.memory_space<semaphore_mem>>
        %dma_start3A = arith.constant 0 : i32
        %dma_start3A_91 = arith.constant 0 : i32
        %dma_start3A_92 = tpu.memref_slice %arg8[%dma_start3A, %dma_start3A_91] : memref<10240x128xf32, #tpu.memory_space<vmem_shared>> -> memref<10240x128xf32, #tpu.memory_space<vmem_shared>>
        tpu.enqueue_indirect_dma source(%arg6 : memref<128x128xf32, #tpu.memory_space<vmem>>) target(%dma_start3A_92 : memref<10240x128xf32, #tpu.memory_space<vmem_shared>>) offsets(%arg5 : memref<128xi32, #tpu.memory_space<vmem>>) semaphore(%run_scoped3A : memref<!tpu.dma_semaphore, #tpu.memory_space<semaphore_mem>>) {add = true}
        %dma_wait3A_93 = arith.constant 0 : i32
        %dma_wait3A_94 = arith.constant 0 : i32
        %dma_wait3A_95 = tpu.memref_slice %arg8[%dma_wait3A_93, %dma_wait3A_94] : memref<10240x128xf32, #tpu.memory_space<vmem_shared>> -> memref<10240x128xf32, #tpu.memory_space<vmem_shared>>
        tpu.wait_indirect_dma semaphore(%run_scoped3A : memref<!tpu.dma_semaphore, #tpu.memory_space<semaphore_mem>>) src(%arg6 : memref<128x128xf32, #tpu.memory_space<vmem>>) dst(%dma_wait3A_95 : memref<10240x128xf32, #tpu.memory_space<vmem_shared>>)
        tpu.yield
      }) : () -> ()
      %add3A_85 = arith.constant 2 : i32
      %add3A_86 = arith.addi %add3A_77, %add3A_85 : i32
      %lt3A_87 = arith.cmpi slt, %add3A_86, %select_n3A_8 : i32
      %convert_element_type3A_88 = arith.extui %lt3A_87 : i1 to i32
      %cond3A_89 = arith.constant 0 : i32
      %cond3A_90 = arith.cmpi ne, %convert_element_type3A_88, %cond3A_89 : i32
      scf.if %cond3A_90 {
        %add3A_91 = arith.addi %select_n3A, %add3A_77 : i32
        %add3A_92 = arith.constant 2 : i32
        %add3A_93 = arith.addi %add3A_91, %add3A_92 : i32
        %dma_start3A = arith.constant 0 : i32
        %dma_start3A_94 = tpu.memref_slice %arg2[%add3A_93, %dma_start3A] : memref<1344x128xi32, #tpu.memory_space<hbm>> -> memref<1x128xi32, #tpu.memory_space<hbm>>
        %dma_start3A_95 = tpu.memref_squeeze %dma_start3A_94 : memref<1x128xi32, #tpu.memory_space<hbm>> -> memref<128xi32, #tpu.memory_space<hbm>>
        %dma_start3A_96 = arith.constant 0 : i32
        %dma_start3A_97 = tpu.memref_slice %arg2[%add3A_93, %dma_start3A_96] : memref<1344x128xi32, #tpu.memory_space<hbm>> -> memref<1x128xi32, #tpu.memory_space<hbm>>
        %dma_start3A_98 = tpu.memref_squeeze %dma_start3A_97 : memref<1x128xi32, #tpu.memory_space<hbm>> -> memref<128xi32, #tpu.memory_space<hbm>>
        tpu.enqueue_dma source(%dma_start3A_98 : memref<128xi32, #tpu.memory_space<hbm>>) target(%arg5 : memref<128xi32, #tpu.memory_space<vmem>>) target_semaphore(%arg10 : memref<!tpu.dma_semaphore, #tpu.memory_space<semaphore_mem>>)
      } else {
      }
    }
    %barrier3A_52 = arith.constant 0 : index
    tpu.barrier barrier_id(%barrier3A_52)
    %mul3A_53 = arith.constant 640 : i32
    %mul3A_54 = arith.muli %arg1, %mul3A_53 : i32
    %mul3A_55 = arith.constant 10240 : i32
    %mul3A_56 = arith.muli %arg0, %mul3A_55 : i32
    %mul3A_57 = arith.constant 640 : i32
    %mul3A_58 = arith.muli %arg1, %mul3A_57 : i32
    %add3A_59 = arith.addi %mul3A_56, %mul3A_58 : i32
    "tpu.region"() ({
      %run_scoped3A = tpu.sem_alloc : memref<!tpu.dma_semaphore, #tpu.memory_space<semaphore_mem>>
      %dma_start3A = arith.constant 0 : i32
      %dma_start3A_60 = tpu.memref_slice %arg3[%add3A_59, %dma_start3A] : memref<20480x128xf32, #tpu.memory_space<hbm>> -> memref<640x128xf32, #tpu.memory_space<hbm>>
      %dma_start3A_61 = arith.constant 0 : i32
      %dma_start3A_62 = tpu.memref_slice %arg8[%mul3A_54, %dma_start3A_61] : memref<10240x128xf32, #tpu.memory_space<vmem_shared>> -> memref<640x128xf32, #tpu.memory_space<vmem_shared>>
      tpu.enqueue_dma source(%dma_start3A_62 : memref<640x128xf32, #tpu.memory_space<vmem_shared>>) target(%dma_start3A_60 : memref<640x128xf32, #tpu.memory_space<hbm>>) target_semaphore(%run_scoped3A : memref<!tpu.dma_semaphore, #tpu.memory_space<semaphore_mem>>)
      %dma_wait3A = arith.constant 0 : i32
      %dma_wait3A_63 = tpu.memref_slice %arg3[%add3A_59, %dma_wait3A] : memref<20480x128xf32, #tpu.memory_space<hbm>> -> memref<640x128xf32, #tpu.memory_space<hbm>>
      %dma_wait3A_64 = arith.constant 0 : i32
      %dma_wait3A_65 = tpu.memref_slice %arg8[%mul3A_54, %dma_wait3A_64] : memref<10240x128xf32, #tpu.memory_space<vmem_shared>> -> memref<640x128xf32, #tpu.memory_space<vmem_shared>>
      tpu.wait_dma2 semaphore(%run_scoped3A : memref<!tpu.dma_semaphore, #tpu.memory_space<semaphore_mem>>) src(%dma_wait3A_65 : memref<640x128xf32, #tpu.memory_space<vmem_shared>>) dst(%dma_wait3A_63 : memref<640x128xf32, #tpu.memory_space<hbm>>)
      tpu.yield
    }) : () -> ()
    return
  }
}

module attributes {stable_mosaic.version = 14 : i64} {
  func.func @_mm1_body(%arg0: i32, %arg1: memref<1024x256xf32, #tpu.memory_space<vmem>>, %arg2: memref<256x256xf32, #tpu.memory_space<vmem>>, %arg3: memref<1024x256xf32, #tpu.memory_space<vmem>>) attributes {dimension_semantics = [#tpu.dimension_semantics<arbitrary>], iteration_bounds = array<i64: 10>, scalar_prefetch = 0 : i64, scratch_operands = 0 : i64, tpu.core_type = #tpu.core_type<tc>, window_params = [{transform_indices = @transform_0, window_bounds = array<i64: 1024, 256>}, {pipeline_mode = #tpu.pipeline_mode<synchronous>, transform_indices = @transform_1, window_bounds = array<i64: 256, 256>}, {transform_indices = @transform_2, window_bounds = array<i64: 1024, 256>}]} {
    %get3A = arith.constant 0 : index
    %get3A_0 = arith.constant 0 : index
    %get3A_1 = vector.load %arg1[%get3A, %get3A_0] : memref<1024x256xf32, #tpu.memory_space<vmem>>, vector<1024x256xf32>
    %get3A_2 = arith.constant 0 : index
    %get3A_3 = arith.constant 0 : index
    %get3A_4 = vector.load %arg2[%get3A_2, %get3A_3] : memref<256x256xf32, #tpu.memory_space<vmem>>, vector<256x256xf32>
    %dot_general3A = arith.constant dense<0.000000e+00> : vector<1024x256xf32>
    %dot_general3A_5 = tpu.matmul %get3A_1, %get3A_4, %dot_general3A {dimension_numbers = #tpu.dot_dimension_numbers<[1], [0], [0], [1], [0, 0, 1, 1], [], []>, transpose_lhs_hint = false} : vector<1024x256xf32>, vector<256x256xf32>, vector<1024x256xf32> -> vector<1024x256xf32>
    %swap3A = arith.constant 0 : index
    %swap3A_6 = arith.constant 0 : index
    %swap3A_7 = vector.load %arg3[%swap3A, %swap3A_6] : memref<1024x256xf32, #tpu.memory_space<vmem>>, vector<1024x256xf32>
    tpu.vector_store %arg3[%swap3A, %swap3A_6], %dot_general3A_5 {strides = array<i32>} : memref<1024x256xf32, #tpu.memory_space<vmem>>, vector<1024x256xf32>,
    return
  }
  func.func @transform_0(%arg0: i32) -> (i32, i32) {
    %c0_i32 = arith.constant 0 : i32
    %c0_i32_0 = arith.constant 0 : i32
    return %arg0, %c0_i32 : i32, i32
  }
  func.func @transform_1(%arg0: i32) -> (i32, i32) {
    %c0_i32 = arith.constant 0 : i32
    %c0_i32_0 = arith.constant 0 : i32
    %c0_i32_1 = arith.constant 0 : i32
    return %c0_i32, %c0_i32_0 : i32, i32
  }
  func.func @transform_2(%arg0: i32) -> (i32, i32) {
    %c0_i32 = arith.constant 0 : i32
    %c0_i32_0 = arith.constant 0 : i32
    return %arg0, %c0_i32 : i32, i32
  }
}

module attributes {stable_mosaic.version = 14 : i64} {
  func.func @_scale_body(%arg0: i32, %arg1: memref<1024x256xf32, #tpu.memory_space<vmem>>, %arg2: memref<1024x128xf32, #tpu.memory_space<vmem>>, %arg3: memref<1024x128xf32, #tpu.memory_space<vmem>>, %arg4: memref<1024x1xf32, #tpu.memory_space<vmem>>, %arg5: memref<1024x128xf32, #tpu.memory_space<vmem>>, %arg6: memref<1024x128xf32, #tpu.memory_space<vmem>>) attributes {dimension_semantics = [#tpu.dimension_semantics<arbitrary>], iteration_bounds = array<i64: 10>, scalar_prefetch = 0 : i64, scratch_operands = 0 : i64, tpu.core_type = #tpu.core_type<tc>, window_params = [{transform_indices = @transform_0, window_bounds = array<i64: 1024, 256>}, {transform_indices = @transform_1, window_bounds = array<i64: 1024, 128>}, {transform_indices = @transform_2, window_bounds = array<i64: 1024, 128>}, {transform_indices = @transform_3, window_bounds = array<i64: 1024, 1>}, {transform_indices = @transform_4, window_bounds = array<i64: 1024, 128>}, {transform_indices = @transform_5, window_bounds = array<i64: 1024, 128>}]} {
    %get3A = arith.constant 0 : index
    %get3A_0 = arith.constant 0 : index
    %get3A_1 = vector.load %arg2[%get3A, %get3A_0] : memref<1024x128xf32, #tpu.memory_space<vmem>>, vector<1024x1xf32>
    %get3A_2 = arith.constant 0 : index
    %get3A_3 = arith.constant 0 : index
    %get3A_4 = vector.load %arg3[%get3A_2, %get3A_3] : memref<1024x128xf32, #tpu.memory_space<vmem>>, vector<1024x1xf32>
    %add3A = arith.addf %get3A_1, %get3A_4 : vector<1024x1xf32>
    %add3A_5 = arith.constant 1.000000e+00 : f32
    %add3A_6 = vector.broadcast %add3A_5 : f32 to vector<1024x1xf32>
    %add3A_7 = arith.addf %add3A, %add3A_6 : vector<1024x1xf32>
    %rsqrt3A = math.rsqrt %add3A_7 : vector<1024x1xf32>
    %swap3A = arith.constant 0 : index
    %swap3A_8 = arith.constant 0 : index
    %swap3A_9 = vector.load %arg4[%swap3A, %swap3A_8] : memref<1024x1xf32, #tpu.memory_space<vmem>>, vector<1024x1xf32>
    tpu.vector_store %arg4[%swap3A, %swap3A_8], %rsqrt3A {strides = array<i32>} : memref<1024x1xf32, #tpu.memory_space<vmem>>, vector<1024x1xf32>,
    %get3A_10 = arith.constant 0 : index
    %get3A_11 = arith.constant 0 : index
    %get3A_12 = vector.load %arg1[%get3A_10, %get3A_11] : memref<1024x256xf32, #tpu.memory_space<vmem>>, vector<1024x256xf32>
    %mul3A = vector.broadcast %rsqrt3A : vector<1024x1xf32> to vector<1024x256xf32>
    %mul3A_13 = arith.mulf %get3A_12, %mul3A : vector<1024x256xf32>
    %slice3A = vector.extract_strided_slice %mul3A_13 {offsets = [0, 0], sizes = [1024, 128], strides = [1, 1]} : vector<1024x256xf32> to vector<1024x128xf32>
    %swap3A_14 = arith.constant 0 : index
    %swap3A_15 = arith.constant 0 : index
    %swap3A_16 = vector.load %arg5[%swap3A_14, %swap3A_15] : memref<1024x128xf32, #tpu.memory_space<vmem>>, vector<1024x128xf32>
    tpu.vector_store %arg5[%swap3A_14, %swap3A_15], %slice3A {strides = array<i32>} : memref<1024x128xf32, #tpu.memory_space<vmem>>, vector<1024x128xf32>,
    %slice3A_17 = vector.extract_strided_slice %mul3A_13 {offsets = [0, 128], sizes = [1024, 128], strides = [1, 1]} : vector<1024x256xf32> to vector<1024x128xf32>
    %swap3A_18 = arith.constant 0 : index
    %swap3A_19 = arith.constant 0 : index
    %swap3A_20 = vector.load %arg6[%swap3A_18, %swap3A_19] : memref<1024x128xf32, #tpu.memory_space<vmem>>, vector<1024x128xf32>
    tpu.vector_store %arg6[%swap3A_18, %swap3A_19], %slice3A_17 {strides = array<i32>} : memref<1024x128xf32, #tpu.memory_space<vmem>>, vector<1024x128xf32>,
    return
  }
  func.func @transform_0(%arg0: i32) -> (i32, i32) {
    %c0_i32 = arith.constant 0 : i32
    %c0_i32_0 = arith.constant 0 : i32
    return %arg0, %c0_i32 : i32, i32
  }
  func.func @transform_1(%arg0: i32) -> (i32, i32) {
    %c0_i32 = arith.constant 0 : i32
    %c0_i32_0 = arith.constant 0 : i32
    return %arg0, %c0_i32 : i32, i32
  }
  func.func @transform_2(%arg0: i32) -> (i32, i32) {
    %c0_i32 = arith.constant 0 : i32
    %c0_i32_0 = arith.constant 0 : i32
    return %arg0, %c0_i32 : i32, i32
  }
  func.func @transform_3(%arg0: i32) -> (i32, i32) {
    %c0_i32 = arith.constant 0 : i32
    %c0_i32_0 = arith.constant 0 : i32
    return %arg0, %c0_i32 : i32, i32
  }
  func.func @transform_4(%arg0: i32) -> (i32, i32) {
    %c0_i32 = arith.constant 0 : i32
    %c0_i32_0 = arith.constant 0 : i32
    return %arg0, %c0_i32 : i32, i32
  }
  func.func @transform_5(%arg0: i32) -> (i32, i32) {
    %c0_i32 = arith.constant 0 : i32
    %c0_i32_0 = arith.constant 0 : i32
    return %arg0, %c0_i32 : i32, i32
  }
}

module attributes {stable_mosaic.version = 14 : i64} {
  func.func @_layer2_body(%arg0: i32, %arg1: memref<2x1024x128xf32, #tpu.memory_space<vmem>>, %arg2: memref<2x1024x128xf32, #tpu.memory_space<vmem>>, %arg3: memref<1024x128xf32, #tpu.memory_space<vmem>>, %arg4: memref<1024x128xf32, #tpu.memory_space<vmem>>, %arg5: memref<1024x1xf32, #tpu.memory_space<vmem>>, %arg6: memref<1x256xf32, #tpu.memory_space<vmem>>, %arg7: memref<256x128xf32, #tpu.memory_space<vmem>>, %arg8: memref<1024x128xf32, #tpu.memory_space<vmem>>) attributes {dimension_semantics = [#tpu.dimension_semantics<arbitrary>], iteration_bounds = array<i64: 10>, scalar_prefetch = 0 : i64, scratch_operands = 0 : i64, tpu.core_type = #tpu.core_type<tc>, window_params = [{transform_indices = @transform_0, window_bounds = array<i64: 2, 1024, 128>}, {transform_indices = @transform_1, window_bounds = array<i64: 2, 1024, 128>}, {transform_indices = @transform_2, window_bounds = array<i64: 1024, 128>}, {transform_indices = @transform_3, window_bounds = array<i64: 1024, 128>}, {transform_indices = @transform_4, window_bounds = array<i64: 1024, 1>}, {pipeline_mode = #tpu.pipeline_mode<synchronous>, transform_indices = @transform_5, window_bounds = array<i64: 1, 256>}, {pipeline_mode = #tpu.pipeline_mode<synchronous>, transform_indices = @transform_6, window_bounds = array<i64: 256, 128>}, {transform_indices = @transform_7, window_bounds = array<i64: 1024, 128>}]} {
    %get3A = arith.constant 0 : index
    %get3A_0 = arith.constant 0 : index
    %get3A_1 = arith.constant 0 : index
    %get3A_2 = vector.load %arg1[%get3A, %get3A_0, %get3A_1] : memref<2x1024x128xf32, #tpu.memory_space<vmem>>, vector<1x1024x128xf32>
    %get3A_3 = vector.shape_cast %get3A_2 : vector<1x1024x128xf32> to vector<1024x128xf32>
    %get3A_4 = arith.constant 1 : index
    %get3A_5 = arith.constant 0 : index
    %get3A_6 = arith.constant 0 : index
    %get3A_7 = vector.load %arg1[%get3A_4, %get3A_5, %get3A_6] : memref<2x1024x128xf32, #tpu.memory_space<vmem>>, vector<1x1024x128xf32>
    %get3A_8 = vector.shape_cast %get3A_7 : vector<1x1024x128xf32> to vector<1024x128xf32>
    %add3A = arith.addf %get3A_3, %get3A_8 : vector<1024x128xf32>
    %get3A_9 = arith.constant 0 : index
    %get3A_10 = arith.constant 0 : index
    %get3A_11 = vector.load %arg3[%get3A_9, %get3A_10] : memref<1024x128xf32, #tpu.memory_space<vmem>>, vector<1024x128xf32>
    %add3A_12 = arith.addf %add3A, %get3A_11 : vector<1024x128xf32>
    %get3A_13 = arith.constant 0 : index
    %get3A_14 = arith.constant 0 : index
    %get3A_15 = arith.constant 0 : index
    %get3A_16 = vector.load %arg2[%get3A_13, %get3A_14, %get3A_15] : memref<2x1024x128xf32, #tpu.memory_space<vmem>>, vector<1x1024x128xf32>
    %get3A_17 = vector.shape_cast %get3A_16 : vector<1x1024x128xf32> to vector<1024x128xf32>
    %get3A_18 = arith.constant 1 : index
    %get3A_19 = arith.constant 0 : index
    %get3A_20 = arith.constant 0 : index
    %get3A_21 = vector.load %arg2[%get3A_18, %get3A_19, %get3A_20] : memref<2x1024x128xf32, #tpu.memory_space<vmem>>, vector<1x1024x128xf32>
    %get3A_22 = vector.shape_cast %get3A_21 : vector<1x1024x128xf32> to vector<1024x128xf32>
    %add3A_23 = arith.addf %get3A_17, %get3A_22 : vector<1024x128xf32>
    %get3A_24 = arith.constant 0 : index
    %get3A_25 = arith.constant 0 : index
    %get3A_26 = vector.load %arg4[%get3A_24, %get3A_25] : memref<1024x128xf32, #tpu.memory_space<vmem>>, vector<1024x128xf32>
    %add3A_27 = arith.addf %add3A_23, %get3A_26 : vector<1024x128xf32>
    %get3A_28 = arith.constant 0 : index
    %get3A_29 = arith.constant 0 : index
    %get3A_30 = vector.load %arg5[%get3A_28, %get3A_29] : memref<1024x1xf32, #tpu.memory_space<vmem>>, vector<1024x1xf32>
    %concatenate3A = tpu.concatenate %add3A_12, %add3A_27 in 1 : vector<1024x128xf32>, vector<1024x128xf32> -> vector<1024x256xf32>
    %mul3A = vector.broadcast %get3A_30 : vector<1024x1xf32> to vector<1024x256xf32>
    %mul3A_31 = arith.mulf %concatenate3A, %mul3A : vector<1024x256xf32>
    %get3A_32 = arith.constant 0 : index
    %get3A_33 = arith.constant 0 : index
    %get3A_34 = vector.load %arg6[%get3A_32, %get3A_33] : memref<1x256xf32, #tpu.memory_space<vmem>>, vector<1x256xf32>
    %add3A_35 = vector.broadcast %get3A_34 : vector<1x256xf32> to vector<1024x256xf32>
    %add3A_36 = arith.addf %mul3A_31, %add3A_35 : vector<1024x256xf32>
    %max3A = arith.constant 0.000000e+00 : f32
    %max3A_37 = vector.broadcast %max3A : f32 to vector<1024x256xf32>
    %max3A_38 = arith.maximumf %add3A_36, %max3A_37 : vector<1024x256xf32>
    %get3A_39 = arith.constant 0 : index
    %get3A_40 = arith.constant 0 : index
    %get3A_41 = vector.load %arg7[%get3A_39, %get3A_40] : memref<256x128xf32, #tpu.memory_space<vmem>>, vector<256x128xf32>
    %dot_general3A = arith.constant dense<0.000000e+00> : vector<1024x128xf32>
    %dot_general3A_42 = tpu.matmul %max3A_38, %get3A_41, %dot_general3A {dimension_numbers = #tpu.dot_dimension_numbers<[1], [0], [0], [1], [0, 0, 1, 1], [], []>, transpose_lhs_hint = false} : vector<1024x256xf32>, vector<256x128xf32>, vector<1024x128xf32> -> vector<1024x128xf32>
    %mul3A_43 = vector.broadcast %get3A_30 : vector<1024x1xf32> to vector<1024x128xf32>
    %mul3A_44 = arith.mulf %dot_general3A_42, %mul3A_43 : vector<1024x128xf32>
    %swap3A = arith.constant 0 : index
    %swap3A_45 = arith.constant 0 : index
    %swap3A_46 = vector.load %arg8[%swap3A, %swap3A_45] : memref<1024x128xf32, #tpu.memory_space<vmem>>, vector<1024x128xf32>
    tpu.vector_store %arg8[%swap3A, %swap3A_45], %mul3A_44 {strides = array<i32>} : memref<1024x128xf32, #tpu.memory_space<vmem>>, vector<1024x128xf32>,
    return
  }
  func.func @transform_0(%arg0: i32) -> (i32, i32, i32) {
    %c0_i32 = arith.constant 0 : i32
    %c0_i32_0 = arith.constant 0 : i32
    %c0_i32_1 = arith.constant 0 : i32
    return %c0_i32, %arg0, %c0_i32_0 : i32, i32, i32
  }
  func.func @transform_1(%arg0: i32) -> (i32, i32, i32) {
    %c0_i32 = arith.constant 0 : i32
    %c0_i32_0 = arith.constant 0 : i32
    %c0_i32_1 = arith.constant 0 : i32
    return %c0_i32, %arg0, %c0_i32_0 : i32, i32, i32
  }
  func.func @transform_2(%arg0: i32) -> (i32, i32) {
    %c0_i32 = arith.constant 0 : i32
    %c0_i32_0 = arith.constant 0 : i32
    return %arg0, %c0_i32 : i32, i32
  }
  func.func @transform_3(%arg0: i32) -> (i32, i32) {
    %c0_i32 = arith.constant 0 : i32
    %c0_i32_0 = arith.constant 0 : i32
    return %arg0, %c0_i32 : i32, i32
  }
  func.func @transform_4(%arg0: i32) -> (i32, i32) {
    %c0_i32 = arith.constant 0 : i32
    %c0_i32_0 = arith.constant 0 : i32
    return %arg0, %c0_i32 : i32, i32
  }
  func.func @transform_5(%arg0: i32) -> (i32, i32) {
    %c0_i32 = arith.constant 0 : i32
    %c0_i32_0 = arith.constant 0 : i32
    %c0_i32_1 = arith.constant 0 : i32
    return %c0_i32, %c0_i32_0 : i32, i32
  }
  func.func @transform_6(%arg0: i32) -> (i32, i32) {
    %c0_i32 = arith.constant 0 : i32
    %c0_i32_0 = arith.constant 0 : i32
    %c0_i32_1 = arith.constant 0 : i32
    return %c0_i32, %c0_i32_0 : i32, i32
  }
  func.func @transform_7(%arg0: i32) -> (i32, i32) {
    %c0_i32 = arith.constant 0 : i32
    %c0_i32_0 = arith.constant 0 : i32
    return %arg0, %c0_i32 : i32, i32
  }
}

module attributes {stable_mosaic.version = 14 : i64} {
  func.func @_out_body(%arg0: i32, %arg1: memref<2x1000x128xf32, #tpu.memory_space<vmem>>, %arg2: memref<1000x128xf32, #tpu.memory_space<vmem>>, %arg3: memref<1000x1xf32, #tpu.memory_space<vmem>>, %arg4: memref<1x128xf32, #tpu.memory_space<vmem>>, %arg5: memref<1000x40xf32, #tpu.memory_space<vmem>>) attributes {dimension_semantics = [#tpu.dimension_semantics<arbitrary>], iteration_bounds = array<i64: 10>, scalar_prefetch = 0 : i64, scratch_operands = 0 : i64, tpu.core_type = #tpu.core_type<tc>, window_params = [{transform_indices = @transform_0, window_bounds = array<i64: 2, 1000, 128>}, {transform_indices = @transform_1, window_bounds = array<i64: 1000, 128>}, {transform_indices = @transform_2, window_bounds = array<i64: 1000, 1>}, {pipeline_mode = #tpu.pipeline_mode<synchronous>, transform_indices = @transform_3, window_bounds = array<i64: 1, 128>}, {transform_indices = @transform_4, window_bounds = array<i64: 1000, 40>}]} {
    %get3A = arith.constant 0 : index
    %get3A_0 = arith.constant 0 : index
    %get3A_1 = arith.constant 0 : index
    %get3A_2 = vector.load %arg1[%get3A, %get3A_0, %get3A_1] : memref<2x1000x128xf32, #tpu.memory_space<vmem>>, vector<1x1000x128xf32>
    %get3A_3 = vector.shape_cast %get3A_2 : vector<1x1000x128xf32> to vector<1000x128xf32>
    %get3A_4 = arith.constant 1 : index
    %get3A_5 = arith.constant 0 : index
    %get3A_6 = arith.constant 0 : index
    %get3A_7 = vector.load %arg1[%get3A_4, %get3A_5, %get3A_6] : memref<2x1000x128xf32, #tpu.memory_space<vmem>>, vector<1x1000x128xf32>
    %get3A_8 = vector.shape_cast %get3A_7 : vector<1x1000x128xf32> to vector<1000x128xf32>
    %add3A = arith.addf %get3A_3, %get3A_8 : vector<1000x128xf32>
    %get3A_9 = arith.constant 0 : index
    %get3A_10 = arith.constant 0 : index
    %get3A_11 = vector.load %arg2[%get3A_9, %get3A_10] : memref<1000x128xf32, #tpu.memory_space<vmem>>, vector<1000x128xf32>
    %add3A_12 = arith.addf %add3A, %get3A_11 : vector<1000x128xf32>
    %get3A_13 = arith.constant 0 : index
    %get3A_14 = arith.constant 0 : index
    %get3A_15 = vector.load %arg3[%get3A_13, %get3A_14] : memref<1000x1xf32, #tpu.memory_space<vmem>>, vector<1000x1xf32>
    %mul3A = vector.broadcast %get3A_15 : vector<1000x1xf32> to vector<1000x128xf32>
    %mul3A_16 = arith.mulf %add3A_12, %mul3A : vector<1000x128xf32>
    %get3A_17 = arith.constant 0 : index
    %get3A_18 = arith.constant 0 : index
    %get3A_19 = vector.load %arg4[%get3A_17, %get3A_18] : memref<1x128xf32, #tpu.memory_space<vmem>>, vector<1x128xf32>
    %add3A_20 = vector.broadcast %get3A_19 : vector<1x128xf32> to vector<1000x128xf32>
    %add3A_21 = arith.addf %mul3A_16, %add3A_20 : vector<1000x128xf32>
    %iota3A = tpu.iota {dimensions = array<i32: 1>} : vector<1000x128xi32>
    %lt3A = arith.constant 40 : i32
    %lt3A_22 = vector.broadcast %lt3A : i32 to vector<1000x128xi32>
    %lt3A_23 = arith.cmpi slt, %iota3A, %lt3A_22 : vector<1000x128xi32>
    %jit3A = arith.constant 0xFF800000 : f32
    %broadcast_in_dim3A = vector.broadcast %jit3A : f32 to vector<1000x128xf32>
    %select_n3A = arith.select %lt3A_23, %add3A_21, %broadcast_in_dim3A : vector<1000x128xi1>, vector<1000x128xf32>
    %reduce_max3A = arith.constant dense<0xFF800000> : vector<1000xf32>
    %reduce_max3A_24 = vector.multi_reduction <maximumf>, %select_n3A, %reduce_max3A [1] : vector<1000x128xf32> to vector<1000xf32>
    %broadcast_in_dim3A_25 = vector.shape_cast %reduce_max3A_24 : vector<1000xf32> to vector<1000x1xf32>
    %sub3A = vector.broadcast %broadcast_in_dim3A_25 : vector<1000x1xf32> to vector<1000x128xf32>
    %sub3A_26 = arith.subf %add3A_21, %sub3A : vector<1000x128xf32>
    %exp3A = math.exp %sub3A_26 : vector<1000x128xf32>
    %jit3A_27 = arith.constant 0.000000e+00 : f32
    %broadcast_in_dim3A_28 = vector.broadcast %jit3A_27 : f32 to vector<1000x128xf32>
    %select_n3A_29 = arith.select %lt3A_23, %exp3A, %broadcast_in_dim3A_28 : vector<1000x128xi1>, vector<1000x128xf32>
    %reduce_sum3A = arith.constant dense<0.000000e+00> : vector<1000xf32>
    %reduce_sum3A_30 = vector.multi_reduction <add>, %select_n3A_29, %reduce_sum3A [1] : vector<1000x128xf32> to vector<1000xf32>
    %broadcast_in_dim3A_31 = vector.shape_cast %reduce_sum3A_30 : vector<1000xf32> to vector<1000x1xf32>
    %log3A = math.log %broadcast_in_dim3A_31 : vector<1000x1xf32>
    %sub3A_32 = vector.broadcast %broadcast_in_dim3A_25 : vector<1000x1xf32> to vector<1000x128xf32>
    %sub3A_33 = arith.subf %add3A_21, %sub3A_32 : vector<1000x128xf32>
    %sub3A_34 = vector.broadcast %log3A : vector<1000x1xf32> to vector<1000x128xf32>
    %sub3A_35 = arith.subf %sub3A_33, %sub3A_34 : vector<1000x128xf32>
    %slice3A = vector.extract_strided_slice %sub3A_35 {offsets = [0, 0], sizes = [1000, 40], strides = [1, 1]} : vector<1000x128xf32> to vector<1000x40xf32>
    %swap3A = arith.constant 0 : index
    %swap3A_36 = arith.constant 0 : index
    %swap3A_37 = vector.load %arg5[%swap3A, %swap3A_36] : memref<1000x40xf32, #tpu.memory_space<vmem>>, vector<1000x40xf32>
    tpu.vector_store %arg5[%swap3A, %swap3A_36], %slice3A {strides = array<i32>} : memref<1000x40xf32, #tpu.memory_space<vmem>>, vector<1000x40xf32>,
    return
  }
  func.func @transform_0(%arg0: i32) -> (i32, i32, i32) {
    %c0_i32 = arith.constant 0 : i32
    %c0_i32_0 = arith.constant 0 : i32
    %c0_i32_1 = arith.constant 0 : i32
    return %c0_i32, %arg0, %c0_i32_0 : i32, i32, i32
  }
  func.func @transform_1(%arg0: i32) -> (i32, i32) {
    %c0_i32 = arith.constant 0 : i32
    %c0_i32_0 = arith.constant 0 : i32
    return %arg0, %c0_i32 : i32, i32
  }
  func.func @transform_2(%arg0: i32) -> (i32, i32) {
    %c0_i32 = arith.constant 0 : i32
    %c0_i32_0 = arith.constant 0 : i32
    return %arg0, %c0_i32 : i32, i32
  }
  func.func @transform_3(%arg0: i32) -> (i32, i32) {
    %c0_i32 = arith.constant 0 : i32
    %c0_i32_0 = arith.constant 0 : i32
    %c0_i32_1 = arith.constant 0 : i32
    return %c0_i32, %c0_i32_0 : i32, i32
  }
  func.func @transform_4(%arg0: i32) -> (i32, i32) {
    %c0_i32 = arith.constant 0 : i32
    %c0_i32_0 = arith.constant 0 : i32
    return %arg0, %c0_i32 : i32, i32
  }
}

</mosaic_0001>

<sc_bundles>
// kernel: kernel.12.cloned.1.call-start
scs
__scs_entry_jumppad:
0x0: {  	(pc) =	sbr.rel $0x88, $3  }
0x1: {  	(tag) =	ssettag $0x0;
	lr =	simm.s32 $0x1  }
0x2: {  	[smem:$0x3F9B] =	sst lr;
	_ =	strace $0xD0000000  }
0x3: {  	_ = 	snop  }
0x4: {  	_ = 	snop  }
0x5: {  	_ = 	snop  }
0x6: {  	_ = 	snop  }
0x7: {  	_ = 	snop  }
__scs_overlays_trampoline_lowered:
0x8: {  	[smem:$0x3FAA] =	sst s0  }
0x9: {  	[smem:$0x3FAB] =	sst s1  }
0xa: {  	[smem:$0x3FAC] =	sst s2  }
0xb: {  	[smem:$0x3FAD] =	sst s3  }
0xc: {  	[smem:$0x3FAE] =	sst s4  }
0xd: {  	[smem:$0x3FAF] =	sst s5  }
0xe: {  	[smem:$0x3FB0] =	sst s6  }
0xf: {  	[smem:$0x3FB1] =	sst s7  }
0x10: {  	[smem:$0x3FB2] =	sst s8  }
0x11: {  	[smem:$0x3FB3] =	sst s9;
	s0 =	simm.s32 @!p0 $0x0  }
0x12: {  	s1 =	sld [smem:$0x3F99];
	s0 =	simm.s32 @p0 $0x1  }
0x13: {  	[smem:$0x3FB4] =	sst s0;
	s0 =	simm.s32 @!p1 $0x0  }
0x14: {  	s2 =	sld [smem:$0x3F98];
	s0 =	simm.s32 @p1 $0x1  }
0x15: {  	[smem:$0x3FB5] =	sst s0;
	s0 =	simm.s32 @!p2 $0x0  }
0x16: {  	s3 =	sld [smem:$0x3FDB];
	s0 =	simm.s32 @p2 $0x1  }
0x17: {  	s4 =	simm.s32 $0x1BF5;
	[smem:$0x3FB7] =	sst s0  }
0x18: {  	s0 =	sld [smem:$0x3F9A];
	_ =	swait.ge [sflag:s4], $0x0  }
0x19: {  	s7 =	sld [smem:$0x3F9B]  }
0x1a: {  	s8 =	sadd.s32 $0xFFFFE003, lr  }
0x1b: {  	s9 =	sadd.s32 $0xFFFFFEF7, lr;
	s5 =	simm.s32 $0xFFFFFFFF;
	p2 =	slt.u32 s8, $0xFFFFF086  }
0x1c: {  	p1 =	slt.u32 s9, $0xF7A;
	s5 =	simm.s32 @!p2 $0x0  }
0x1d: {  	s5 =	simm.s32 @p1 $0x1;
	p0 =	seq.s32 s7, s2  }
0x1e: {  	s7 =	smul.u32 @!p0 $0xF7A, s2;
	p2 =	seq.s32 @!p0 s5, $0x0  }
0x1f: {  	s9 =	smul.u32 $0xF7A, s1;
	s8 =	simm.s32 @!p0 $0x1BF5;
	p2 =	por !p2, p0  }
0x20: {  	[sflag:s8] =	ssyncset.s32 @!p0 $0xFFFFF086;
	s6 =	sadd.s32 @!p0 s3, s7;
	s7 =	simm.s32 @!p0 $0x108  }
0x21: {  	s3 =	sadd.s32 s3, s9;
	s6 =	sadd.s32 @!p0 $0x88, s6;
	s7 =	simm.s32 @p2 $0x1082  }
0x22: {  	[simem:s7], [sflag:s8] =	dma.local @!p0 [hbm:s6], $0xF7A  }
0x23: {  	s9 =	sor.u32 $0xD0000000, s2;
	s6 =	simm.s32 $0x108;
	_ =	swait.ge @!p0 [sflag:s8], $0x0  }
0x24: {  	s3 =	sadd.s32 $0x88, s3;
	s6 =	simm.s32 @!p1 $0x1082;
	[sflag:s4] =	ssyncset.s32 $0xFFFFF086  }
0x25: {  	[simem:s6], [sflag:s4] =	dma.local [hbm:s3], $0xF7A  }
0x26: {  	[smem:$0x3F9B] =	sst s1;
	(tag) =	ssettag s2;
	_ =	strace s9  }
0x27: {  	s1 =	sld [smem:$0x3FAB]  }
0x28: {  	s2 =	sld [smem:$0x3FAC]  }
0x29: {  	s4 =	sld [smem:$0x3FAE]  }
0x2a: {  	p0 =	seq.s32 s5, $0x0;
	s5 =	sld [smem:$0x3FAF]  }
0x2b: {  	s6 =	sld [smem:$0x3FB0]  }
0x2c: {  	s7 =	sld [smem:$0x3FB1]  }
0x2d: {  	s3 =	simm.s32 $0x108;
	s8 =	sld [smem:$0x3FB2]  }
0x2e: {  	s3 =	simm.s32 @!p0 $0x1082;
	s9 =	sld [smem:$0x3FB3]  }
0x2f: {  	lr =	sadd.s32 s0, s3;
	s0 =	sld [smem:$0x3FAA]  }
0x30: {  	s3 =	sld [smem:$0x3FAD]  }
0x31: {  	[smem:$0x3FB6] =	sst s10  }
0x32: {  	s10 =	sld [smem:$0x3FB4];
	_ =	sdelay $0x3  }
0x33: {  	p0 =	seq.s32 s10, $0x1;
	s10 =	sld [smem:$0x3FB6];
	_ =	sdelay $0x3  }
0x34: {  	[smem:$0x3FB6] =	sst s10  }
0x35: {  	s10 =	sld [smem:$0x3FB5];
	_ =	sdelay $0x3  }
0x36: {  	p1 =	seq.s32 s10, $0x1;
	s10 =	sld [smem:$0x3FB6];
	_ =	sdelay $0x3  }
0x37: {  	[smem:$0x3FB6] =	sst s10  }
0x38: {  	s10 =	sld [smem:$0x3FB7]  }
0x39: {  	_ = 	snop;
	(pc) =	sbr.ind lr, $3  }
0x3a: {  	_ = 	snop  }
0x3b: {  	_ = 	snop  }
0x3c: {  	p2 =	seq.s32 s10, $0x1;
	s10 =	sld [smem:$0x3FB6]  }
0x3d: {  	_ =	shalt  }
0x3e: {  	_ =	shalt  }
0x3f: {  	_ =	shalt  }
0x40: {  	_ =	shalt  }
0x41: {  	_ =	shalt  }
0x42: {  	_ =	shalt  }
0x43: {  	_ =	shalt  }
0x44: {  	_ =	shalt  }
0x45: {  	_ =	shalt  }
0x46: {  	_ =	shalt  }
0x47: {  	_ =	shalt  }
0x48: {  	_ =	shalt  }
0x49: {  	_ =	shalt  }
0x4a: {  	_ =	shalt  }
0x4b: {  	_ =	shalt  }
0x4c: {  	_ =	shalt  }
0x4d: {  	_ =	shalt  }
0x4e: {  	_ =	shalt  }
0x4f: {  	_ =	shalt  }
0x50: {  	_ =	shalt  }
0x51: {  	_ =	shalt  }
0x52: {  	_ =	shalt  }
0x53: {  	_ =	shalt  }
0x54: {  	_ =	shalt  }
0x55: {  	_ =	shalt  }
0x56: {  	_ =	shalt  }
0x57: {  	_ =	shalt  }
0x58: {  	_ =	shalt  }
0x59: {  	_ =	shalt  }
0x5a: {  	_ =	shalt  }
0x5b: {  	_ =	shalt  }
0x5c: {  	_ =	shalt  }
0x5d: {  	_ =	shalt  }
0x5e: {  	_ =	shalt  }
0x5f: {  	_ =	shalt  }
0x60: {  	_ =	shalt  }
0x61: {  	_ =	shalt  }
0x62: {  	_ =	shalt  }
0x63: {  	_ =	shalt  }
0x64: {  	_ =	shalt  }
0x65: {  	_ =	shalt  }
0x66: {  	_ =	shalt  }
0x67: {  	_ =	shalt  }
0x68: {  	_ =	shalt  }
0x69: {  	_ =	shalt  }
0x6a: {  	_ =	shalt  }
0x6b: {  	_ =	shalt  }
0x6c: {  	_ =	shalt  }
0x6d: {  	_ =	shalt  }
0x6e: {  	_ =	shalt  }
0x6f: {  	_ =	shalt  }
0x70: {  	_ =	shalt  }
0x71: {  	_ =	shalt  }
0x72: {  	_ =	shalt  }
0x73: {  	_ =	shalt  }
0x74: {  	_ =	shalt  }
0x75: {  	_ =	shalt  }
0x76: {  	_ =	shalt  }
0x77: {  	_ =	shalt  }
0x78: {  	_ =	shalt  }
0x79: {  	_ =	shalt  }
0x7a: {  	_ =	shalt  }
0x7b: {  	_ =	shalt  }
0x7c: {  	_ =	shalt  }
0x7d: {  	_ =	shalt  }
0x7e: {  	_ =	shalt  }
0x7f: {  	_ =	shalt  }
0x80: {  	_ =	shalt  }
0x81: {  	_ =	shalt  }
0x82: {  	_ =	shalt  }
0x83: {  	_ =	shalt  }
0x84: {  	_ =	shalt  }
0x85: {  	_ =	shalt  }
0x86: {  	_ =	shalt  }
0x87: {  	_ =	shalt  }
.Lfunc_end0:
.L_simem_size_0:
called_computation.1_lowered:
.L_overlay_start_0:
0x88: {  	s2 =	sld [smem:$0x3FD9]  }
0x89: {  	s3 =	sld [smem:$0x3FFE];
	_ =	sdelay $0x1  }
0x8a: {  	s1 =	srdreg.scid  }
0x8b: {  	s0 =	sand.u32 $0x1, s1  }
0x8c: {  	s17 =	sshll.u32 s0, $0xA;
	s2 =	sadd.s32 s3, s2  }
0x8d: {  	s2 =	sadd.s32 s2, s17  }
0x8e: {  	[smem:$0x3FC2] =	sst s2  }
0x8f: {  	_ = 	snop  }
0x90: {  	s2 =	sld [smem:$0x3FD0];
	(tm) =	ssettm $0x1  }
0x91: {  	s18 =	sld [smem:$0x3FFB];
	_ =	sdelay $0x3  }
0x92: {  	_ =	strace s18  }
0x93: {  	s3 =	sld [smem:$0x3FFC];
	_ =	sdelay $0x3  }
0x94: {  	_ =	strace s3  }
0x95: {  	s3 =	sld [smem:$0x3FFD];
	_ =	sdelay $0x3  }
0x96: {  	_ =	strace s3  }
0x97: {  	_ =	strace $0x8FFFFFFF  }
0x98: {  	s19 =	sld [smem:$0x3FDB];
	_ =	sdelay $0x1  }
0x99: {  	s4 =	simm.s32 $_scs_section_size  }
0x9a: {  	s5 =	simm.s32 $_size__tile_overlayer_lowered;
	s6 =	simm.s32 $_tile_overlayer_lowered  }
0x9b: {  	s22 =	simm.s32 $0x1BFF;
	s21 =	sshll.u32 s6, $0x1;
	s3 =	sadd.s32 s4, s19  }
0x9c: {  	s7 =	simm.s32 $0x0;
	s20 =	sshll.u32 s5, $0x1;
	s5 =	sadd.s32 s21, s3  }
0x9d: {  	[timem:s7], [sflag:s22] =	dma.local [hbm:s5], s20  }
0x9e: {  	_ =	swait.ge [sflag:s22], s20  }
0x9f: {  	s4 =	ssub.s32 $0x0, s20;
	[sflag:s22] =	ssyncset.done $0x0  }
0xa0: {  	[sflag:s22] =	ssyncadd.s32 s4;
	_ =	sdelay $0x1  }
0xa1: {  	s23 =	simm.s32 $0x1B8B  }
0xa2: {  	_ =	swait.ge [sflag:s23], $0x1  }
0xa3: {  	[sflag:s23] =	ssyncset.done $0x0  }
0xa4: {  	s25 =	simm.s32 $0x1B8E;
	s24 =	sld [smem:$0x3FFE];
	[sflag:s23] =	ssyncadd.s32 $0xFFFFFFFF  }
0xa5: {  	s26 =	simm.s32 $execute0_lowered;
	[smem:$0x3FD2] =	sst s25  }
0xa6: {  	s5 =	sshll.u32 s26, $0x1;
	_ =	strace $0x80000049;
	[dreg:$0x1] =	wrdreg $0xFFFFFFFF  }
0xa7: {  	s28 =	simm.s32 $_size_execute0_lowered;
	s3 =	sadd.s32 s3, s5;
	[dreg:$0x0] =	wrdreg $0x0  }
0xa8: {  	s5 =	sshll.u32 s28, $0x1;
	[dreg:$0x2] =	wrdreg s3  }
0xa9: {  	[dreg:$0x3] =	wrdreg s5  }
0xaa: {  	[dreg:$0x4] =	wrdreg $0xC0  }
0xab: {  	_ =	task [dreg:s7], $0x5FFFF  }
0xac: {  	[dreg:$0x1] =	wrdreg $0xFFFFFFFF  }
0xad: {  	[dreg:$0x0] =	wrdreg $0x60  }
0xae: {  	[dreg:$0x2] =	wrdreg s24  }
0xaf: {  	[dreg:$0x3] =	wrdreg s2  }
0xb0: {  	[dreg:$0x4] =	wrdreg $0xA5000  }
0xb1: {  	[dreg:$0x5] =	wrdreg $0x9  }
0xb2: {  	_ =	task.clear_ibuf [dreg:s7], $0x6FFFF;
	_ =	strace $0x90000049  }
0xb3: {  	s29 =	simm.s32 $0x9;
	_ =	strace $0x8000004B  }
0xb4: {  	_ =	swait.ge [sflag:s29], $0x1  }
0xb5: {  	[sflag:s29] =	ssyncadd.s32 $0xFFFFFFFF  }
0xb6: {  	_ =	strace $0x9000004B  }
0xb7: {  	_ =	sfence  }
0xb8: {  	s30 =	sld [smem:$0x0];
	_ =	sdelay $0x2  }
0xb9: {  	s31 =	sshll.u32 s1, $0xD;
	s1 =	sshrl.u32 s1, $0x2  }
0xba: {  	s3 =	sand.u32 $0x4000, s31;
	s1 =	sadd.s32 s1, s30  }
0xbb: {  	s0 =	sor.u32 s3, s0;
	s1 =	sshll.u32 s1, $0x11  }
0xbc: {  	s0 =	sor.u32 s1, s0  }
0xbd: {  	s0 =	sadd.s32 $0x8F2B, s0  }
0xbe: {  	[sflag:s0] =	ssyncadd.remote.s32 $0x1  }
0xbf: {  	_ =	sfence.sel $0xFFFF  }
0xc0: {  	[dreg:$0x0] =	wrdreg $0xFFFFFFFF;
	(pc) =	sbr.abs _section_cstart, $3  }
0xc1: {  	[dreg:$0x1] =	wrdreg $0xFFFFFFFF  }
0xc2: {  	_ =	task.clear_ibuf [dreg:s7], $0x2FFFF;
	_ =	strace $0x9FFFFFFF  }
0xc3: {  	(tm) =	ssettm $0x7FFFFFFF  }
tec
execute0_lowered:
.L_overlay_start_1:
0x0: {  	(tag) =	ssettag $0x1  }
0x1: {  	s0 =	rddreg [dreg:$0x0]  }
0x2: {  	s1 =	rddreg [dreg:$0x1]  }
0x3: {  	s2 =	rddreg [dreg:$0x2];
	s3 =	srdreg.scid  }
0x4: {  	s11 =	stileid.u32;
	s14 =	simm.s32 $0x0;
	s19 =	simm.s32 $0x5  }
0x5: {  	s20 =	simm.s32 $0x2500;
	s28 =	simm.s32 $0x2;
	s5 =	smul.u32 $0x48, s11  }
0x6: {  	s29 =	simm.s32 $0x4;
	s3 =	sand.u32 $0x1, s3;
	s8 =	smul.u32 $0x280, s11  }
0x7: {  	[smem:$0x7FF] =	sst s14;
	s4 =	sshll.u32 s11, $0x3;
	s11 =	smul.u32 $0x50000, s11  }
0x8: {  	s6 =	smul.u32 $0x2800, s3;
	p0 =	seq.s32 s3, $0x0;
	s7 =	sor.u32 $0x480, s4  }
0x9: {  	_ =	strace $0x8000004A;
	s4 =	sadd.s32 $0x3000, s0;
	s3 =	ssub.s32 $0x2, s3  }
0xa: {  	s7 =	smov.u32 @p0 s5;
	s5 =	sadd.s32 $0x2B000, s0;
	s10 =	sshrl.u32 s3, $0x1  }
0xb: {  	s22 =	sshrl.u32 s11, $0x2;
	s7 =	sshll.u32 s7, $0x4;
	s3 =	ssub.s32 s3, s10  }
0xc: {  	s6 =	sadd.s32 s8, s6;
	s21 =	sadd.s32 s7, s0;
	s24 =	smax.u32 s3, $0x1  }
0xd: {  	s9 =	sshll.u32 s6, $0x4;
	s8 =	sadd.s32 $0x53000, s21;
	[dreg:$0xa] =	wrdreg s24  }
0xe: {  	s0 =	sadd.s32 s9, s0;
	s9 =	sadd.s32 s22, s2;
	[dreg:$0x5] =	wrdreg s8  }
0xf: {  	s30 =	simm.s32 $0x0;
	s23 =	sadd.s32 $0x58400, s0;
	[dreg:$0x6] =	wrdreg s9  }
0x10: {  	s6 =	simm.s32 $0x48;
	s0 =	sadd.s32 $0xA8400, s0;
	[dreg:$0x8] =	wrdreg s23  }
0x11: {  	s6 =	simm.s32 @!p0 $0x8;
	s26 =	sadd.s32 $0x10000, s9;
	[dreg:$0x9] =	wrdreg s0  }
0x12: {  	s21 =	simm.s32 $0x2400;
	s16 =	sadd.s32 $0x4000, s9;
	[dreg:$0xe] =	wrdreg s26  }
0x13: {  	s22 =	simm.s32 $0x80;
	s17 =	sadd.s32 $0x8000, s9;
	[dreg:$0xb] =	wrdreg s16  }
0x14: {  	s25 =	sshll.u32 s6, $0x4;
	s18 =	sadd.s32 $0xC000, s9;
	[dreg:$0xc] =	wrdreg s17  }
0x15: {  	s8 =	sadd.s32 s1, s7;
	s0 =	sadd.s32 $0xFFFFFFE0, s25;
	[dreg:$0xd] =	wrdreg s18  }
0x16: {  	s24 =	simm.s32 $0x6500;
	s31 =	sadd.s32 $0x30, s8;
	[dreg:$0x4] =	wrdreg s0  }
0x17: {  	s15 =	sadd.s32 $0x10, s8;
	s23 =	simm.s32 $0x2480;
	[dreg:$0xf] =	wrdreg s31  }
0x18: {  	v0 =	vimm.f32 $0.0e+00;
	s25 =	simm.s32 $0x1;
	s26 =	simm.s32 $0x3;
	[dreg:$0x7] =	wrdreg s15  }
.LBB2_1:
0x19: {  	s0 =	rddreg [dreg:$0x5]  }
0x1a: {  	[tilespmem:s14], [sflag:$0x5] =	stream.linear.gather [hbm4b:s0+s14], $0x2400, $0x38;
	[tilespmem:$0x1E500] =	vst v63  }
0x1b: {  	_ =	swait.ge [sflag:s19], $0x2400  }
0x1c: {  	[sflag:s19] =	ssyncset.done $0x0  }
0x1d: {  	s1 =	simm.s32 $0x200;
	s0 =	simm.s32 $0x0;
	[sflag:s19] =	ssyncadd.s32 $0xFFFFDC00  }
.LBB2_2:
0x1e: {  	p0 =	sne.s32 s1, $0xFE00;
	[tilespmem:s0+$0x2570] =	vst v0  }
0x1f: {  	[tilespmem:s0+$0x2500] =	vst v0  }
0x20: {  	[tilespmem:s0+$0x2510] =	vst v0  }
.Ltmp0:
0x21: {  	[tilespmem:s0+$0x2520] =	vst v0;
	(pc) =	sbr.rel @p0 .LBB2_2-.Ltmp0, $4  }
0x22: {  	[tilespmem:s0+$0x2530] =	vst v0  }
0x23: {  	[tilespmem:s0+$0x2540] =	vst v0  }
0x24: {  	[tilespmem:s0+$0x2550] =	vst v0  }
0x25: {  	[tilespmem:s0+$0x2560] =	vst v0;
	s0 =	sshra.s32 s1, $0x2;
	s1 =	sadd.s32 $0x200, s1  }
0x26: {  	[tilespmem:s0+$0x2570] =	vst v0  }
0x27: {  	[tilespmem:s0+$0x2500] =	vst v0  }
0x28: {  	[tilespmem:s0+$0x2510] =	vst v0  }
0x29: {  	[tilespmem:s0+$0x2520] =	vst v0  }
0x2a: {  	[tilespmem:s0+$0x2530] =	vst v0  }
0x2b: {  	[tilespmem:s0+$0x2540] =	vst v0  }
0x2c: {  	[tilespmem:s0+$0x2550] =	vst v0  }
0x2d: {  	[tilespmem:s0+$0x2560] =	vst v0  }
0x2e: {  	[spmem:s9] =	stream.linear.scatter [tilespmem:s20], [sflag:$0x5], $0x4000, $0x38;
	[tilespmem:$0x1E500] =	vst v63  }
0x2f: {  	_ =	swait.ge [sflag:s19], $0x4000  }
0x30: {  	[sflag:s19] =	ssyncset.done $0x0  }
0x31: {  	[sflag:s19] =	ssyncadd.s32 $0xFFFFC000  }
0x32: {  	[spmem:s16] =	stream.linear.scatter [tilespmem:s20], [sflag:$0x5], $0x4000, $0x38;
	[tilespmem:$0x1E500] =	vst v63  }
0x33: {  	_ =	swait.ge [sflag:s19], $0x4000  }
0x34: {  	[sflag:s19] =	ssyncset.done $0x0  }
0x35: {  	[sflag:s19] =	ssyncadd.s32 $0xFFFFC000  }
0x36: {  	[spmem:s17] =	stream.linear.scatter [tilespmem:s20], [sflag:$0x5], $0x4000, $0x38;
	[tilespmem:$0x1E500] =	vst v63  }
0x37: {  	_ =	swait.ge [sflag:s19], $0x4000  }
0x38: {  	[sflag:s19] =	ssyncset.done $0x0  }
0x39: {  	[sflag:s19] =	ssyncadd.s32 $0xFFFFC000  }
0x3a: {  	[spmem:s18] =	stream.linear.scatter [tilespmem:s20], [sflag:$0x5], $0x4000, $0x38;
	[tilespmem:$0x1E500] =	vst v63  }
0x3b: {  	_ =	swait.ge [sflag:s19], $0x4000  }
0x3c: {  	[sflag:s19] =	ssyncset.done $0x0  }
0x3d: {  	s13 =	rddreg [dreg:$0xe];
	[sflag:s19] =	ssyncadd.s32 $0xFFFFC000  }
0x3e: {  	[spmem:s13] =	stream.linear.scatter [tilespmem:s20], [sflag:$0x5], $0x4000, $0x38;
	[tilespmem:$0x1E500] =	vst v63  }
0x3f: {  	_ =	swait.ge [sflag:s19], $0x4000  }
0x40: {  	[sflag:s19] =	ssyncset.done $0x0  }
0x41: {  	s7 =	simm.s32 $0x0;
	[sflag:s19] =	ssyncadd.s32 $0xFFFFC000  }
0x42: {  	[tilespmem:s21], [sflag:$0x1] =	stream.linear.gather [hbm4b:s8+s7], $0x80, $0x38;
	[tilespmem:$0x1E500] =	vst v63  }
0x43: {  	_ = 	snop  }
0x44: {  	[tilespmem:s20], [sflag:$0x3] =	stream.indirect.gather [hbm4b:s4+s22], $0x80, s7, s22, $0xb8;
	[tilespmem:$0x1E500] =	vst v63  }
0x45: {  	_ = 	snop  }
0x46: {  	[tilespmem:s23], [sflag:$0x2] =	stream.linear.gather [hbm4b:s15+s7], $0x80, $0x38;
	[tilespmem:$0x1E500] =	vst v63  }
0x47: {  	s31 =	simm.s32 $0x180  }
0x48: {  	[tilespmem:s24], [sflag:$0x4] =	stream.indirect.gather [hbm4b:s4+s22], $0x80, s22, s22, $0xb8;
	[tilespmem:$0x1E500] =	vst v63  }
0x49: {  	s11 =	simm.s32 $0x3;
	s0 =	simm.s32 $0x1;
	[bflag:$0x0] =	sbarrier.arrive $0xFFFF  }
.LBB2_4:
0x4a: {  	_ =	swait.ge [sflag:s25], $0x80  }
0x4b: {  	[sflag:s25] =	ssyncset.done $0x0  }
0x4c: {  	[sflag:s25] =	ssyncadd.s32 $0xFFFFFF80  }
0x4d: {  	_ =	swait.ge [sflag:s26], $0x4000  }
0x4e: {  	[sflag:s26] =	ssyncset.done $0x0  }
0x4f: {  	s1 =	sadd.s32 $0xFFFFFFFF, s11;
	[sflag:s26] =	ssyncadd.s32 $0xFFFFC000  }
0x50: {  	[spmem:s2] =	stream.indirect.scatter.add.f32 [tilespmem:s20], [sflag:$0x5], $0x80, s21, s22, $0xb8;
	[tilespmem:$0x1E500] =	vst v63  }
0x51: {  	p0 =	sge.u32 s1, s6;
	_ =	swait.ge [sflag:s19], $0x4000  }
0x52: {  	s1 =	sadd.s32 @!p0 s7, s8;
	s10 =	simm.s32 @!p0 $0x0;
	[sflag:s19] =	ssyncset.done $0x0  }
0x53: {  	s12 =	simm.s32 @!p0 $0x2400;
	s3 =	sadd.s32 @!p0 $0x20, s1;
	[sflag:s19] =	ssyncadd.s32 $0xFFFFC000  }
0x54: {  	[tilespmem:s12], [sflag:$0x1] =	stream.linear.gather @!p0 [hbm4b:s3+s10], $0x80, $0x38;
	[tilespmem:$0x1E500] =	vst v63  }
0x55: {  	s3 =	sadd.s32 @!p0 $0xFFFFFF80, s31;
	s10 =	simm.s32 @!p0 $0x80;
	s12 =	simm.s32 @!p0 $0x2500  }
0x56: {  	[tilespmem:s12], [sflag:$0x3] =	stream.indirect.gather @!p0 [hbm4b:s4+s10], $0x80, s3, s10, $0xb8;
	[tilespmem:$0x1E500] =	vst v63  }
0x57: {  	_ =	swait.ge [sflag:s28], $0x80  }
0x58: {  	[sflag:s28] =	ssyncset.done $0x0  }
0x59: {  	[sflag:s28] =	ssyncadd.s32 $0xFFFFFF80  }
0x5a: {  	_ =	swait.ge [sflag:s29], $0x4000  }
0x5b: {  	[sflag:s29] =	ssyncset.done $0x0  }
0x5c: {  	p0 =	sge.u32 s11, s6;
	[sflag:s29] =	ssyncadd.s32 $0xFFFFC000  }
0x5d: {  	[spmem:s2] =	stream.indirect.scatter.add.f32 [tilespmem:s24], [sflag:$0x5], $0x80, s23, s22, $0xb8;
	[tilespmem:$0x1E500] =	vst v63  }
0x5e: {  	s3 =	sadd.s32 @!p0 s7, s8;
	_ =	swait.ge [sflag:s19], $0x4000  }
0x5f: {  	s10 =	simm.s32 @!p0 $0x0;
	s12 =	simm.s32 @!p0 $0x2480;
	[sflag:s19] =	ssyncset.done $0x0  }
0x60: {  	s7 =	sadd.s32 $0x20, s7;
	s3 =	sadd.s32 @!p0 $0x30, s3;
	[sflag:s19] =	ssyncadd.s32 $0xFFFFC000  }
0x61: {  	[tilespmem:s12], [sflag:$0x2] =	stream.linear.gather @!p0 [hbm4b:s3+s10], $0x80, $0x38;
	[tilespmem:$0x1E500] =	vst v63  }
0x62: {  	s3 =	simm.s32 @!p0 $0x80;
	s10 =	simm.s32 @!p0 $0x6500;
	s12 =	rddreg [dreg:$0x4]  }
0x63: {  	[tilespmem:s10], [sflag:$0x4] =	stream.indirect.gather @!p0 [hbm4b:s4+s3], $0x80, s31, s3, $0xb8;
	[tilespmem:$0x1E500] =	vst v63  }
0x64: {  	p0 =	sne.s32 s12, s7  }
.Ltmp1:
0x65: {  	_ = 	snop;
	(pc) =	sbr.rel @p0 .LBB2_4-.Ltmp1, $3  }
0x66: {  	_ =	sdelay $0x1  }
0x67: {  	s13 =	smov.u32 s0;
	s0 =	sadd.s32 $0x1, s0  }
0x68: {  	s1 =	smov.u32 s31;
	s11 =	sadd.s32 $0x2, s11;
	s31 =	sadd.s32 $0x100, s31  }
0x69: {  	_ =	swait.ge [sflag:s25], $0x80  }
0x6a: {  	[sflag:s25] =	ssyncset.done $0x0  }
0x6b: {  	[sflag:s25] =	ssyncadd.s32 $0xFFFFFF80  }
0x6c: {  	_ =	swait.ge [sflag:s26], $0x4000  }
0x6d: {  	[sflag:s26] =	ssyncset.done $0x0  }
0x6e: {  	s0 =	sadd.s32 $0xFFFFFFFF, s11;
	[sflag:s26] =	ssyncadd.s32 $0xFFFFC000  }
0x6f: {  	[spmem:s2] =	stream.indirect.scatter.add.f32 [tilespmem:s20], [sflag:$0x5], $0x80, s21, s22, $0xb8;
	[tilespmem:$0x1E500] =	vst v63  }
0x70: {  	p0 =	sge.u32 s0, s6;
	_ =	swait.ge [sflag:s19], $0x4000  }
0x71: {  	s0 =	sadd.s32 @!p0 s7, s8;
	s3 =	simm.s32 @!p0 $0x0;
	[sflag:s19] =	ssyncset.done $0x0  }
0x72: {  	s10 =	simm.s32 @!p0 $0x2400;
	s0 =	sadd.s32 @!p0 $0x20, s0;
	[sflag:s19] =	ssyncadd.s32 $0xFFFFC000  }
0x73: {  	[tilespmem:s10], [sflag:$0x1] =	stream.linear.gather @!p0 [hbm4b:s0+s3], $0x80, $0x38;
	[tilespmem:$0x1E500] =	vst v63  }
0x74: {  	[dreg:$0x10] =	wrdreg s0;
	s0 =	sadd.s32 @!p0 $0x80, s1  }
0x75: {  	s3 =	simm.s32 @!p0 $0x80;
	s10 =	simm.s32 @!p0 $0x2500;
	[dreg:$0x11] =	wrdreg s0  }
0x76: {  	[tilespmem:s10], [sflag:$0x3] =	stream.indirect.gather @!p0 [hbm4b:s4+s3], $0x80, s0, s3, $0xb8;
	[tilespmem:$0x1E500] =	vst v63  }
0x77: {  	_ =	swait.ge [sflag:s28], $0x80  }
0x78: {  	[sflag:s28] =	ssyncset.done $0x0  }
0x79: {  	[sflag:s28] =	ssyncadd.s32 $0xFFFFFF80  }
0x7a: {  	_ =	swait.ge [sflag:s29], $0x4000  }
0x7b: {  	[sflag:s29] =	ssyncset.done $0x0  }
0x7c: {  	[sflag:s29] =	ssyncadd.s32 $0xFFFFC000  }
0x7d: {  	[spmem:s2] =	stream.indirect.scatter.add.f32 [tilespmem:s24], [sflag:$0x5], $0x80, s23, s22, $0xb8;
	[tilespmem:$0x1E500] =	vst v63  }
0x7e: {  	p1 =	sge.u32 s11, s6;
	_ =	swait.ge [sflag:s19], $0x4000  }
0x7f: {  	s3 =	sadd.s32 @!p1 s7, s8;
	s10 =	simm.s32 @!p1 $0x2480;
	[sflag:s19] =	ssyncset.done $0x0  }
0x80: {  	s7 =	sadd.s32 @!p1 $0x30, s3;
	s3 =	simm.s32 @!p1 $0x0;
	[sflag:s19] =	ssyncadd.s32 $0xFFFFC000  }
0x81: {  	[tilespmem:s10], [sflag:$0x2] =	stream.linear.gather @!p1 [hbm4b:s7+s3], $0x80, $0x38;
	[tilespmem:$0x1E500] =	vst v63  }
0x82: {  	s12 =	stileid.u32;
	s3 =	simm.s32 @!p1 $0x80;
	s10 =	simm.s32 @!p1 $0x6500  }
0x83: {  	[tilespmem:s10], [sflag:$0x4] =	stream.indirect.gather @!p1 [hbm4b:s4+s3], $0x80, s31, s3, $0xb8;
	[tilespmem:$0x1E500] =	vst v63  }
0x84: {  	s1 =	sshll.u32 s12, $0x6;
	[bflag:$0x0] =	sbarrier.arrive $0xFFFF  }
0x85: {  	s12 =	sshrl.u32 s9, $0x3;
	s11 =	sor.u32 $0x1C05, s1;
	s10 =	rddreg [dreg:$0x8]  }
0x86: {  	[hbm:s10], [sflag:s11] =	dma.local [spmem:s12], $0x2800  }
0x87: {  	_ =	swait.ge [sflag:s19], $0x2800  }
0x88: {  	[sflag:s19] =	ssyncset.done $0x0  }
0x89: {  	s3 =	simm.s32 $0x0;
	s10 =	simm.s32 $0x200;
	[sflag:s19] =	ssyncadd.s32 $0xFFFFD800  }
.LBB2_6:
0x8a: {  	p2 =	sne.s32 s10, $0xFE00;
	[tilespmem:s3+$0x2570] =	vst v0  }
0x8b: {  	[tilespmem:s3+$0x2500] =	vst v0  }
0x8c: {  	[tilespmem:s3+$0x2510] =	vst v0  }
.Ltmp2:
0x8d: {  	[tilespmem:s3+$0x2520] =	vst v0;
	(pc) =	sbr.rel @p2 .LBB2_6-.Ltmp2, $4  }
0x8e: {  	[tilespmem:s3+$0x2530] =	vst v0  }
0x8f: {  	[tilespmem:s3+$0x2540] =	vst v0  }
0x90: {  	[tilespmem:s3+$0x2550] =	vst v0  }
0x91: {  	[tilespmem:s3+$0x2560] =	vst v0;
	s3 =	sshra.s32 s10, $0x2;
	s10 =	sadd.s32 $0x200, s10  }
0x92: {  	[tilespmem:s3+$0x2570] =	vst v0  }
0x93: {  	[tilespmem:s3+$0x2500] =	vst v0  }
0x94: {  	[tilespmem:s3+$0x2510] =	vst v0  }
0x95: {  	[tilespmem:s3+$0x2520] =	vst v0  }
0x96: {  	[tilespmem:s3+$0x2530] =	vst v0  }
0x97: {  	[tilespmem:s3+$0x2540] =	vst v0  }
0x98: {  	[tilespmem:s3+$0x2550] =	vst v0  }
0x99: {  	[tilespmem:s3+$0x2560] =	vst v0  }
0x9a: {  	[spmem:s9] =	stream.linear.scatter [tilespmem:s20], [sflag:$0x5], $0x4000, $0x38;
	[tilespmem:$0x1E500] =	vst v63  }
0x9b: {  	_ =	swait.ge [sflag:s19], $0x4000  }
0x9c: {  	[sflag:s19] =	ssyncset.done $0x0  }
0x9d: {  	[sflag:s19] =	ssyncadd.s32 $0xFFFFC000  }
0x9e: {  	[spmem:s16] =	stream.linear.scatter [tilespmem:s20], [sflag:$0x5], $0x4000, $0x38;
	[tilespmem:$0x1E500] =	vst v63  }
0x9f: {  	_ =	swait.ge [sflag:s19], $0x4000  }
0xa0: {  	[sflag:s19] =	ssyncset.done $0x0  }
0xa1: {  	[sflag:s19] =	ssyncadd.s32 $0xFFFFC000  }
0xa2: {  	[spmem:s17] =	stream.linear.scatter [tilespmem:s20], [sflag:$0x5], $0x4000, $0x38;
	[tilespmem:$0x1E500] =	vst v63  }
0xa3: {  	_ =	swait.ge [sflag:s19], $0x4000  }
0xa4: {  	[sflag:s19] =	ssyncset.done $0x0  }
0xa5: {  	[sflag:s19] =	ssyncadd.s32 $0xFFFFC000  }
0xa6: {  	[spmem:s18] =	stream.linear.scatter [tilespmem:s20], [sflag:$0x5], $0x4000, $0x38;
	[tilespmem:$0x1E500] =	vst v63  }
0xa7: {  	_ =	swait.ge [sflag:s19], $0x4000  }
0xa8: {  	[sflag:s19] =	ssyncset.done $0x0  }
0xa9: {  	s0 =	rddreg [dreg:$0xe];
	[sflag:s19] =	ssyncadd.s32 $0xFFFFC000  }
0xaa: {  	[spmem:s0] =	stream.linear.scatter [tilespmem:s20], [sflag:$0x5], $0x4000, $0x38;
	[tilespmem:$0x1E500] =	vst v63  }
0xab: {  	_ =	swait.ge [sflag:s19], $0x4000  }
0xac: {  	[sflag:s19] =	ssyncset.done $0x0  }
0xad: {  	[sflag:s19] =	ssyncadd.s32 $0xFFFFC000  }
0xae: {  	[tilespmem:s21], [sflag:$0x1] =	stream.linear.gather [hbm4b:s8+s14], $0x80, $0x38;
	[tilespmem:$0x1E500] =	vst v63  }
0xaf: {  	_ = 	snop  }
0xb0: {  	[tilespmem:s20], [sflag:$0x3] =	stream.indirect.gather [hbm4b:s5+s22], $0x80, s14, s22, $0xb8;
	[tilespmem:$0x1E500] =	vst v63  }
0xb1: {  	_ = 	snop  }
0xb2: {  	[tilespmem:s23], [sflag:$0x2] =	stream.linear.gather [hbm4b:s15+s14], $0x80, $0x38;
	[tilespmem:$0x1E500] =	vst v63  }
0xb3: {  	_ = 	snop  }
0xb4: {  	[tilespmem:s24], [sflag:$0x4] =	stream.indirect.gather [hbm4b:s5+s22], $0x80, s22, s22, $0xb8;
	[tilespmem:$0x1E500] =	vst v63  }
0xb5: {  	[bflag:$0x0] =	sbarrier.arrive $0xFFFF  }
0xb6: {  	_ =	swait.ge [sflag:s25], $0x80  }
0xb7: {  	[sflag:s25] =	ssyncset.done $0x0  }
0xb8: {  	[sflag:s25] =	ssyncadd.s32 $0xFFFFFF80  }
0xb9: {  	_ =	swait.ge [sflag:s26], $0x4000  }
0xba: {  	[sflag:s26] =	ssyncset.done $0x0  }
0xbb: {  	[sflag:s26] =	ssyncadd.s32 $0xFFFFC000  }
0xbc: {  	[spmem:s2] =	stream.indirect.scatter.add.f32 [tilespmem:s20], [sflag:$0x5], $0x80, s21, s22, $0xb8;
	[tilespmem:$0x1E500] =	vst v63  }
0xbd: {  	p2 =	sle.u32 s6, $0x2;
	_ =	swait.ge [sflag:s19], $0x4000  }
0xbe: {  	s10 =	simm.s32 @!p2 $0x0;
	[sflag:s19] =	ssyncset.done $0x0;
	s18 =	rddreg [dreg:$0xf]  }
0xbf: {  	s15 =	simm.s32 @!p2 $0x2400;
	[sflag:s19] =	ssyncadd.s32 $0xFFFFC000;
	s3 =	sadd.s32 @!p2 $0xFFFFFFF0, s18  }
0xc0: {  	[tilespmem:s15], [sflag:$0x1] =	stream.linear.gather @!p2 [hbm4b:s3+s10], $0x80, $0x38;
	[tilespmem:$0x1E500] =	vst v63  }
0xc1: {  	s3 =	simm.s32 $0x100;
	s10 =	simm.s32 @!p2 $0x80;
	s15 =	simm.s32 @!p2 $0x2500  }
0xc2: {  	[tilespmem:s15], [sflag:$0x3] =	stream.indirect.gather @!p2 [hbm4b:s5+s10], $0x80, s3, s10, $0xb8;
	[tilespmem:$0x1E500] =	vst v63  }
0xc3: {  	_ =	swait.ge [sflag:s28], $0x80  }
0xc4: {  	[sflag:s28] =	ssyncset.done $0x0  }
0xc5: {  	[sflag:s28] =	ssyncadd.s32 $0xFFFFFF80  }
0xc6: {  	_ =	swait.ge [sflag:s29], $0x4000  }
0xc7: {  	s13 =	sadd.s32 $0xFFFFFFFF, s13;
	[sflag:s29] =	ssyncset.done $0x0  }
0xc8: {  	p2 =	sne.s32 s13, $0x0;
	[sflag:s29] =	ssyncadd.s32 $0xFFFFC000  }
0xc9: {  	[spmem:s2] =	stream.indirect.scatter.add.f32 [tilespmem:s24], [sflag:$0x5], $0x80, s23, s22, $0xb8;
	[tilespmem:$0x1E500] =	vst v63  }
.Ltmp3:
0xca: {  	p3 =	sle.u32 s6, $0x3;
	_ =	swait.ge [sflag:s19], $0x4000;
	(pc) =	sbr.rel @!p2 .LBB2_9-.Ltmp3, $4  }
0xcb: {  	s16 =	simm.s32 @!p3 $0x80;
	[sflag:s19] =	ssyncset.done $0x0  }
0xcc: {  	s3 =	simm.s32 @!p3 $0x0;
	s10 =	simm.s32 @!p3 $0x2480;
	[sflag:s19] =	ssyncadd.s32 $0xFFFFC000  }
0xcd: {  	[tilespmem:s10], [sflag:$0x2] =	stream.linear.gather @!p3 [hbm4b:s18+s3], $0x80, $0x38;
	[tilespmem:$0x1E500] =	vst v63  }
0xce: {  	s15 =	simm.s32 @!p3 $0x180;
	s3 =	simm.s32 $0x5;
	s10 =	simm.s32 $0x200  }
.LBB2_8:
0xcf: {  	s13 =	sadd.s32 $0xFFFFFFFF, s13;
	s17 =	simm.s32 @!p3 $0x6500;
	s18 =	sadd.s32 $0x20, s18  }
0xd0: {  	[tilespmem:s17], [sflag:$0x4] =	stream.indirect.gather @!p3 [hbm4b:s5+s16], $0x80, s15, s16, $0xb8;
	[tilespmem:$0x1E500] =	vst v63  }
0xd1: {  	p2 =	sne.s32 s13, $0x0;
	s15 =	smov.u32 s3;
	_ =	swait.ge [sflag:s25], $0x80  }
0xd2: {  	s16 =	smov.u32 s10;
	[sflag:s25] =	ssyncset.done $0x0  }
0xd3: {  	[sflag:s25] =	ssyncadd.s32 $0xFFFFFF80  }
0xd4: {  	_ =	swait.ge [sflag:s26], $0x4000  }
0xd5: {  	[sflag:s26] =	ssyncset.done $0x0  }
0xd6: {  	[sflag:s26] =	ssyncadd.s32 $0xFFFFC000  }
0xd7: {  	[spmem:s2] =	stream.indirect.scatter.add.f32 [tilespmem:s20], [sflag:$0x5], $0x80, s21, s22, $0xb8;
	[tilespmem:$0x1E500] =	vst v63  }
0xd8: {  	s17 =	sadd.s32 $0xFFFFFFFF, s3;
	_ =	swait.ge [sflag:s19], $0x4000  }
0xd9: {  	p3 =	sge.u32 s17, s6;
	[sflag:s19] =	ssyncset.done $0x0  }
0xda: {  	s17 =	sadd.s32 @!p3 $0xFFFFFFF0, s18;
	s14 =	simm.s32 @!p3 $0x0;
	[sflag:s19] =	ssyncadd.s32 $0xFFFFC000  }
0xdb: {  	s9 =	simm.s32 @!p3 $0x2400;
	s0 =	simm.s32 @!p3 $0x80;
	s1 =	simm.s32 @!p3 $0x2500  }
0xdc: {  	[tilespmem:s9], [sflag:$0x1] =	stream.linear.gather @!p3 [hbm4b:s17+s14], $0x80, $0x38;
	[tilespmem:$0x1E500] =	vst v63  }
0xdd: {  	_ = 	snop  }
0xde: {  	[tilespmem:s1], [sflag:$0x3] =	stream.indirect.gather @!p3 [hbm4b:s5+s0], $0x80, s10, s0, $0xb8;
	[tilespmem:$0x1E500] =	vst v63  }
0xdf: {  	_ =	swait.ge [sflag:s28], $0x80  }
0xe0: {  	[sflag:s28] =	ssyncset.done $0x0  }
0xe1: {  	[sflag:s28] =	ssyncadd.s32 $0xFFFFFF80  }
0xe2: {  	_ =	swait.ge [sflag:s29], $0x4000  }
0xe3: {  	[sflag:s29] =	ssyncset.done $0x0  }
0xe4: {  	s3 =	sadd.s32 $0x2, s3;
	[sflag:s29] =	ssyncadd.s32 $0xFFFFC000  }
0xe5: {  	[spmem:s2] =	stream.indirect.scatter.add.f32 [tilespmem:s24], [sflag:$0x5], $0x80, s23, s22, $0xb8;
	[tilespmem:$0x1E500] =	vst v63  }
.Ltmp4:
0xe6: {  	_ = 	snop;
	(pc) =	sbr.rel @p2 .LBB2_8-.Ltmp4, $4  }
0xe7: {  	p3 =	sge.u32 s15, s6;
	s10 =	sadd.s32 $0x100, s10;
	_ =	swait.ge [sflag:s19], $0x4000  }
0xe8: {  	s0 =	simm.s32 @!p3 $0x0;
	s1 =	simm.s32 @!p3 $0x2480;
	[sflag:s19] =	ssyncset.done $0x0  }
0xe9: {  	s15 =	sadd.s32 @!p3 $0x80, s16;
	s16 =	simm.s32 @!p3 $0x80;
	[sflag:s19] =	ssyncadd.s32 $0xFFFFC000  }
0xea: {  	[tilespmem:s1], [sflag:$0x2] =	stream.linear.gather @!p3 [hbm4b:s18+s0], $0x80, $0x38;
	[tilespmem:$0x1E500] =	vst v63  }
.LBB2_9:
0xeb: {  	s0 =	simm.s32 @!p3 $0x6500  }
0xec: {  	[tilespmem:s0], [sflag:$0x4] =	stream.indirect.gather @!p3 [hbm4b:s5+s16], $0x80, s15, s16, $0xb8;
	[tilespmem:$0x1E500] =	vst v63  }
0xed: {  	_ =	swait.ge [sflag:s25], $0x80  }
0xee: {  	[sflag:s25] =	ssyncset.done $0x0  }
0xef: {  	[sflag:s25] =	ssyncadd.s32 $0xFFFFFF80  }
0xf0: {  	_ =	swait.ge [sflag:s26], $0x4000  }
0xf1: {  	[sflag:s26] =	ssyncset.done $0x0  }
0xf2: {  	[sflag:s26] =	ssyncadd.s32 $0xFFFFC000  }
0xf3: {  	[spmem:s2] =	stream.indirect.scatter.add.f32 [tilespmem:s20], [sflag:$0x5], $0x80, s21, s22, $0xb8;
	[tilespmem:$0x1E500] =	vst v63  }
0xf4: {  	_ =	swait.ge [sflag:s19], $0x4000  }
0xf5: {  	s1 =	simm.s32 @!p0 $0x2400;
	[sflag:s19] =	ssyncset.done $0x0  }
0xf6: {  	s0 =	simm.s32 @!p0 $0x0;
	s3 =	rddreg [dreg:$0x10];
	[sflag:s19] =	ssyncadd.s32 $0xFFFFC000  }
0xf7: {  	[tilespmem:s1], [sflag:$0x1] =	stream.linear.gather @!p0 [hbm4b:s3+s0], $0x80, $0x38;
	[tilespmem:$0x1E500] =	vst v63  }
0xf8: {  	s0 =	simm.s32 @!p0 $0x80;
	s1 =	simm.s32 @!p0 $0x2500;
	s3 =	rddreg [dreg:$0x11]  }
0xf9: {  	[tilespmem:s1], [sflag:$0x3] =	stream.indirect.gather @!p0 [hbm4b:s5+s0], $0x80, s3, s0, $0xb8;
	[tilespmem:$0x1E500] =	vst v63  }
0xfa: {  	_ =	swait.ge [sflag:s28], $0x80  }
0xfb: {  	[sflag:s28] =	ssyncset.done $0x0  }
0xfc: {  	[sflag:s28] =	ssyncadd.s32 $0xFFFFFF80  }
0xfd: {  	_ =	swait.ge [sflag:s29], $0x4000  }
0xfe: {  	[sflag:s29] =	ssyncset.done $0x0  }
0xff: {  	[sflag:s29] =	ssyncadd.s32 $0xFFFFC000  }
0x100: {  	[spmem:s2] =	stream.indirect.scatter.add.f32 [tilespmem:s24], [sflag:$0x5], $0x80, s23, s22, $0xb8;
	[tilespmem:$0x1E500] =	vst v63  }
0x101: {  	_ =	swait.ge [sflag:s19], $0x4000  }
0x102: {  	[sflag:s19] =	ssyncset.done $0x0  }
0x103: {  	s0 =	simm.s32 @!p1 $0x0;
	s1 =	simm.s32 @!p1 $0x2480;
	[sflag:s19] =	ssyncadd.s32 $0xFFFFC000  }
0x104: {  	[tilespmem:s1], [sflag:$0x2] =	stream.linear.gather @!p1 [hbm4b:s7+s0], $0x80, $0x38;
	[tilespmem:$0x1E500] =	vst v63  }
0x105: {  	s0 =	simm.s32 @!p1 $0x80;
	s1 =	simm.s32 @!p1 $0x6500  }
0x106: {  	[tilespmem:s1], [sflag:$0x4] =	stream.indirect.gather @!p1 [hbm4b:s5+s0], $0x80, s31, s0, $0xb8;
	[tilespmem:$0x1E500] =	vst v63  }
0x107: {  	[bflag:$0x0] =	sbarrier.arrive $0xFFFF  }
0x108: {  	s18 =	rddreg [dreg:$0x9]  }
0x109: {  	[hbm:s18], [sflag:s11] =	dma.local [spmem:s12], $0x2800  }
0x10a: {  	_ =	swait.ge [sflag:s19], $0x2800  }
0x10b: {  	s30 =	sadd.s32 $0x1, s30;
	s31 =	rddreg [dreg:$0xa]  }
0x10c: {  	p0 =	sne.s32 s30, s31  }
.Ltmp5:
0x10d: {  	s9 =	rddreg [dreg:$0x6];
	(pc) =	sbr.rel @p0 .LBB2_1-.Ltmp5, $4  }
0x10e: {  	s15 =	rddreg [dreg:$0x7]  }
0x10f: {  	s16 =	rddreg [dreg:$0xb]  }
0x110: {  	[sflag:s19] =	ssyncset.done $0x0;
	s17 =	rddreg [dreg:$0xc]  }
0x111: {  	s14 =	simm.s32 $0x0;
	s18 =	rddreg [dreg:$0xd];
	[sflag:s19] =	ssyncadd.s32 $0xFFFFD800  }
0x112: {  	_ =	sfence.sel $0x180000  }
0x113: {  	[bflag:$0x0] =	sbarrier.arrive $0xFFFF  }
0x114: {  	_ =	strace $0x9000004A  }
0x115: {  	s0 =	stileid.u32;
	[bflag:$0x2] =	sbarrier.arrive $0xFFFF  }
0x116: {  	p0 =	sne.s32 s0, $0x0;
	s0 =	rddreg [dreg:$0x3]  }
0x117: {  	s0 =	sadd.s32 @!p0 $0x100000, s0  }
0x118: {  	[sflag:s0] =	ssyncadd.tile.s32 @!p0 $0x1;
	_ =	shalt  }
.Lfunc_end2:
_tile_overlayer_lowered:
.L_overlay_start_2:
0x119: {  	(tag) =	ssettag $0x2  }
0x11a: {  	s0 =	rddreg [dreg:$0x0];
	s2 =	stileid.u32  }
0x11b: {  	s1 =	rddreg [dreg:$0x1];
	p0 =	sne.s32 s2, $0x0  }
0x11c: {  	s3 =	rddreg [dreg:$0x2];
	[bflag:$0x3] =	sbarrier.arrive $0xFFFF;
	s2 =	simm.s32 @!p0 $0x1C05  }
0x11d: {  	[timem:s3], [sflag:s2] =	dma.local @!p0 [hbm:s0], s1  }
0x11e: {  	s0 =	simm.s32 @!p0 $0x5  }
0x11f: {  	_ =	swait.ge @!p0 [sflag:s0], s1  }
0x120: {  	s1 =	ssub.s32 @!p0 $0x0, s1;
	[sflag:s0] =	ssyncset.done @!p0 $0x0  }
0x121: {  	[sflag:s0] =	ssyncadd.s32 @!p0 s1  }
0x122: {  	[bflag:$0x3] =	sbarrier.arrive $0xFFFF  }
0x123: {  	_ =	shalt  }

// kernel: kernel.15.cloned.1.call-start
scs
__scs_entry_jumppad:
0x0: {  	(pc) =	sbr.rel $0x88, $3  }
0x1: {  	(tag) =	ssettag $0x0;
	lr =	simm.s32 $0x1  }
0x2: {  	[smem:$0x3F9B] =	sst lr;
	_ =	strace $0xD0000000  }
0x3: {  	_ = 	snop  }
0x4: {  	_ = 	snop  }
0x5: {  	_ = 	snop  }
0x6: {  	_ = 	snop  }
0x7: {  	_ = 	snop  }
__scs_overlays_trampoline_lowered:
0x8: {  	[smem:$0x3FAA] =	sst s0  }
0x9: {  	[smem:$0x3FAB] =	sst s1  }
0xa: {  	[smem:$0x3FAC] =	sst s2  }
0xb: {  	[smem:$0x3FAD] =	sst s3  }
0xc: {  	[smem:$0x3FAE] =	sst s4  }
0xd: {  	[smem:$0x3FAF] =	sst s5  }
0xe: {  	[smem:$0x3FB0] =	sst s6  }
0xf: {  	[smem:$0x3FB1] =	sst s7  }
0x10: {  	[smem:$0x3FB2] =	sst s8  }
0x11: {  	[smem:$0x3FB3] =	sst s9;
	s0 =	simm.s32 @!p0 $0x0  }
0x12: {  	s1 =	sld [smem:$0x3F99];
	s0 =	simm.s32 @p0 $0x1  }
0x13: {  	[smem:$0x3FB4] =	sst s0;
	s0 =	simm.s32 @!p1 $0x0  }
0x14: {  	s2 =	sld [smem:$0x3F98];
	s0 =	simm.s32 @p1 $0x1  }
0x15: {  	[smem:$0x3FB5] =	sst s0;
	s0 =	simm.s32 @!p2 $0x0  }
0x16: {  	s3 =	sld [smem:$0x3FDB];
	s0 =	simm.s32 @p2 $0x1  }
0x17: {  	s4 =	simm.s32 $0x1BF5;
	[smem:$0x3FB7] =	sst s0  }
0x18: {  	s0 =	sld [smem:$0x3F9A];
	_ =	swait.ge [sflag:s4], $0x0  }
0x19: {  	s7 =	sld [smem:$0x3F9B]  }
0x1a: {  	s8 =	sadd.s32 $0xFFFFE003, lr  }
0x1b: {  	s9 =	sadd.s32 $0xFFFFFEF7, lr;
	s5 =	simm.s32 $0xFFFFFFFF;
	p2 =	slt.u32 s8, $0xFFFFF086  }
0x1c: {  	p1 =	slt.u32 s9, $0xF7A;
	s5 =	simm.s32 @!p2 $0x0  }
0x1d: {  	s5 =	simm.s32 @p1 $0x1;
	p0 =	seq.s32 s7, s2  }
0x1e: {  	s7 =	smul.u32 @!p0 $0xF7A, s2;
	p2 =	seq.s32 @!p0 s5, $0x0  }
0x1f: {  	s9 =	smul.u32 $0xF7A, s1;
	s8 =	simm.s32 @!p0 $0x1BF5;
	p2 =	por !p2, p0  }
0x20: {  	[sflag:s8] =	ssyncset.s32 @!p0 $0xFFFFF086;
	s6 =	sadd.s32 @!p0 s3, s7;
	s7 =	simm.s32 @!p0 $0x108  }
0x21: {  	s3 =	sadd.s32 s3, s9;
	s6 =	sadd.s32 @!p0 $0x88, s6;
	s7 =	simm.s32 @p2 $0x1082  }
0x22: {  	[simem:s7], [sflag:s8] =	dma.local @!p0 [hbm:s6], $0xF7A  }
0x23: {  	s9 =	sor.u32 $0xD0000000, s2;
	s6 =	simm.s32 $0x108;
	_ =	swait.ge @!p0 [sflag:s8], $0x0  }
0x24: {  	s3 =	sadd.s32 $0x88, s3;
	s6 =	simm.s32 @!p1 $0x1082;
	[sflag:s4] =	ssyncset.s32 $0xFFFFF086  }
0x25: {  	[simem:s6], [sflag:s4] =	dma.local [hbm:s3], $0xF7A  }
0x26: {  	[smem:$0x3F9B] =	sst s1;
	(tag) =	ssettag s2;
	_ =	strace s9  }
0x27: {  	s1 =	sld [smem:$0x3FAB]  }
0x28: {  	s2 =	sld [smem:$0x3FAC]  }
0x29: {  	s4 =	sld [smem:$0x3FAE]  }
0x2a: {  	p0 =	seq.s32 s5, $0x0;
	s5 =	sld [smem:$0x3FAF]  }
0x2b: {  	s6 =	sld [smem:$0x3FB0]  }
0x2c: {  	s7 =	sld [smem:$0x3FB1]  }
0x2d: {  	s3 =	simm.s32 $0x108;
	s8 =	sld [smem:$0x3FB2]  }
0x2e: {  	s3 =	simm.s32 @!p0 $0x1082;
	s9 =	sld [smem:$0x3FB3]  }
0x2f: {  	lr =	sadd.s32 s0, s3;
	s0 =	sld [smem:$0x3FAA]  }
0x30: {  	s3 =	sld [smem:$0x3FAD]  }
0x31: {  	[smem:$0x3FB6] =	sst s10  }
0x32: {  	s10 =	sld [smem:$0x3FB4];
	_ =	sdelay $0x3  }
0x33: {  	p0 =	seq.s32 s10, $0x1;
	s10 =	sld [smem:$0x3FB6];
	_ =	sdelay $0x3  }
0x34: {  	[smem:$0x3FB6] =	sst s10  }
0x35: {  	s10 =	sld [smem:$0x3FB5];
	_ =	sdelay $0x3  }
0x36: {  	p1 =	seq.s32 s10, $0x1;
	s10 =	sld [smem:$0x3FB6];
	_ =	sdelay $0x3  }
0x37: {  	[smem:$0x3FB6] =	sst s10  }
0x38: {  	s10 =	sld [smem:$0x3FB7]  }
0x39: {  	_ = 	snop;
	(pc) =	sbr.ind lr, $3  }
0x3a: {  	_ = 	snop  }
0x3b: {  	_ = 	snop  }
0x3c: {  	p2 =	seq.s32 s10, $0x1;
	s10 =	sld [smem:$0x3FB6]  }
0x3d: {  	_ =	shalt  }
0x3e: {  	_ =	shalt  }
0x3f: {  	_ =	shalt  }
0x40: {  	_ =	shalt  }
0x41: {  	_ =	shalt  }
0x42: {  	_ =	shalt  }
0x43: {  	_ =	shalt  }
0x44: {  	_ =	shalt  }
0x45: {  	_ =	shalt  }
0x46: {  	_ =	shalt  }
0x47: {  	_ =	shalt  }
0x48: {  	_ =	shalt  }
0x49: {  	_ =	shalt  }
0x4a: {  	_ =	shalt  }
0x4b: {  	_ =	shalt  }
0x4c: {  	_ =	shalt  }
0x4d: {  	_ =	shalt  }
0x4e: {  	_ =	shalt  }
0x4f: {  	_ =	shalt  }
0x50: {  	_ =	shalt  }
0x51: {  	_ =	shalt  }
0x52: {  	_ =	shalt  }
0x53: {  	_ =	shalt  }
0x54: {  	_ =	shalt  }
0x55: {  	_ =	shalt  }
0x56: {  	_ =	shalt  }
0x57: {  	_ =	shalt  }
0x58: {  	_ =	shalt  }
0x59: {  	_ =	shalt  }
0x5a: {  	_ =	shalt  }
0x5b: {  	_ =	shalt  }
0x5c: {  	_ =	shalt  }
0x5d: {  	_ =	shalt  }
0x5e: {  	_ =	shalt  }
0x5f: {  	_ =	shalt  }
0x60: {  	_ =	shalt  }
0x61: {  	_ =	shalt  }
0x62: {  	_ =	shalt  }
0x63: {  	_ =	shalt  }
0x64: {  	_ =	shalt  }
0x65: {  	_ =	shalt  }
0x66: {  	_ =	shalt  }
0x67: {  	_ =	shalt  }
0x68: {  	_ =	shalt  }
0x69: {  	_ =	shalt  }
0x6a: {  	_ =	shalt  }
0x6b: {  	_ =	shalt  }
0x6c: {  	_ =	shalt  }
0x6d: {  	_ =	shalt  }
0x6e: {  	_ =	shalt  }
0x6f: {  	_ =	shalt  }
0x70: {  	_ =	shalt  }
0x71: {  	_ =	shalt  }
0x72: {  	_ =	shalt  }
0x73: {  	_ =	shalt  }
0x74: {  	_ =	shalt  }
0x75: {  	_ =	shalt  }
0x76: {  	_ =	shalt  }
0x77: {  	_ =	shalt  }
0x78: {  	_ =	shalt  }
0x79: {  	_ =	shalt  }
0x7a: {  	_ =	shalt  }
0x7b: {  	_ =	shalt  }
0x7c: {  	_ =	shalt  }
0x7d: {  	_ =	shalt  }
0x7e: {  	_ =	shalt  }
0x7f: {  	_ =	shalt  }
0x80: {  	_ =	shalt  }
0x81: {  	_ =	shalt  }
0x82: {  	_ =	shalt  }
0x83: {  	_ =	shalt  }
0x84: {  	_ =	shalt  }
0x85: {  	_ =	shalt  }
0x86: {  	_ =	shalt  }
0x87: {  	_ =	shalt  }
.Lfunc_end0:
.L_simem_size_0:
called_computation.2_lowered:
.L_overlay_start_0:
0x88: {  	s2 =	sld [smem:$0x3FD9]  }
0x89: {  	s3 =	sld [smem:$0x3FFE];
	_ =	sdelay $0x1  }
0x8a: {  	s1 =	srdreg.scid  }
0x8b: {  	s0 =	sand.u32 $0x1, s1  }
0x8c: {  	s17 =	sshll.u32 s0, $0xA;
	s2 =	sadd.s32 s3, s2  }
0x8d: {  	s2 =	sadd.s32 s2, s17  }
0x8e: {  	[smem:$0x3FC2] =	sst s2  }
0x8f: {  	_ = 	snop  }
0x90: {  	s2 =	sld [smem:$0x3FD0];
	(tm) =	ssettm $0x1  }
0x91: {  	s18 =	sld [smem:$0x3FFB];
	_ =	sdelay $0x3  }
0x92: {  	_ =	strace s18  }
0x93: {  	s3 =	sld [smem:$0x3FFC];
	_ =	sdelay $0x3  }
0x94: {  	_ =	strace s3  }
0x95: {  	s3 =	sld [smem:$0x3FFD];
	_ =	sdelay $0x3  }
0x96: {  	_ =	strace s3  }
0x97: {  	_ =	strace $0x8FFFFFFF  }
0x98: {  	s19 =	sld [smem:$0x3FDB];
	_ =	sdelay $0x1  }
0x99: {  	s4 =	simm.s32 $_scs_section_size  }
0x9a: {  	s5 =	simm.s32 $_size__tile_overlayer_lowered;
	s6 =	simm.s32 $_tile_overlayer_lowered  }
0x9b: {  	s22 =	simm.s32 $0x1BFF;
	s21 =	sshll.u32 s6, $0x1;
	s3 =	sadd.s32 s4, s19  }
0x9c: {  	s7 =	simm.s32 $0x0;
	s20 =	sshll.u32 s5, $0x1;
	s5 =	sadd.s32 s21, s3  }
0x9d: {  	[timem:s7], [sflag:s22] =	dma.local [hbm:s5], s20  }
0x9e: {  	_ =	swait.ge [sflag:s22], s20  }
0x9f: {  	s4 =	ssub.s32 $0x0, s20;
	[sflag:s22] =	ssyncset.done $0x0  }
0xa0: {  	[sflag:s22] =	ssyncadd.s32 s4;
	_ =	sdelay $0x1  }
0xa1: {  	s23 =	simm.s32 $0x1B8B  }
0xa2: {  	_ =	swait.ge [sflag:s23], $0x1  }
0xa3: {  	[sflag:s23] =	ssyncset.done $0x0  }
0xa4: {  	s25 =	simm.s32 $0x1B8E;
	s24 =	sld [smem:$0x3FFE];
	[sflag:s23] =	ssyncadd.s32 $0xFFFFFFFF  }
0xa5: {  	s26 =	simm.s32 $execute0_lowered;
	[smem:$0x3FD2] =	sst s25  }
0xa6: {  	s5 =	sshll.u32 s26, $0x1;
	_ =	strace $0x8000004C;
	[dreg:$0x1] =	wrdreg $0xFFFFFFFF  }
0xa7: {  	s28 =	simm.s32 $_size_execute0_lowered;
	s3 =	sadd.s32 s3, s5;
	[dreg:$0x0] =	wrdreg $0x0  }
0xa8: {  	s5 =	sshll.u32 s28, $0x1;
	[dreg:$0x2] =	wrdreg s3  }
0xa9: {  	[dreg:$0x3] =	wrdreg s5  }
0xaa: {  	[dreg:$0x4] =	wrdreg $0xC0  }
0xab: {  	_ =	task [dreg:s7], $0x5FFFF  }
0xac: {  	[dreg:$0x1] =	wrdreg $0xFFFFFFFF  }
0xad: {  	[dreg:$0x0] =	wrdreg $0x60  }
0xae: {  	[dreg:$0x2] =	wrdreg s24  }
0xaf: {  	[dreg:$0x3] =	wrdreg s2  }
0xb0: {  	[dreg:$0x4] =	wrdreg $0xA5000  }
0xb1: {  	[dreg:$0x5] =	wrdreg $0x9  }
0xb2: {  	_ =	task.clear_ibuf [dreg:s7], $0x6FFFF;
	_ =	strace $0x9000004C  }
0xb3: {  	s29 =	simm.s32 $0x9;
	_ =	strace $0x8000004E  }
0xb4: {  	_ =	swait.ge [sflag:s29], $0x1  }
0xb5: {  	[sflag:s29] =	ssyncadd.s32 $0xFFFFFFFF  }
0xb6: {  	_ =	strace $0x9000004E  }
0xb7: {  	_ =	sfence  }
0xb8: {  	s30 =	sld [smem:$0x0];
	_ =	sdelay $0x2  }
0xb9: {  	s31 =	sshll.u32 s1, $0xD;
	s1 =	sshrl.u32 s1, $0x2  }
0xba: {  	s3 =	sand.u32 $0x4000, s31;
	s1 =	sadd.s32 s1, s30  }
0xbb: {  	s0 =	sor.u32 s3, s0;
	s1 =	sshll.u32 s1, $0x11  }
0xbc: {  	s0 =	sor.u32 s1, s0  }
0xbd: {  	s0 =	sadd.s32 $0x8F2B, s0  }
0xbe: {  	[sflag:s0] =	ssyncadd.remote.s32 $0x1  }
0xbf: {  	_ =	sfence.sel $0xFFFF  }
0xc0: {  	[dreg:$0x0] =	wrdreg $0xFFFFFFFF;
	(pc) =	sbr.abs _section_cstart, $3  }
0xc1: {  	[dreg:$0x1] =	wrdreg $0xFFFFFFFF  }
0xc2: {  	_ =	task.clear_ibuf [dreg:s7], $0x2FFFF;
	_ =	strace $0x9FFFFFFF  }
0xc3: {  	(tm) =	ssettm $0x7FFFFFFF  }
tec
execute0_lowered:
.L_overlay_start_1:
0x0: {  	(tag) =	ssettag $0x1  }
0x1: {  	s5 =	rddreg [dreg:$0x0]  }
0x2: {  	s8 =	rddreg [dreg:$0x1]  }
0x3: {  	s2 =	rddreg [dreg:$0x2];
	s1 =	srdreg.scid  }
0x4: {  	s0 =	stileid.u32;
	s26 =	simm.s32 $0x0;
	s17 =	simm.s32 $0x2500  }
0x5: {  	s18 =	simm.s32 $0x2400;
	s19 =	simm.s32 $0x80;
	s20 =	simm.s32 $0x2480  }
0x6: {  	s21 =	simm.s32 $0x6500;
	s22 =	simm.s32 $0x1;
	s23 =	simm.s32 $0x3  }
0x7: {  	s24 =	simm.s32 $0x2;
	s25 =	simm.s32 $0x4;
	s4 =	smul.u32 $0x48, s0  }
0x8: {  	s6 =	sand.u32 $0x1, s1;
	s3 =	sshll.u32 s0, $0x3;
	s28 =	smul.u32 $0x2800, s0  }
0x9: {  	[smem:$0x7FF] =	sst s26;
	s29 =	smul.u32 $0x50000, s0;
	s26 =	simm.s32 $0x0  }
0xa: {  	p0 =	seq.s32 s6, $0x0;
	s7 =	sor.u32 $0x480, s3;
	s9 =	smul.u32 $0x28000, s6  }
0xb: {  	_ =	strace $0x8000004D;
	s6 =	ssub.s32 $0x2, s6;
	s7 =	smov.u32 @p0 s4  }
0xc: {  	s4 =	sadd.s32 $0x3000, s5;
	s30 =	sshrl.u32 s6, $0x1;
	s31 =	sshrl.u32 s29, $0x2  }
0xd: {  	s10 =	sshll.u32 s7, $0x4;
	s7 =	sadd.s32 s28, s9;
	s13 =	ssub.s32 s6, s30  }
0xe: {  	s11 =	sadd.s32 s10, s5;
	s12 =	sadd.s32 s7, s5;
	s5 =	simm.s32 $0x48  }
0xf: {  	s7 =	sadd.s32 s31, s2;
	s8 =	sadd.s32 s8, s10;
	s5 =	simm.s32 @!p0 $0x8  }
0x10: {  	s6 =	sadd.s32 $0x53000, s11;
	s9 =	sadd.s32 $0x10, s8;
	s10 =	sadd.s32 $0x58400, s12  }
0x11: {  	s11 =	smax.u32 s13, $0x1;
	s12 =	sadd.s32 $0x4000, s7;
	s16 =	sshll.u32 s5, $0x4  }
0x12: {  	s13 =	sadd.s32 $0x8000, s7;
	s14 =	sadd.s32 $0xC000, s7;
	s16 =	sadd.s32 $0xFFFFFFE0, s16  }
0x13: {  	v0 =	vimm.f32 $0.0e+00;
	s15 =	sadd.s32 $0x10000, s7;
	[dreg:$0x4] =	wrdreg s16;
	s16 =	simm.s32 $0x5  }
.LBB2_1:
0x14: {  	s0 =	simm.s32 $0x0  }
0x15: {  	[tilespmem:s0], [sflag:$0x5] =	stream.linear.gather [hbm4b:s6+s0], $0x2400, $0x38;
	[tilespmem:$0x1E500] =	vst v63  }
0x16: {  	_ =	swait.ge [sflag:s16], $0x2400  }
0x17: {  	[sflag:s16] =	ssyncset.done $0x0  }
0x18: {  	s28 =	simm.s32 $0x0;
	s29 =	simm.s32 $0x200;
	[sflag:s16] =	ssyncadd.s32 $0xFFFFDC00  }
.LBB2_2:
0x19: {  	p0 =	sne.s32 s29, $0xFE00;
	[tilespmem:s28+$0x2570] =	vst v0  }
0x1a: {  	[tilespmem:s28+$0x2500] =	vst v0  }
0x1b: {  	[tilespmem:s28+$0x2510] =	vst v0  }
.Ltmp0:
0x1c: {  	[tilespmem:s28+$0x2520] =	vst v0;
	(pc) =	sbr.rel @p0 .LBB2_2-.Ltmp0, $4  }
0x1d: {  	[tilespmem:s28+$0x2530] =	vst v0  }
0x1e: {  	[tilespmem:s28+$0x2540] =	vst v0  }
0x1f: {  	[tilespmem:s28+$0x2550] =	vst v0  }
0x20: {  	[tilespmem:s28+$0x2560] =	vst v0;
	s28 =	sshra.s32 s29, $0x2;
	s29 =	sadd.s32 $0x200, s29  }
0x21: {  	[tilespmem:s28+$0x2570] =	vst v0  }
0x22: {  	[tilespmem:s28+$0x2500] =	vst v0  }
0x23: {  	[tilespmem:s28+$0x2510] =	vst v0  }
0x24: {  	[tilespmem:s28+$0x2520] =	vst v0  }
0x25: {  	[tilespmem:s28+$0x2530] =	vst v0  }
0x26: {  	[tilespmem:s28+$0x2540] =	vst v0  }
0x27: {  	[tilespmem:s28+$0x2550] =	vst v0  }
0x28: {  	[tilespmem:s28+$0x2560] =	vst v0  }
0x29: {  	[spmem:s7] =	stream.linear.scatter [tilespmem:s17], [sflag:$0x5], $0x4000, $0x38;
	[tilespmem:$0x1E500] =	vst v63  }
0x2a: {  	_ =	swait.ge [sflag:s16], $0x4000  }
0x2b: {  	[sflag:s16] =	ssyncset.done $0x0  }
0x2c: {  	[sflag:s16] =	ssyncadd.s32 $0xFFFFC000  }
0x2d: {  	[spmem:s12] =	stream.linear.scatter [tilespmem:s17], [sflag:$0x5], $0x4000, $0x38;
	[tilespmem:$0x1E500] =	vst v63  }
0x2e: {  	_ =	swait.ge [sflag:s16], $0x4000  }
0x2f: {  	[sflag:s16] =	ssyncset.done $0x0  }
0x30: {  	[sflag:s16] =	ssyncadd.s32 $0xFFFFC000  }
0x31: {  	[spmem:s13] =	stream.linear.scatter [tilespmem:s17], [sflag:$0x5], $0x4000, $0x38;
	[tilespmem:$0x1E500] =	vst v63  }
0x32: {  	_ =	swait.ge [sflag:s16], $0x4000  }
0x33: {  	[sflag:s16] =	ssyncset.done $0x0  }
0x34: {  	[sflag:s16] =	ssyncadd.s32 $0xFFFFC000  }
0x35: {  	[spmem:s14] =	stream.linear.scatter [tilespmem:s17], [sflag:$0x5], $0x4000, $0x38;
	[tilespmem:$0x1E500] =	vst v63  }
0x36: {  	_ =	swait.ge [sflag:s16], $0x4000  }
0x37: {  	[sflag:s16] =	ssyncset.done $0x0  }
0x38: {  	[sflag:s16] =	ssyncadd.s32 $0xFFFFC000  }
0x39: {  	[spmem:s15] =	stream.linear.scatter [tilespmem:s17], [sflag:$0x5], $0x4000, $0x38;
	[tilespmem:$0x1E500] =	vst v63  }
0x3a: {  	_ =	swait.ge [sflag:s16], $0x4000  }
0x3b: {  	[sflag:s16] =	ssyncset.done $0x0  }
0x3c: {  	s28 =	simm.s32 $0x0;
	[sflag:s16] =	ssyncadd.s32 $0xFFFFC000  }
0x3d: {  	[tilespmem:s18], [sflag:$0x1] =	stream.linear.gather [hbm4b:s8+s28], $0x80, $0x38;
	[tilespmem:$0x1E500] =	vst v63  }
0x3e: {  	_ = 	snop  }
0x3f: {  	[tilespmem:s17], [sflag:$0x3] =	stream.indirect.gather [hbm4b:s4+s19], $0x80, s28, s19, $0xb8;
	[tilespmem:$0x1E500] =	vst v63  }
0x40: {  	_ = 	snop  }
0x41: {  	[tilespmem:s20], [sflag:$0x2] =	stream.linear.gather [hbm4b:s9+s28], $0x80, $0x38;
	[tilespmem:$0x1E500] =	vst v63  }
0x42: {  	_ = 	snop  }
0x43: {  	[tilespmem:s21], [sflag:$0x4] =	stream.indirect.gather [hbm4b:s4+s19], $0x80, s19, s19, $0xb8;
	[tilespmem:$0x1E500] =	vst v63  }
0x44: {  	s30 =	simm.s32 $0x180;
	s29 =	simm.s32 $0x3;
	[bflag:$0x0] =	sbarrier.arrive $0xFFFF  }
.LBB2_4:
0x45: {  	_ =	swait.ge [sflag:s22], $0x80  }
0x46: {  	[sflag:s22] =	ssyncset.done $0x0  }
0x47: {  	[sflag:s22] =	ssyncadd.s32 $0xFFFFFF80  }
0x48: {  	_ =	swait.ge [sflag:s23], $0x4000  }
0x49: {  	[sflag:s23] =	ssyncset.done $0x0  }
0x4a: {  	s31 =	sadd.s32 $0xFFFFFFFF, s29;
	[sflag:s23] =	ssyncadd.s32 $0xFFFFC000  }
0x4b: {  	[spmem:s2] =	stream.indirect.scatter.add.f32 [tilespmem:s17], [sflag:$0x5], $0x80, s18, s19, $0xb8;
	[tilespmem:$0x1E500] =	vst v63  }
0x4c: {  	p0 =	sge.u32 s31, s5;
	_ =	swait.ge [sflag:s16], $0x4000  }
0x4d: {  	s31 =	sadd.s32 @!p0 s28, s8;
	s3 =	simm.s32 @!p0 $0x0;
	[sflag:s16] =	ssyncset.done $0x0  }
0x4e: {  	s0 =	simm.s32 @!p0 $0x2400;
	s1 =	sadd.s32 @!p0 $0x20, s31;
	[sflag:s16] =	ssyncadd.s32 $0xFFFFC000  }
0x4f: {  	[tilespmem:s0], [sflag:$0x1] =	stream.linear.gather @!p0 [hbm4b:s1+s3], $0x80, $0x38;
	[tilespmem:$0x1E500] =	vst v63  }
0x50: {  	s0 =	sadd.s32 @!p0 $0xFFFFFF80, s30;
	s1 =	simm.s32 @!p0 $0x80;
	s3 =	simm.s32 @!p0 $0x2500  }
0x51: {  	[tilespmem:s3], [sflag:$0x3] =	stream.indirect.gather @!p0 [hbm4b:s4+s1], $0x80, s0, s1, $0xb8;
	[tilespmem:$0x1E500] =	vst v63  }
0x52: {  	_ =	swait.ge [sflag:s24], $0x80  }
0x53: {  	[sflag:s24] =	ssyncset.done $0x0  }
0x54: {  	[sflag:s24] =	ssyncadd.s32 $0xFFFFFF80  }
0x55: {  	_ =	swait.ge [sflag:s25], $0x4000  }
0x56: {  	[sflag:s25] =	ssyncset.done $0x0  }
0x57: {  	p0 =	sge.u32 s29, s5;
	[sflag:s25] =	ssyncadd.s32 $0xFFFFC000  }
0x58: {  	[spmem:s2] =	stream.indirect.scatter.add.f32 [tilespmem:s21], [sflag:$0x5], $0x80, s20, s19, $0xb8;
	[tilespmem:$0x1E500] =	vst v63  }
0x59: {  	s0 =	sadd.s32 @!p0 s28, s8;
	_ =	swait.ge [sflag:s16], $0x4000  }
0x5a: {  	s1 =	simm.s32 @!p0 $0x0;
	s3 =	simm.s32 @!p0 $0x2480;
	[sflag:s16] =	ssyncset.done $0x0  }
0x5b: {  	s28 =	sadd.s32 $0x20, s28;
	s0 =	sadd.s32 @!p0 $0x30, s0;
	[sflag:s16] =	ssyncadd.s32 $0xFFFFC000  }
0x5c: {  	[tilespmem:s3], [sflag:$0x2] =	stream.linear.gather @!p0 [hbm4b:s0+s1], $0x80, $0x38;
	[tilespmem:$0x1E500] =	vst v63  }
0x5d: {  	s0 =	simm.s32 @!p0 $0x80;
	s1 =	simm.s32 @!p0 $0x6500;
	s3 =	rddreg [dreg:$0x4]  }
0x5e: {  	[tilespmem:s1], [sflag:$0x4] =	stream.indirect.gather @!p0 [hbm4b:s4+s0], $0x80, s30, s0, $0xb8;
	[tilespmem:$0x1E500] =	vst v63  }
0x5f: {  	p0 =	sne.s32 s3, s28  }
.Ltmp1:
0x60: {  	_ = 	snop;
	(pc) =	sbr.rel @p0 .LBB2_4-.Ltmp1, $2  }
0x61: {  	_ =	sdelay $0x2  }
0x62: {  	s31 =	smov.u32 s30;
	s29 =	sadd.s32 $0x2, s29;
	s30 =	sadd.s32 $0x100, s30  }
0x63: {  	_ =	swait.ge [sflag:s22], $0x80  }
0x64: {  	[sflag:s22] =	ssyncset.done $0x0  }
0x65: {  	[sflag:s22] =	ssyncadd.s32 $0xFFFFFF80  }
0x66: {  	_ =	swait.ge [sflag:s23], $0x4000  }
0x67: {  	[sflag:s23] =	ssyncset.done $0x0  }
0x68: {  	s0 =	sadd.s32 $0xFFFFFFFF, s29;
	[sflag:s23] =	ssyncadd.s32 $0xFFFFC000  }
0x69: {  	[spmem:s2] =	stream.indirect.scatter.add.f32 [tilespmem:s17], [sflag:$0x5], $0x80, s18, s19, $0xb8;
	[tilespmem:$0x1E500] =	vst v63  }
0x6a: {  	p0 =	sge.u32 s0, s5;
	_ =	swait.ge [sflag:s16], $0x4000  }
0x6b: {  	s0 =	sadd.s32 @!p0 s28, s8;
	s1 =	simm.s32 @!p0 $0x0;
	[sflag:s16] =	ssyncset.done $0x0  }
0x6c: {  	s3 =	simm.s32 @!p0 $0x2400;
	s0 =	sadd.s32 @!p0 $0x20, s0;
	[sflag:s16] =	ssyncadd.s32 $0xFFFFC000  }
0x6d: {  	[tilespmem:s3], [sflag:$0x1] =	stream.linear.gather @!p0 [hbm4b:s0+s1], $0x80, $0x38;
	[tilespmem:$0x1E500] =	vst v63  }
0x6e: {  	s0 =	sadd.s32 @!p0 $0x80, s31;
	s1 =	simm.s32 @!p0 $0x80;
	s3 =	simm.s32 @!p0 $0x2500  }
0x6f: {  	[tilespmem:s3], [sflag:$0x3] =	stream.indirect.gather @!p0 [hbm4b:s4+s1], $0x80, s0, s1, $0xb8;
	[tilespmem:$0x1E500] =	vst v63  }
0x70: {  	_ =	swait.ge [sflag:s24], $0x80  }
0x71: {  	[sflag:s24] =	ssyncset.done $0x0  }
0x72: {  	[sflag:s24] =	ssyncadd.s32 $0xFFFFFF80  }
0x73: {  	_ =	swait.ge [sflag:s25], $0x4000  }
0x74: {  	[sflag:s25] =	ssyncset.done $0x0  }
0x75: {  	[sflag:s25] =	ssyncadd.s32 $0xFFFFC000  }
0x76: {  	[spmem:s2] =	stream.indirect.scatter.add.f32 [tilespmem:s21], [sflag:$0x5], $0x80, s20, s19, $0xb8;
	[tilespmem:$0x1E500] =	vst v63  }
0x77: {  	p0 =	sge.u32 s29, s5;
	_ =	swait.ge [sflag:s16], $0x4000  }
0x78: {  	s0 =	sadd.s32 @!p0 s28, s8;
	s1 =	simm.s32 @!p0 $0x0;
	[sflag:s16] =	ssyncset.done $0x0  }
0x79: {  	s3 =	simm.s32 @!p0 $0x2480;
	s0 =	sadd.s32 @!p0 $0x30, s0;
	[sflag:s16] =	ssyncadd.s32 $0xFFFFC000  }
0x7a: {  	[tilespmem:s3], [sflag:$0x2] =	stream.linear.gather @!p0 [hbm4b:s0+s1], $0x80, $0x38;
	[tilespmem:$0x1E500] =	vst v63  }
0x7b: {  	s0 =	simm.s32 @!p0 $0x80;
	s1 =	simm.s32 @!p0 $0x6500  }
0x7c: {  	[tilespmem:s1], [sflag:$0x4] =	stream.indirect.gather @!p0 [hbm4b:s4+s0], $0x80, s30, s0, $0xb8;
	[tilespmem:$0x1E500] =	vst v63  }
0x7d: {  	s26 =	sadd.s32 $0x1, s26;
	s30 =	stileid.u32  }
0x7e: {  	s31 =	sshrl.u32 s7, $0x3;
	p0 =	sne.s32 s26, s11;
	s0 =	sshll.u32 s30, $0x6  }
.Ltmp2:
0x7f: {  	[bflag:$0x0] =	sbarrier.arrive $0xFFFF;
	s0 =	sor.u32 $0x1C05, s0;
	(pc) =	sbr.rel @p0 .LBB2_1-.Ltmp2, $4  }
0x80: {  	[hbm:s10], [sflag:s0] =	dma.local [spmem:s31], $0x2800  }
0x81: {  	_ =	swait.ge [sflag:s16], $0x2800  }
0x82: {  	[sflag:s16] =	ssyncset.done $0x0  }
0x83: {  	[sflag:s16] =	ssyncadd.s32 $0xFFFFD800  }
0x84: {  	_ =	sfence.sel $0x180000  }
0x85: {  	[bflag:$0x0] =	sbarrier.arrive $0xFFFF  }
0x86: {  	_ =	strace $0x9000004D  }
0x87: {  	s0 =	stileid.u32;
	[bflag:$0x2] =	sbarrier.arrive $0xFFFF  }
0x88: {  	p0 =	sne.s32 s0, $0x0;
	s0 =	rddreg [dreg:$0x3]  }
0x89: {  	s0 =	sadd.s32 @!p0 $0x100000, s0  }
0x8a: {  	[sflag:s0] =	ssyncadd.tile.s32 @!p0 $0x1;
	_ =	shalt  }
.Lfunc_end2:
_tile_overlayer_lowered:
.L_overlay_start_2:
0x8b: {  	(tag) =	ssettag $0x2  }
0x8c: {  	s0 =	rddreg [dreg:$0x0];
	s2 =	stileid.u32  }
0x8d: {  	s1 =	rddreg [dreg:$0x1];
	p0 =	sne.s32 s2, $0x0  }
0x8e: {  	s3 =	rddreg [dreg:$0x2];
	[bflag:$0x3] =	sbarrier.arrive $0xFFFF;
	s2 =	simm.s32 @!p0 $0x1C05  }
0x8f: {  	[timem:s3], [sflag:s2] =	dma.local @!p0 [hbm:s0], s1  }
0x90: {  	s0 =	simm.s32 @!p0 $0x5  }
0x91: {  	_ =	swait.ge @!p0 [sflag:s0], s1  }
0x92: {  	s1 =	ssub.s32 @!p0 $0x0, s1;
	[sflag:s0] =	ssyncset.done @!p0 $0x0  }
0x93: {  	[sflag:s0] =	ssyncadd.s32 @!p0 s1  }
0x94: {  	[bflag:$0x3] =	sbarrier.arrive $0xFFFF  }
0x95: {  	_ =	shalt  }

// kernel: kernel.9.cloned.1.call-start
scs
__scs_entry_jumppad:
0x0: {  	(pc) =	sbr.rel $0x88, $3  }
0x1: {  	(tag) =	ssettag $0x0;
	lr =	simm.s32 $0x1  }
0x2: {  	[smem:$0x3F9B] =	sst lr;
	_ =	strace $0xD0000000  }
0x3: {  	_ = 	snop  }
0x4: {  	_ = 	snop  }
0x5: {  	_ = 	snop  }
0x6: {  	_ = 	snop  }
0x7: {  	_ = 	snop  }
__scs_overlays_trampoline_lowered:
0x8: {  	[smem:$0x3FAA] =	sst s0  }
0x9: {  	[smem:$0x3FAB] =	sst s1  }
0xa: {  	[smem:$0x3FAC] =	sst s2  }
0xb: {  	[smem:$0x3FAD] =	sst s3  }
0xc: {  	[smem:$0x3FAE] =	sst s4  }
0xd: {  	[smem:$0x3FAF] =	sst s5  }
0xe: {  	[smem:$0x3FB0] =	sst s6  }
0xf: {  	[smem:$0x3FB1] =	sst s7  }
0x10: {  	[smem:$0x3FB2] =	sst s8  }
0x11: {  	[smem:$0x3FB3] =	sst s9;
	s0 =	simm.s32 @!p0 $0x0  }
0x12: {  	s1 =	sld [smem:$0x3F99];
	s0 =	simm.s32 @p0 $0x1  }
0x13: {  	[smem:$0x3FB4] =	sst s0;
	s0 =	simm.s32 @!p1 $0x0  }
0x14: {  	s2 =	sld [smem:$0x3F98];
	s0 =	simm.s32 @p1 $0x1  }
0x15: {  	[smem:$0x3FB5] =	sst s0;
	s0 =	simm.s32 @!p2 $0x0  }
0x16: {  	s3 =	sld [smem:$0x3FDB];
	s0 =	simm.s32 @p2 $0x1  }
0x17: {  	s4 =	simm.s32 $0x1BF5;
	[smem:$0x3FB7] =	sst s0  }
0x18: {  	s0 =	sld [smem:$0x3F9A];
	_ =	swait.ge [sflag:s4], $0x0  }
0x19: {  	s7 =	sld [smem:$0x3F9B]  }
0x1a: {  	s8 =	sadd.s32 $0xFFFFE003, lr  }
0x1b: {  	s9 =	sadd.s32 $0xFFFFFEF7, lr;
	s5 =	simm.s32 $0xFFFFFFFF;
	p2 =	slt.u32 s8, $0xFFFFF086  }
0x1c: {  	p1 =	slt.u32 s9, $0xF7A;
	s5 =	simm.s32 @!p2 $0x0  }
0x1d: {  	s5 =	simm.s32 @p1 $0x1;
	p0 =	seq.s32 s7, s2  }
0x1e: {  	s7 =	smul.u32 @!p0 $0xF7A, s2;
	p2 =	seq.s32 @!p0 s5, $0x0  }
0x1f: {  	s9 =	smul.u32 $0xF7A, s1;
	s8 =	simm.s32 @!p0 $0x1BF5;
	p2 =	por !p2, p0  }
0x20: {  	[sflag:s8] =	ssyncset.s32 @!p0 $0xFFFFF086;
	s6 =	sadd.s32 @!p0 s3, s7;
	s7 =	simm.s32 @!p0 $0x108  }
0x21: {  	s3 =	sadd.s32 s3, s9;
	s6 =	sadd.s32 @!p0 $0x88, s6;
	s7 =	simm.s32 @p2 $0x1082  }
0x22: {  	[simem:s7], [sflag:s8] =	dma.local @!p0 [hbm:s6], $0xF7A  }
0x23: {  	s9 =	sor.u32 $0xD0000000, s2;
	s6 =	simm.s32 $0x108;
	_ =	swait.ge @!p0 [sflag:s8], $0x0  }
0x24: {  	s3 =	sadd.s32 $0x88, s3;
	s6 =	simm.s32 @!p1 $0x1082;
	[sflag:s4] =	ssyncset.s32 $0xFFFFF086  }
0x25: {  	[simem:s6], [sflag:s4] =	dma.local [hbm:s3], $0xF7A  }
0x26: {  	[smem:$0x3F9B] =	sst s1;
	(tag) =	ssettag s2;
	_ =	strace s9  }
0x27: {  	s1 =	sld [smem:$0x3FAB]  }
0x28: {  	s2 =	sld [smem:$0x3FAC]  }
0x29: {  	s4 =	sld [smem:$0x3FAE]  }
0x2a: {  	p0 =	seq.s32 s5, $0x0;
	s5 =	sld [smem:$0x3FAF]  }
0x2b: {  	s6 =	sld [smem:$0x3FB0]  }
0x2c: {  	s7 =	sld [smem:$0x3FB1]  }
0x2d: {  	s3 =	simm.s32 $0x108;
	s8 =	sld [smem:$0x3FB2]  }
0x2e: {  	s3 =	simm.s32 @!p0 $0x1082;
	s9 =	sld [smem:$0x3FB3]  }
0x2f: {  	lr =	sadd.s32 s0, s3;
	s0 =	sld [smem:$0x3FAA]  }
0x30: {  	s3 =	sld [smem:$0x3FAD]  }
0x31: {  	[smem:$0x3FB6] =	sst s10  }
0x32: {  	s10 =	sld [smem:$0x3FB4];
	_ =	sdelay $0x3  }
0x33: {  	p0 =	seq.s32 s10, $0x1;
	s10 =	sld [smem:$0x3FB6];
	_ =	sdelay $0x3  }
0x34: {  	[smem:$0x3FB6] =	sst s10  }
0x35: {  	s10 =	sld [smem:$0x3FB5];
	_ =	sdelay $0x3  }
0x36: {  	p1 =	seq.s32 s10, $0x1;
	s10 =	sld [smem:$0x3FB6];
	_ =	sdelay $0x3  }
0x37: {  	[smem:$0x3FB6] =	sst s10  }
0x38: {  	s10 =	sld [smem:$0x3FB7]  }
0x39: {  	_ = 	snop;
	(pc) =	sbr.ind lr, $3  }
0x3a: {  	_ = 	snop  }
0x3b: {  	_ = 	snop  }
0x3c: {  	p2 =	seq.s32 s10, $0x1;
	s10 =	sld [smem:$0x3FB6]  }
0x3d: {  	_ =	shalt  }
0x3e: {  	_ =	shalt  }
0x3f: {  	_ =	shalt  }
0x40: {  	_ =	shalt  }
0x41: {  	_ =	shalt  }
0x42: {  	_ =	shalt  }
0x43: {  	_ =	shalt  }
0x44: {  	_ =	shalt  }
0x45: {  	_ =	shalt  }
0x46: {  	_ =	shalt  }
0x47: {  	_ =	shalt  }
0x48: {  	_ =	shalt  }
0x49: {  	_ =	shalt  }
0x4a: {  	_ =	shalt  }
0x4b: {  	_ =	shalt  }
0x4c: {  	_ =	shalt  }
0x4d: {  	_ =	shalt  }
0x4e: {  	_ =	shalt  }
0x4f: {  	_ =	shalt  }
0x50: {  	_ =	shalt  }
0x51: {  	_ =	shalt  }
0x52: {  	_ =	shalt  }
0x53: {  	_ =	shalt  }
0x54: {  	_ =	shalt  }
0x55: {  	_ =	shalt  }
0x56: {  	_ =	shalt  }
0x57: {  	_ =	shalt  }
0x58: {  	_ =	shalt  }
0x59: {  	_ =	shalt  }
0x5a: {  	_ =	shalt  }
0x5b: {  	_ =	shalt  }
0x5c: {  	_ =	shalt  }
0x5d: {  	_ =	shalt  }
0x5e: {  	_ =	shalt  }
0x5f: {  	_ =	shalt  }
0x60: {  	_ =	shalt  }
0x61: {  	_ =	shalt  }
0x62: {  	_ =	shalt  }
0x63: {  	_ =	shalt  }
0x64: {  	_ =	shalt  }
0x65: {  	_ =	shalt  }
0x66: {  	_ =	shalt  }
0x67: {  	_ =	shalt  }
0x68: {  	_ =	shalt  }
0x69: {  	_ =	shalt  }
0x6a: {  	_ =	shalt  }
0x6b: {  	_ =	shalt  }
0x6c: {  	_ =	shalt  }
0x6d: {  	_ =	shalt  }
0x6e: {  	_ =	shalt  }
0x6f: {  	_ =	shalt  }
0x70: {  	_ =	shalt  }
0x71: {  	_ =	shalt  }
0x72: {  	_ =	shalt  }
0x73: {  	_ =	shalt  }
0x74: {  	_ =	shalt  }
0x75: {  	_ =	shalt  }
0x76: {  	_ =	shalt  }
0x77: {  	_ =	shalt  }
0x78: {  	_ =	shalt  }
0x79: {  	_ =	shalt  }
0x7a: {  	_ =	shalt  }
0x7b: {  	_ =	shalt  }
0x7c: {  	_ =	shalt  }
0x7d: {  	_ =	shalt  }
0x7e: {  	_ =	shalt  }
0x7f: {  	_ =	shalt  }
0x80: {  	_ =	shalt  }
0x81: {  	_ =	shalt  }
0x82: {  	_ =	shalt  }
0x83: {  	_ =	shalt  }
0x84: {  	_ =	shalt  }
0x85: {  	_ =	shalt  }
0x86: {  	_ =	shalt  }
0x87: {  	_ =	shalt  }
.Lfunc_end0:
.L_simem_size_0:
called_computation_lowered:
.L_overlay_start_0:
0x88: {  	s2 =	sld [smem:$0x3FD9]  }
0x89: {  	s3 =	sld [smem:$0x3FFE];
	_ =	sdelay $0x1  }
0x8a: {  	s1 =	srdreg.scid  }
0x8b: {  	s0 =	sand.u32 $0x1, s1  }
0x8c: {  	s17 =	sshll.u32 s0, $0xA;
	s2 =	sadd.s32 s3, s2  }
0x8d: {  	s2 =	sadd.s32 s2, s17  }
0x8e: {  	[smem:$0x3FC2] =	sst s2  }
0x8f: {  	_ = 	snop  }
0x90: {  	s2 =	sld [smem:$0x3FD0];
	(tm) =	ssettm $0x1  }
0x91: {  	s18 =	sld [smem:$0x3FFB];
	_ =	sdelay $0x3  }
0x92: {  	_ =	strace s18  }
0x93: {  	s3 =	sld [smem:$0x3FFC];
	_ =	sdelay $0x3  }
0x94: {  	_ =	strace s3  }
0x95: {  	s3 =	sld [smem:$0x3FFD];
	_ =	sdelay $0x3  }
0x96: {  	_ =	strace s3  }
0x97: {  	_ =	strace $0x8FFFFFFF  }
0x98: {  	s19 =	sld [smem:$0x3FDB];
	_ =	sdelay $0x1  }
0x99: {  	s4 =	simm.s32 $_scs_section_size  }
0x9a: {  	s5 =	simm.s32 $_size__tile_overlayer_lowered;
	s6 =	simm.s32 $_tile_overlayer_lowered  }
0x9b: {  	s22 =	simm.s32 $0x1BFF;
	s21 =	sshll.u32 s6, $0x1;
	s3 =	sadd.s32 s4, s19  }
0x9c: {  	s7 =	simm.s32 $0x0;
	s20 =	sshll.u32 s5, $0x1;
	s5 =	sadd.s32 s21, s3  }
0x9d: {  	[timem:s7], [sflag:s22] =	dma.local [hbm:s5], s20  }
0x9e: {  	_ =	swait.ge [sflag:s22], s20  }
0x9f: {  	s4 =	ssub.s32 $0x0, s20;
	[sflag:s22] =	ssyncset.done $0x0  }
0xa0: {  	[sflag:s22] =	ssyncadd.s32 s4;
	_ =	sdelay $0x1  }
0xa1: {  	s23 =	simm.s32 $0x1B8B  }
0xa2: {  	_ =	swait.ge [sflag:s23], $0x1  }
0xa3: {  	[sflag:s23] =	ssyncset.done $0x0  }
0xa4: {  	s25 =	simm.s32 $0x1B8E;
	s24 =	sld [smem:$0x3FFE];
	[sflag:s23] =	ssyncadd.s32 $0xFFFFFFFF  }
0xa5: {  	s26 =	simm.s32 $execute0_lowered;
	[smem:$0x3FD2] =	sst s25  }
0xa6: {  	s5 =	sshll.u32 s26, $0x1;
	_ =	strace $0x80000046;
	[dreg:$0x1] =	wrdreg $0xFFFFFFFF  }
0xa7: {  	s28 =	simm.s32 $_size_execute0_lowered;
	s3 =	sadd.s32 s3, s5;
	[dreg:$0x0] =	wrdreg $0x0  }
0xa8: {  	s5 =	sshll.u32 s28, $0x1;
	[dreg:$0x2] =	wrdreg s3  }
0xa9: {  	[dreg:$0x3] =	wrdreg s5  }
0xaa: {  	[dreg:$0x4] =	wrdreg $0xC0  }
0xab: {  	_ =	task [dreg:s7], $0x5FFFF  }
0xac: {  	[dreg:$0x1] =	wrdreg $0xFFFFFFFF  }
0xad: {  	[dreg:$0x0] =	wrdreg $0x60  }
0xae: {  	[dreg:$0x2] =	wrdreg s2  }
0xaf: {  	[dreg:$0x3] =	wrdreg s24  }
0xb0: {  	[dreg:$0x4] =	wrdreg $0x81000  }
0xb1: {  	[dreg:$0x5] =	wrdreg $0x9  }
0xb2: {  	_ =	task.clear_ibuf [dreg:s7], $0x6FFFF;
	_ =	strace $0x90000046  }
0xb3: {  	s29 =	simm.s32 $0x9;
	_ =	strace $0x80000048  }
0xb4: {  	_ =	swait.ge [sflag:s29], $0x1  }
0xb5: {  	[sflag:s29] =	ssyncadd.s32 $0xFFFFFFFF  }
0xb6: {  	_ =	strace $0x90000048  }
0xb7: {  	_ =	sfence  }
0xb8: {  	s30 =	sld [smem:$0x0];
	_ =	sdelay $0x2  }
0xb9: {  	s31 =	sshll.u32 s1, $0xD;
	s1 =	sshrl.u32 s1, $0x2  }
0xba: {  	s3 =	sand.u32 $0x4000, s31;
	s1 =	sadd.s32 s1, s30  }
0xbb: {  	s0 =	sor.u32 s3, s0;
	s1 =	sshll.u32 s1, $0x11  }
0xbc: {  	s0 =	sor.u32 s1, s0  }
0xbd: {  	s0 =	sadd.s32 $0x8F2B, s0  }
0xbe: {  	[sflag:s0] =	ssyncadd.remote.s32 $0x1  }
0xbf: {  	_ =	sfence.sel $0xFFFF  }
0xc0: {  	[dreg:$0x0] =	wrdreg $0xFFFFFFFF;
	(pc) =	sbr.abs _section_cstart, $3  }
0xc1: {  	[dreg:$0x1] =	wrdreg $0xFFFFFFFF  }
0xc2: {  	_ =	task.clear_ibuf [dreg:s7], $0x2FFFF;
	_ =	strace $0x9FFFFFFF  }
0xc3: {  	(tm) =	ssettm $0x7FFFFFFF  }
tec
execute0_lowered:
.L_overlay_start_1:
0x0: {  	(tag) =	ssettag $0x1  }
0x1: {  	s4 =	rddreg [dreg:$0x0]  }
0x2: {  	s5 =	rddreg [dreg:$0x1]  }
0x3: {  	s0 =	srdreg.scid;
	s2 =	rddreg [dreg:$0x2]  }
0x4: {  	s1 =	stileid.u32;
	s3 =	simm.s32 $0x0;
	s13 =	simm.s32 $0x4100  }
0x5: {  	s14 =	simm.s32 $0x3;
	s15 =	simm.s32 $0x80;
	s16 =	simm.s32 $0x1  }
0x6: {  	s17 =	simm.s32 $0x100;
	s18 =	simm.s32 $0x2;
	s8 =	smul.u32 $0x2800, s1  }
0x7: {  	s6 =	sand.u32 $0x1, s0;
	s0 =	rddreg [dreg:$0x3];
	s9 =	smul.u32 $0x28, s1  }
0x8: {  	s19 =	simm.s32 $0x0;
	[smem:$0x7FF] =	sst s3;
	s29 =	smul.u32 $0x50000, s1  }
0x9: {  	s7 =	smul.u32 $0x28000, s6;
	p0 =	seq.s32 s6, $0x0;
	s6 =	ssub.s32 $0x2, s6  }
0xa: {  	_ =	strace $0x80000047;
	s30 =	sshrl.u32 s6, $0x1;
	s31 =	sshrl.u32 s29, $0x2  }
0xb: {  	s7 =	sadd.s32 s8, s7;
	s8 =	sadd.s32 $0x280, s9;
	s10 =	ssub.s32 s6, s30  }
0xc: {  	s8 =	smov.u32 @p0 s9;
	s7 =	sadd.s32 s7, s5;
	s5 =	sadd.s32 s31, s2  }
0xd: {  	s8 =	sshll.u32 s8, $0x4;
	s7 =	sadd.s32 $0x3000, s7;
	s9 =	sadd.s32 $0x4000, s5  }
0xe: {  	s11 =	sadd.s32 $0xC000, s5;
	s12 =	sadd.s32 $0x10000, s5;
	s4 =	sadd.s32 s4, s8  }
0xf: {  	v0 =	vimm.f32 $1.000000000e+00;
	v1 =	vimm.f32 $0.0e+00;
	s8 =	smax.u32 s10, $0x1;
	s10 =	sadd.s32 $0x8000, s5;
	s6 =	sadd.s32 $0x10, s4  }
.LBB2_1:
0x10: {  	s20 =	simm.s32 $0x0;
	s21 =	simm.s32 $0x200  }
.LBB2_2:
0x11: {  	p0 =	sne.s32 s21, $0xFE00;
	[tilespmem:s20+$0x170] =	vst v0  }
0x12: {  	[tilespmem:s20+$0x100] =	vst v0  }
0x13: {  	[tilespmem:s20+$0x110] =	vst v0  }
.Ltmp0:
0x14: {  	[tilespmem:s20+$0x120] =	vst v0;
	(pc) =	sbr.rel @p0 .LBB2_2-.Ltmp0, $4  }
0x15: {  	[tilespmem:s20+$0x130] =	vst v0  }
0x16: {  	[tilespmem:s20+$0x140] =	vst v0  }
0x17: {  	[tilespmem:s20+$0x150] =	vst v0  }
0x18: {  	[tilespmem:s20+$0x160] =	vst v0;
	s20 =	sshra.s32 s21, $0x2;
	s21 =	sadd.s32 $0x200, s21  }
0x19: {  	[tilespmem:s20+$0x170] =	vst v0  }
0x1a: {  	[tilespmem:s20+$0x100] =	vst v0  }
0x1b: {  	[tilespmem:s20+$0x110] =	vst v0  }
0x1c: {  	[tilespmem:s20+$0x120] =	vst v0  }
0x1d: {  	[tilespmem:s20+$0x130] =	vst v0  }
0x1e: {  	[tilespmem:s20+$0x140] =	vst v0  }
0x1f: {  	[tilespmem:s20+$0x150] =	vst v0  }
0x20: {  	[tilespmem:s20+$0x160] =	vst v0;
	s20 =	simm.s32 $0x0;
	s21 =	simm.s32 $0x200  }
.LBB2_4:
0x21: {  	p0 =	sne.s32 s21, $0xFE00;
	[tilespmem:s20+$0x4170] =	vst v1  }
0x22: {  	[tilespmem:s20+$0x4100] =	vst v1  }
0x23: {  	[tilespmem:s20+$0x4110] =	vst v1  }
.Ltmp1:
0x24: {  	[tilespmem:s20+$0x4120] =	vst v1;
	(pc) =	sbr.rel @p0 .LBB2_4-.Ltmp1, $4  }
0x25: {  	[tilespmem:s20+$0x4130] =	vst v1  }
0x26: {  	[tilespmem:s20+$0x4140] =	vst v1  }
0x27: {  	[tilespmem:s20+$0x4150] =	vst v1  }
0x28: {  	[tilespmem:s20+$0x4160] =	vst v1;
	s20 =	sshra.s32 s21, $0x2;
	s21 =	sadd.s32 $0x200, s21  }
0x29: {  	[tilespmem:s20+$0x4170] =	vst v1  }
0x2a: {  	[tilespmem:s20+$0x4100] =	vst v1  }
0x2b: {  	[tilespmem:s20+$0x4110] =	vst v1  }
0x2c: {  	[tilespmem:s20+$0x4120] =	vst v1  }
0x2d: {  	[tilespmem:s20+$0x4130] =	vst v1  }
0x2e: {  	[tilespmem:s20+$0x4140] =	vst v1  }
0x2f: {  	[tilespmem:s20+$0x4150] =	vst v1  }
0x30: {  	[tilespmem:s20+$0x4160] =	vst v1  }
0x31: {  	[spmem:s5] =	stream.linear.scatter [tilespmem:s13], [sflag:$0x3], $0x4000, $0x38;
	[tilespmem:$0x1C100] =	vst v63  }
0x32: {  	_ =	swait.ge [sflag:s14], $0x4000  }
0x33: {  	[sflag:s14] =	ssyncset.done $0x0  }
0x34: {  	[sflag:s14] =	ssyncadd.s32 $0xFFFFC000  }
0x35: {  	[spmem:s9] =	stream.linear.scatter [tilespmem:s13], [sflag:$0x3], $0x4000, $0x38;
	[tilespmem:$0x1C100] =	vst v63  }
0x36: {  	_ =	swait.ge [sflag:s14], $0x4000  }
0x37: {  	[sflag:s14] =	ssyncset.done $0x0  }
0x38: {  	[sflag:s14] =	ssyncadd.s32 $0xFFFFC000  }
0x39: {  	[spmem:s10] =	stream.linear.scatter [tilespmem:s13], [sflag:$0x3], $0x4000, $0x38;
	[tilespmem:$0x1C100] =	vst v63  }
0x3a: {  	_ =	swait.ge [sflag:s14], $0x4000  }
0x3b: {  	[sflag:s14] =	ssyncset.done $0x0  }
0x3c: {  	[sflag:s14] =	ssyncadd.s32 $0xFFFFC000  }
0x3d: {  	[spmem:s11] =	stream.linear.scatter [tilespmem:s13], [sflag:$0x3], $0x4000, $0x38;
	[tilespmem:$0x1C100] =	vst v63  }
0x3e: {  	_ =	swait.ge [sflag:s14], $0x4000  }
0x3f: {  	[sflag:s14] =	ssyncset.done $0x0  }
0x40: {  	[sflag:s14] =	ssyncadd.s32 $0xFFFFC000  }
0x41: {  	[spmem:s12] =	stream.linear.scatter [tilespmem:s13], [sflag:$0x3], $0x4000, $0x38;
	[tilespmem:$0x1C100] =	vst v63  }
0x42: {  	_ =	swait.ge [sflag:s14], $0x4000  }
0x43: {  	[sflag:s14] =	ssyncset.done $0x0  }
0x44: {  	[sflag:s14] =	ssyncadd.s32 $0xFFFFC000  }
0x45: {  	[tilespmem:s3], [sflag:$0x1] =	stream.linear.gather [hbm4b:s4+s3], $0x80, $0x38;
	[tilespmem:$0x1C100] =	vst v63  }
0x46: {  	_ = 	snop  }
0x47: {  	[tilespmem:s15], [sflag:$0x2] =	stream.linear.gather [hbm4b:s6+s3], $0x80, $0x38;
	[tilespmem:$0x1C100] =	vst v63  }
0x48: {  	[bflag:$0x0] =	sbarrier.arrive $0xFFFF  }
0x49: {  	_ =	swait.ge [sflag:s16], $0x80  }
0x4a: {  	[sflag:s16] =	ssyncset.done $0x0  }
0x4b: {  	[sflag:s16] =	ssyncadd.s32 $0xFFFFFF80  }
0x4c: {  	[spmem:s2] =	stream.indirect.scatter.add.f32 [tilespmem:s17], [sflag:$0x3], $0x80, s3, s15, $0xb8;
	[tilespmem:$0x1C100] =	vst v63  }
0x4d: {  	_ =	swait.ge [sflag:s14], $0x4000  }
0x4e: {  	s21 =	sadd.s32 $0xFFFFFDA0, s4;
	[sflag:s14] =	ssyncset.done $0x0  }
0x4f: {  	s31 =	sadd.s32 $0x280, s21;
	[sflag:s14] =	ssyncadd.s32 $0xFFFFC000  }
0x50: {  	[tilespmem:s3], [sflag:$0x1] =	stream.linear.gather [hbm4b:s31+s3], $0x80, $0x38;
	[tilespmem:$0x1C100] =	vst v63  }
0x51: {  	_ =	swait.ge [sflag:s18], $0x80  }
0x52: {  	[sflag:s18] =	ssyncset.done $0x0  }
0x53: {  	[sflag:s18] =	ssyncadd.s32 $0xFFFFFF80  }
0x54: {  	[spmem:s2] =	stream.indirect.scatter.add.f32 [tilespmem:s17], [sflag:$0x3], $0x80, s15, s15, $0xb8;
	[tilespmem:$0x1C100] =	vst v63  }
0x55: {  	_ =	swait.ge [sflag:s14], $0x4000  }
0x56: {  	[sflag:s14] =	ssyncset.done $0x0  }
0x57: {  	s20 =	simm.s32 $0xFFFFFDC0;
	s21 =	sadd.s32 $0x290, s21;
	[sflag:s14] =	ssyncadd.s32 $0xFFFFC000  }
.LBB2_6:
0x58: {  	[tilespmem:s15], [sflag:$0x2] =	stream.linear.gather [hbm4b:s21+s3], $0x80, $0x38;
	[tilespmem:$0x1C100] =	vst v63  }
0x59: {  	s21 =	smov.u32 s20  }
0x5a: {  	p0 =	sne.s32 s20, $0xFFFFFFE0;
	s20 =	sadd.s32 $0x20, s20;
	_ =	swait.ge [sflag:s16], $0x80  }
0x5b: {  	[sflag:s16] =	ssyncset.done $0x0  }
0x5c: {  	[sflag:s16] =	ssyncadd.s32 $0xFFFFFF80  }
0x5d: {  	[spmem:s2] =	stream.indirect.scatter.add.f32 [tilespmem:s17], [sflag:$0x3], $0x80, s3, s15, $0xb8;
	[tilespmem:$0x1C100] =	vst v63  }
0x5e: {  	_ =	swait.ge [sflag:s14], $0x4000  }
0x5f: {  	s21 =	sadd.s32 s21, s4;
	[sflag:s14] =	ssyncset.done $0x0  }
0x60: {  	s22 =	sadd.s32 $0x280, s21;
	[sflag:s14] =	ssyncadd.s32 $0xFFFFC000  }
0x61: {  	[tilespmem:s3], [sflag:$0x1] =	stream.linear.gather [hbm4b:s22+s3], $0x80, $0x38;
	[tilespmem:$0x1C100] =	vst v63  }
0x62: {  	_ =	swait.ge [sflag:s18], $0x80  }
0x63: {  	[sflag:s18] =	ssyncset.done $0x0  }
.Ltmp2:
0x64: {  	[sflag:s18] =	ssyncadd.s32 $0xFFFFFF80;
	(pc) =	sbr.rel @p0 .LBB2_6-.Ltmp2, $4  }
0x65: {  	[spmem:s2] =	stream.indirect.scatter.add.f32 [tilespmem:s17], [sflag:$0x3], $0x80, s15, s15, $0xb8;
	[tilespmem:$0x1C100] =	vst v63  }
0x66: {  	_ =	swait.ge [sflag:s14], $0x4000  }
0x67: {  	[sflag:s14] =	ssyncset.done $0x0  }
0x68: {  	s21 =	sadd.s32 $0x290, s21;
	[sflag:s14] =	ssyncadd.s32 $0xFFFFC000  }
0x69: {  	[tilespmem:s15], [sflag:$0x2] =	stream.linear.gather [hbm4b:s21+s3], $0x80, $0x38;
	[tilespmem:$0x1C100] =	vst v63  }
0x6a: {  	_ =	swait.ge [sflag:s16], $0x80  }
0x6b: {  	[sflag:s16] =	ssyncset.done $0x0  }
0x6c: {  	[sflag:s16] =	ssyncadd.s32 $0xFFFFFF80  }
0x6d: {  	[spmem:s2] =	stream.indirect.scatter.add.f32 [tilespmem:s17], [sflag:$0x3], $0x80, s3, s15, $0xb8;
	[tilespmem:$0x1C100] =	vst v63  }
0x6e: {  	_ =	swait.ge [sflag:s14], $0x4000  }
0x6f: {  	[sflag:s14] =	ssyncset.done $0x0  }
0x70: {  	[sflag:s14] =	ssyncadd.s32 $0xFFFFC000  }
0x71: {  	_ =	swait.ge [sflag:s18], $0x80  }
0x72: {  	[sflag:s18] =	ssyncset.done $0x0  }
0x73: {  	[sflag:s18] =	ssyncadd.s32 $0xFFFFFF80  }
0x74: {  	[spmem:s2] =	stream.indirect.scatter.add.f32 [tilespmem:s17], [sflag:$0x3], $0x80, s15, s15, $0xb8;
	[tilespmem:$0x1C100] =	vst v63  }
0x75: {  	_ =	swait.ge [sflag:s14], $0x4000  }
0x76: {  	s20 =	sshll.u32 s1, $0x6;
	s19 =	sadd.s32 $0x1, s19;
	[sflag:s14] =	ssyncset.done $0x0  }
0x77: {  	s31 =	sshrl.u32 s5, $0x3;
	p0 =	sne.s32 s19, s8;
	[sflag:s14] =	ssyncadd.s32 $0xFFFFC000  }
.Ltmp3:
0x78: {  	s20 =	sor.u32 $0x1C03, s20;
	[bflag:$0x0] =	sbarrier.arrive $0xFFFF;
	(pc) =	sbr.rel @p0 .LBB2_1-.Ltmp3, $4  }
0x79: {  	[hbm:s7], [sflag:s20] =	dma.local [spmem:s31], $0x2800  }
0x7a: {  	_ =	swait.ge [sflag:s14], $0x2800  }
0x7b: {  	[sflag:s14] =	ssyncset.done $0x0  }
0x7c: {  	[sflag:s14] =	ssyncadd.s32 $0xFFFFD800  }
0x7d: {  	_ =	sfence.sel $0x180000  }
0x7e: {  	[bflag:$0x0] =	sbarrier.arrive $0xFFFF  }
0x7f: {  	p0 =	sne.s32 s1, $0x0;
	_ =	strace $0x90000047  }
0x80: {  	s0 =	sadd.s32 @!p0 $0x100000, s0;
	[bflag:$0x2] =	sbarrier.arrive $0xFFFF  }
0x81: {  	[sflag:s0] =	ssyncadd.tile.s32 @!p0 $0x1;
	_ =	shalt  }
.Lfunc_end2:
_tile_overlayer_lowered:
.L_overlay_start_2:
0x82: {  	(tag) =	ssettag $0x2  }
0x83: {  	s0 =	rddreg [dreg:$0x0];
	s2 =	stileid.u32  }
0x84: {  	s1 =	rddreg [dreg:$0x1];
	p0 =	sne.s32 s2, $0x0  }
0x85: {  	s3 =	rddreg [dreg:$0x2];
	[bflag:$0x3] =	sbarrier.arrive $0xFFFF;
	s2 =	simm.s32 @!p0 $0x1C03  }
0x86: {  	[timem:s3], [sflag:s2] =	dma.local @!p0 [hbm:s0], s1  }
0x87: {  	s0 =	simm.s32 @!p0 $0x3  }
0x88: {  	_ =	swait.ge @!p0 [sflag:s0], s1  }
0x89: {  	s1 =	ssub.s32 @!p0 $0x0, s1;
	[sflag:s0] =	ssyncset.done @!p0 $0x0  }
0x8a: {  	[sflag:s0] =	ssyncadd.s32 @!p0 s1  }
0x8b: {  	[bflag:$0x3] =	sbarrier.arrive $0xFFFF  }
0x8c: {  	_ =	shalt  }

</sc_bundles>
